<compile_context>
chip_gen: v7x
topology: tpu7x:2x2x1
jax: 0.10.2.dev20260603
libtpu: 0.0.44.dev20260713+nightly
codegen_flags: <defaults>
</compile_context>

<pallas_src>
import functools

import jax
import jax.numpy as jnp
from jax import lax
from jax.experimental import pallas as pl
from jax.experimental.pallas import tpu as pltpu
from jax.experimental.pallas import tpu_sc as plsc

_N = 10000
_E = 320000
_D = 128
_DE = 16

_NC = 2
_NS = 16
_NW = _NC * _NS
_PER_W = _E // _NW
_CH = 80
_NIT = _PER_W // _CH
_NHALF = _N // _NC
_ACC_ROWS = 5120
_SROWS = 320
_RCH = 40
_EPT = _E // _NS
_SNIT = _EPT // _CH

_NBLK = 2000
_F32 = jnp.float32


def _rn16(v):
    u = jax.lax.bitcast_convert_type(v, jnp.uint32)
    return (u + jnp.uint32(0x7FFF) + ((u >> 16) & jnp.uint32(1))) >> 16


def _pre_body(x_ref, w_ref, b_ref, t1_ref, t2_ref, p_ref):
    out = jnp.dot(x_ref[...], w_ref[...], preferred_element_type=_F32) + b_ref[...]
    word = _rn16(out[:, :_D]) | (_rn16(out[:, _D:2 * _D]) << 16)
    t1_ref[...] = jax.lax.bitcast_convert_type(word, jnp.int32)
    t2_ref[...] = out[:, 2 * _D : 3 * _D]
    p_ref[...] = out[:, 3 * _D :]


def _precompute(x, wcat, bcat):
    grid = (_N // _NBLK,)
    return pl.pallas_call(
        _pre_body,
        grid=grid,
        in_specs=[
            pl.BlockSpec((_NBLK, _D), lambda i: (i, 0)),
            pl.BlockSpec((_D, 4 * _D), lambda i: (0, 0)),
            pl.BlockSpec((1, 4 * _D), lambda i: (0, 0)),
        ],
        out_specs=[
            pl.BlockSpec((_NBLK, _D), lambda i: (i, 0)),
            pl.BlockSpec((_NBLK, _D), lambda i: (i, 0)),
            pl.BlockSpec((_NBLK, _D), lambda i: (i, 0)),
        ],
        out_shape=[
            jax.ShapeDtypeStruct((_N, _D), jnp.int32),
            jax.ShapeDtypeStruct((_N, _D), _F32),
            jax.ShapeDtypeStruct((_N, _D), _F32),
        ],
    )(x, wcat, bcat)


def _gather_body(t1, t2, row, col, g1, g2, *r):
    cid = lax.axis_index("c")
    sid = lax.axis_index("s")
    base = (sid * _NC + cid) * _PER_W

    sets = []
    for k in range(3):
        b = r[4 * k: 4 * k + 4]
        s = r[12 + 4 * k: 16 + 4 * k]
        sets.append(dict(ir=b[0], ic=b[1], b1=b[2], b2=b[3],
                         sg1=s[0], sg2=s[1], sw1=s[2], sw2=s[3]))
    SA, SB, SC = sets

    def load_idx(S, i):
        off = base + i * _CH
        pltpu.sync_copy(row.at[pl.ds(off, _CH)], S["ir"])
        pltpu.sync_copy(col.at[pl.ds(off, _CH)], S["ic"])

    def start_gather(S):
        pltpu.async_copy(t1.at[S["ir"]], S["b1"], S["sg1"])
        pltpu.async_copy(t2.at[S["ic"]], S["b2"], S["sg2"])

    def wait_gather(S):
        pltpu.make_async_copy(t1.at[S["ir"]], S["b1"], S["sg1"]).wait()
        pltpu.make_async_copy(t2.at[S["ic"]], S["b2"], S["sg2"]).wait()

    def start_writeout(S, i):
        off = base + i * _CH
        pltpu.async_copy(S["b1"], g1.at[pl.ds(off, _CH)], S["sw1"])
        pltpu.async_copy(S["b2"], g2.at[pl.ds(off, _CH)], S["sw2"])

    def wait_writeout(S, i):
        off = base + i * _CH
        pltpu.make_async_copy(S["b1"], g1.at[pl.ds(off, _CH)], S["sw1"]).wait()
        pltpu.make_async_copy(S["b2"], g2.at[pl.ds(off, _CH)], S["sw2"]).wait()

    def steady(i, S0, S1, S2, first=False, do_g=True, do_idx=True):
        if not first:
            wait_writeout(S2, i - 1)
        if do_g:
            start_gather(S2)
        wait_gather(S0)
        start_writeout(S0, i)
        if do_idx:
            load_idx(S0, i + 3)

    load_idx(SA, 0)
    load_idx(SB, 1)
    load_idx(SC, 2)
    start_gather(SA)
    start_gather(SB)
    steady(0, SA, SB, SC, first=True)

    def body(k, carry):
        steady(3 * k + 1, SB, SC, SA)
        steady(3 * k + 2, SC, SA, SB)
        steady(3 * k + 3, SA, SB, SC)
        return carry

    lax.fori_loop(0, (_NIT - 5) // 3, body, 0)
    steady(_NIT - 4, SB, SC, SA)
    steady(_NIT - 3, SC, SA, SB, do_idx=False)
    steady(_NIT - 2, SA, SB, SC, do_g=False, do_idx=False)
    steady(_NIT - 1, SB, SC, SA, do_g=False, do_idx=False)
    wait_writeout(SB, _NIT - 1)


def _gather(t1, t2, row, col):
    mesh = plsc.VectorSubcoreMesh(core_axis_name="c", subcore_axis_name="s")
    fn = functools.partial(
        pl.kernel,
        out_type=[
            jax.ShapeDtypeStruct((_E, _D), jnp.int32),
            jax.ShapeDtypeStruct((_E, _D), _F32),
        ],
        mesh=mesh,
        scratch_types=[
            pltpu.VMEM((_CH,), jnp.int32),
            pltpu.VMEM((_CH,), jnp.int32),
            pltpu.VMEM((_CH, _D), jnp.int32),
            pltpu.VMEM((_CH, _D), _F32),
        ] * 3 + [pltpu.SemaphoreType.DMA] * 12,
    )(_gather_body)
    return fn(t1, t2, row, col)


def _edge_body(g1, g2, ea, w1e, w2, b2r, w3e, ean_ref, m_ref):
    u = jax.lax.bitcast_convert_type(g1[...], jnp.uint32)
    a_part = jax.lax.bitcast_convert_type(u << 16, _F32)
    c_part = jax.lax.bitcast_convert_type(u & jnp.uint32(0xFFFF0000), _F32)
    pre_h = a_part + g2[...] + jnp.dot(
        ea[...], w1e[...], preferred_element_type=_F32)
    h = jnp.maximum(pre_h, 0.0)
    e_new = jnp.dot(h, w2[...], preferred_element_type=_F32) + b2r[...]
    ean_ref[...] = e_new
    m_ref[...] = jnp.maximum(
        c_part + jnp.dot(e_new, w3e[...], preferred_element_type=_F32), 0.0)


def _edge_mlp(g1, g2, ea, w1e, w2, b2r, w3e):
    grid = (_E // _NBLK,)
    return pl.pallas_call(
        _edge_body,
        grid=grid,
        in_specs=[
            pl.BlockSpec((_NBLK, _D), lambda i: (i, 0)),
            pl.BlockSpec((_NBLK, _D), lambda i: (i, 0)),
            pl.BlockSpec((_NBLK, _DE), lambda i: (i, 0)),
            pl.BlockSpec((_DE, _D), lambda i: (0, 0)),
            pl.BlockSpec((_D, _DE), lambda i: (0, 0)),
            pl.BlockSpec((1, _DE), lambda i: (0, 0)),
            pl.BlockSpec((_DE, _D), lambda i: (0, 0)),
        ],
        out_specs=[
            pl.BlockSpec((_NBLK, _DE), lambda i: (i, 0)),
            pl.BlockSpec((_NBLK, _D), lambda i: (i, 0)),
        ],
        out_shape=[
            jax.ShapeDtypeStruct((_E, _DE), _F32),
            jax.ShapeDtypeStruct((_E, _D), _F32),
        ],
    )(g1, g2, ea, w1e, w2, b2r, w3e)


def _scatter_body(m, col, zm, ones, aggm, aggc,
                  ivA, i2A, mbA, ivB, i2B, mbB, onesbuf, zbuf, accm, accc,
                  silA, smlA, samA, sacA, silB, smlB, samB, sacB):
    cid = lax.axis_index("c")
    sid = lax.axis_index("s")
    lo = cid * _NHALF
    rows0 = sid * _SROWS

    pltpu.sync_copy(zm, zbuf)
    pltpu.sync_copy(ones, onesbuf)

    def zero_body(i, carry):
        r = rows0 + i * _RCH
        pltpu.sync_copy(zbuf, accm.at[pl.ds(r, _RCH)])
        pltpu.sync_copy(zbuf, accc.at[pl.ds(r, _RCH)])
        return carry

    lax.fori_loop(0, _SROWS // _RCH, zero_body, 0)
    plsc.subcore_barrier()

    base = sid * _EPT
    trash = _NHALF + sid

    SA = dict(iv=ivA, i2=i2A, mb=mbA, sil=silA, sml=smlA, sam=samA, sac=sacA)
    SB = dict(iv=ivB, i2=i2B, mb=mbB, sil=silB, sml=smlB, sam=samB, sac=sacB)

    def start_loads(S, i):
        off = base + i * _CH
        pltpu.async_copy(col.at[pl.ds(off, _CH)], S["iv"], S["sil"])
        pltpu.async_copy(m.at[pl.ds(off, _CH)], S["mb"], S["sml"])

    def wait_load_idx(S, i):
        off = base + i * _CH
        pltpu.make_async_copy(col.at[pl.ds(off, _CH)], S["iv"], S["sil"]).wait()

    def wait_load_m(S, i):
        off = base + i * _CH
        pltpu.make_async_copy(m.at[pl.ds(off, _CH)], S["mb"], S["sml"]).wait()

    def compute_idx2(S):
        for j in range(_CH // 16):
            v = S["iv"][pl.ds(j * 16, 16)]
            rel = v - lo
            ok = (rel >= 0) & (rel < _NHALF)
            S["i2"][pl.ds(j * 16, 16)] = jnp.where(ok, rel, trash)

    def start_adds(S):
        pltpu.async_copy(S["mb"], accm.at[S["i2"]], S["sam"], add=True)
        pltpu.async_copy(onesbuf, accc.at[S["i2"]], S["sac"], add=True)

    def wait_adds(S):
        pltpu.make_async_copy(S["mb"], accm.at[S["i2"]], S["sam"]).wait()
        pltpu.make_async_copy(onesbuf, accc.at[S["i2"]], S["sac"]).wait()

    def prime(S, i):
        start_loads(S, i)
        wait_load_idx(S, i)
        compute_idx2(S)
        wait_load_m(S, i)
        start_adds(S)

    def steady(i, cur, nxt, first=False, do_next=True):
        if not first:
            wait_adds(nxt)
        if do_next:
            prime(nxt, i + 1)

    prime(SA, 0)
    steady(0, SA, SB, first=True)

    def body(k, carry):
        steady(1 + 2 * k, SB, SA)
        steady(2 + 2 * k, SA, SB)
        return carry

    lax.fori_loop(0, (_SNIT - 2) // 2, body, 0)
    wait_adds(SA)
    wait_adds(SB)
    plsc.subcore_barrier()

    nch = jnp.where(sid == _NS - 1, 5, _SROWS // _RCH)

    def out_body(i, carry):
        r = rows0 + i * _RCH
        pltpu.sync_copy(accm.at[pl.ds(r, _RCH)], zbuf)
        pltpu.sync_copy(zbuf, aggm.at[pl.ds(lo + r, _RCH)])
        pltpu.sync_copy(accc.at[pl.ds(r, _RCH)], zbuf)
        pltpu.sync_copy(zbuf, aggc.at[pl.ds(lo + r, _RCH)])
        return carry

    lax.fori_loop(0, nch, out_body, 0)


def _scatter(m, col, zm, ones):
    mesh = plsc.VectorSubcoreMesh(core_axis_name="c", subcore_axis_name="s")
    fn = functools.partial(
        pl.kernel,
        out_type=[
            jax.ShapeDtypeStruct((_N, _D), _F32),
            jax.ShapeDtypeStruct((_N, _D), _F32),
        ],
        mesh=mesh,
        scratch_types=[
            pltpu.VMEM((_CH,), jnp.int32),
            pltpu.VMEM((_CH,), jnp.int32),
            pltpu.VMEM((_CH, _D), _F32),
            pltpu.VMEM((_CH,), jnp.int32),
            pltpu.VMEM((_CH,), jnp.int32),
            pltpu.VMEM((_CH, _D), _F32),
            pltpu.VMEM((_CH, _D), _F32),
            pltpu.VMEM((_RCH, _D), _F32),
            pltpu.VMEM_SHARED((_ACC_ROWS, _D), _F32),
            pltpu.VMEM_SHARED((_ACC_ROWS, _D), _F32),
        ] + [pltpu.SemaphoreType.DMA] * 8,
    )(_scatter_body)
    return fn(m, col, zm, ones)


def _final_body(p, a, c, w4a, out):
    cnt = c[...][:, :1]
    agg = a[...] / jnp.maximum(cnt, 1.0)
    out[...] = p[...] + jnp.dot(agg, w4a[...], preferred_element_type=_F32)


def _final(p, aggm, aggc, w4a):
    grid = (_N // _NBLK,)
    return pl.pallas_call(
        _final_body,
        grid=grid,
        in_specs=[
            pl.BlockSpec((_NBLK, _D), lambda i: (i, 0)),
            pl.BlockSpec((_NBLK, _D), lambda i: (i, 0)),
            pl.BlockSpec((_NBLK, _D), lambda i: (i, 0)),
            pl.BlockSpec((_D, _D), lambda i: (0, 0)),
        ],
        out_specs=pl.BlockSpec((_NBLK, _D), lambda i: (i, 0)),
        out_shape=jax.ShapeDtypeStruct((_N, _D), _F32),
    )(p, aggm, aggc, w4a)


def kernel(x, edge_index, edge_attr, W1, b1, W2, b2, W3, b3, W4, b4):
    row = edge_index[0].astype(jnp.int32)
    col = edge_index[1].astype(jnp.int32)

    W1s, W1d, W1e = W1[:_D], W1[_D:2 * _D], W1[2 * _D:]
    W3s, W3e = W3[:_D], W3[_D:]
    W4x, W4a = W4[:_D], W4[_D:]
    wcat = jnp.concatenate([W1s, W3s, W1d, W4x], axis=1)
    bcat = jnp.concatenate(
        [b1, b3, jnp.zeros_like(b1), b4])[None, :]

    t1, t2, p = _precompute(x, wcat, bcat)
    g1, g2 = _gather(t1, t2, row, col)
    ean, m = _edge_mlp(g1, g2, edge_attr, W1e, W2, b2[None, :], W3e)

    zm = jnp.zeros((_RCH, _D), _F32)
    ones = jnp.zeros((_CH, _D), _F32).at[:, 0].set(1.0)
    aggm, aggc = _scatter(m, col, zm, ones)

    x_new = _final(p, aggm, aggc, W4a)
    return (x_new, ean)

# --- scband reference (transcript-rebuilt; emitter-appended) ---
"""Pipeline reference for scband-meta-layer-2199023255660 (READ-ONLY COPY).

The authoritative reference and input builder live on the scoring server;
editing this copy changes nothing except your own understanding.
"""

import jax, jax.numpy as jnp
import numpy as np

N = 10000
E = 320000
D = 128
DE = 16
H = 128


def setup_inputs(seed: int = 0) -> dict:
    key = jax.random.key(seed)
    ks = jax.random.split(key, 12)
    x = jax.random.normal(ks[0], (N, D), dtype=jnp.float32)
    edge_index = jax.random.randint(ks[1], (2, E), 0, N)
    edge_attr = jax.random.normal(ks[2], (E, DE), dtype=jnp.float32)
    # Edge model MLP: Lin(2*D+DE -> H) -> ReLU -> Lin(H -> DE)
    W1 = jax.random.normal(ks[3], (2 * D + DE, H), dtype=jnp.float32) / np.sqrt(2 * D + DE)
    b1 = jnp.zeros((H,), dtype=jnp.float32)
    W2 = jax.random.normal(ks[4], (H, DE), dtype=jnp.float32) / np.sqrt(H)
    b2 = jnp.zeros((DE,), dtype=jnp.float32)
    # Node model MLP1: Lin(D+DE -> H) -> ReLU; scatter-mean by dst; MLP2: Lin(D+H -> D)
    W3 = jax.random.normal(ks[5], (D + DE, H), dtype=jnp.float32) / np.sqrt(D + DE)
    b3 = jnp.zeros((H,), dtype=jnp.float32)
    W4 = jax.random.normal(ks[6], (D + H, D), dtype=jnp.float32) / np.sqrt(D + H)
    b4 = jnp.zeros((D,), dtype=jnp.float32)
    return {"x": x, "edge_index": edge_index, "edge_attr": edge_attr,
            "W1": W1, "b1": b1, "W2": W2, "b2": b2,
            "W3": W3, "b3": b3, "W4": W4, "b4": b4}


def reference(x, edge_index, edge_attr, W1, b1, W2, b2, W3, b3, W4, b4):
    row = edge_index[0]
    col = edge_index[1]
    # edge_model(x[row], x[col], edge_attr)
    src = jnp.take(x, row, axis=0)
    dst = jnp.take(x, col, axis=0)
    e_in = jnp.concatenate([src, dst, edge_attr], axis=1)
    h = jax.nn.relu(e_in @ W1 + b1)
    edge_attr_new = h @ W2 + b2
    # node_model(x, edge_index, edge_attr_new): PyG-style NodeModel
    m_in = jnp.concatenate([src, edge_attr_new], axis=1)
    m = jax.nn.relu(m_in @ W3 + b3)
    agg_sum = jax.ops.segment_sum(m, col, num_segments=N)
    cnt = jax.ops.segment_sum(jnp.ones((E, 1), dtype=jnp.float32), col, num_segments=N)
    agg = agg_sum / jnp.maximum(cnt, 1.0)
    x_new = jnp.concatenate([x, agg], axis=1) @ W4 + b4
    return (x_new, edge_attr_new)

if __name__ == "__main__":
    import jax
    _d = setup_inputs()
    print(jax.jit(kernel)(*tuple(_d.values())))

</pallas_src>

<mosaic_0001>
#map = affine_map<(d0, d1) -> (0, 0)>
#map1 = affine_map<(d0, d1) -> (0)>
module attributes {stable_mosaic.version = 14 : i64} {
  func.func @_scatter_body(%arg0: i32, %arg1: i32, %arg2: memref<320000x128xf32, #tpu.memory_space<hbm>>, %arg3: memref<320000xi32, #tpu.memory_space<hbm>>, %arg4: memref<40x128xf32, #tpu.memory_space<hbm>>, %arg5: memref<80x128xf32, #tpu.memory_space<hbm>>, %arg6: memref<10000x128xf32, #tpu.memory_space<hbm>>, %arg7: memref<10000x128xf32, #tpu.memory_space<hbm>>, %arg8: memref<80xi32, #tpu.memory_space<vmem>>, %arg9: memref<80xi32, #tpu.memory_space<vmem>>, %arg10: memref<80x128xf32, #tpu.memory_space<vmem>>, %arg11: memref<80xi32, #tpu.memory_space<vmem>>, %arg12: memref<80xi32, #tpu.memory_space<vmem>>, %arg13: memref<80x128xf32, #tpu.memory_space<vmem>>, %arg14: memref<80x128xf32, #tpu.memory_space<vmem>>, %arg15: memref<40x128xf32, #tpu.memory_space<vmem>>, %arg16: memref<5120x128xf32, #tpu.memory_space<vmem_shared>>, %arg17: memref<5120x128xf32, #tpu.memory_space<vmem_shared>>, %arg18: memref<!tpu.dma_semaphore, #tpu.memory_space<semaphore_mem>>, %arg19: memref<!tpu.dma_semaphore, #tpu.memory_space<semaphore_mem>>, %arg20: memref<!tpu.dma_semaphore, #tpu.memory_space<semaphore_mem>>, %arg21: memref<!tpu.dma_semaphore, #tpu.memory_space<semaphore_mem>>, %arg22: memref<!tpu.dma_semaphore, #tpu.memory_space<semaphore_mem>>, %arg23: memref<!tpu.dma_semaphore, #tpu.memory_space<semaphore_mem>>, %arg24: memref<!tpu.dma_semaphore, #tpu.memory_space<semaphore_mem>>, %arg25: memref<!tpu.dma_semaphore, #tpu.memory_space<semaphore_mem>>) attributes {dimension_semantics = [#tpu.dimension_semantics<core_parallel>, #tpu.dimension_semantics<subcore_parallel>], iteration_bounds = array<i64: 2, 16>, scalar_prefetch = 0 : i64, scratch_operands = 18 : i64, tpu.core_type = #tpu.core_type<sc_vector_subcore>, window_params = [{transform_indices = #map}, {transform_indices = #map1}, {transform_indices = #map}, {transform_indices = #map}, {transform_indices = #map}, {transform_indices = #map}]} {
    %mul3A = arith.constant 5000 : i32
    %mul3A_0 = arith.muli %arg0, %mul3A : i32
    %mul3A_1 = arith.constant 320 : i32
    %mul3A_2 = arith.muli %arg1, %mul3A_1 : i32
    "tpu.region"() ({
      %run_scoped3A = tpu.sem_alloc : memref<!tpu.dma_semaphore, #tpu.memory_space<semaphore_mem>>
      tpu.enqueue_dma source(%arg4 : memref<40x128xf32, #tpu.memory_space<hbm>>) target(%arg15 : memref<40x128xf32, #tpu.memory_space<vmem>>) target_semaphore(%run_scoped3A : memref<!tpu.dma_semaphore, #tpu.memory_space<semaphore_mem>>)
      tpu.wait_dma2 semaphore(%run_scoped3A : memref<!tpu.dma_semaphore, #tpu.memory_space<semaphore_mem>>) src(%arg4 : memref<40x128xf32, #tpu.memory_space<hbm>>) dst(%arg15 : memref<40x128xf32, #tpu.memory_space<vmem>>)
      tpu.yield
    }) : () -> ()
    "tpu.region"() ({
      %run_scoped3A = tpu.sem_alloc : memref<!tpu.dma_semaphore, #tpu.memory_space<semaphore_mem>>
      tpu.enqueue_dma source(%arg5 : memref<80x128xf32, #tpu.memory_space<hbm>>) target(%arg14 : memref<80x128xf32, #tpu.memory_space<vmem>>) target_semaphore(%run_scoped3A : memref<!tpu.dma_semaphore, #tpu.memory_space<semaphore_mem>>)
      tpu.wait_dma2 semaphore(%run_scoped3A : memref<!tpu.dma_semaphore, #tpu.memory_space<semaphore_mem>>) src(%arg5 : memref<80x128xf32, #tpu.memory_space<hbm>>) dst(%arg14 : memref<80x128xf32, #tpu.memory_space<vmem>>)
      tpu.yield
    }) : () -> ()
    %scan3A = arith.constant 0 : i32
    %scan3A_3 = arith.constant 0 : i32
    %scan3A_4 = arith.constant 8 : i32
    %scan3A_5 = arith.addi %scan3A_3, %scan3A_4 : i32
    %scan3A_6 = arith.constant 1 : i32
    scf.for %scan3A_260 = %scan3A_3 to %scan3A_5 step %scan3A_6  : i32 {
      %mul3A_261 = arith.constant 40 : i32
      %mul3A_262 = arith.muli %scan3A_260, %mul3A_261 : i32
      %add3A_263 = arith.addi %mul3A_2, %mul3A_262 : i32
      "tpu.region"() ({
        %run_scoped3A = tpu.sem_alloc : memref<!tpu.dma_semaphore, #tpu.memory_space<semaphore_mem>>
        %dma_start3A_264 = arith.constant 0 : i32
        %dma_start3A_265 = tpu.memref_slice %arg16[%add3A_263, %dma_start3A_264] : memref<5120x128xf32, #tpu.memory_space<vmem_shared>> -> memref<40x128xf32, #tpu.memory_space<vmem_shared>>
        %dma_start3A_266 = arith.constant 0 : i32
        %dma_start3A_267 = tpu.memref_slice %arg16[%add3A_263, %dma_start3A_266] : memref<5120x128xf32, #tpu.memory_space<vmem_shared>> -> memref<40x128xf32, #tpu.memory_space<vmem_shared>>
        tpu.enqueue_dma source(%arg15 : memref<40x128xf32, #tpu.memory_space<vmem>>) target(%dma_start3A_267 : memref<40x128xf32, #tpu.memory_space<vmem_shared>>) target_semaphore(%run_scoped3A : memref<!tpu.dma_semaphore, #tpu.memory_space<semaphore_mem>>)
        %dma_wait3A_268 = arith.constant 0 : i32
        %dma_wait3A_269 = tpu.memref_slice %arg16[%add3A_263, %dma_wait3A_268] : memref<5120x128xf32, #tpu.memory_space<vmem_shared>> -> memref<40x128xf32, #tpu.memory_space<vmem_shared>>
        %dma_wait3A_270 = arith.constant 0 : i32
        %dma_wait3A_271 = tpu.memref_slice %arg16[%add3A_263, %dma_wait3A_270] : memref<5120x128xf32, #tpu.memory_space<vmem_shared>> -> memref<40x128xf32, #tpu.memory_space<vmem_shared>>
        tpu.wait_dma2 semaphore(%run_scoped3A : memref<!tpu.dma_semaphore, #tpu.memory_space<semaphore_mem>>) src(%arg15 : memref<40x128xf32, #tpu.memory_space<vmem>>) dst(%dma_wait3A_271 : memref<40x128xf32, #tpu.memory_space<vmem_shared>>)
        tpu.yield
      }) : () -> ()
      "tpu.region"() ({
        %run_scoped3A = tpu.sem_alloc : memref<!tpu.dma_semaphore, #tpu.memory_space<semaphore_mem>>
        %dma_start3A_264 = arith.constant 0 : i32
        %dma_start3A_265 = tpu.memref_slice %arg17[%add3A_263, %dma_start3A_264] : memref<5120x128xf32, #tpu.memory_space<vmem_shared>> -> memref<40x128xf32, #tpu.memory_space<vmem_shared>>
        %dma_start3A_266 = arith.constant 0 : i32
        %dma_start3A_267 = tpu.memref_slice %arg17[%add3A_263, %dma_start3A_266] : memref<5120x128xf32, #tpu.memory_space<vmem_shared>> -> memref<40x128xf32, #tpu.memory_space<vmem_shared>>
        tpu.enqueue_dma source(%arg15 : memref<40x128xf32, #tpu.memory_space<vmem>>) target(%dma_start3A_267 : memref<40x128xf32, #tpu.memory_space<vmem_shared>>) target_semaphore(%run_scoped3A : memref<!tpu.dma_semaphore, #tpu.memory_space<semaphore_mem>>)
        %dma_wait3A_268 = arith.constant 0 : i32
        %dma_wait3A_269 = tpu.memref_slice %arg17[%add3A_263, %dma_wait3A_268] : memref<5120x128xf32, #tpu.memory_space<vmem_shared>> -> memref<40x128xf32, #tpu.memory_space<vmem_shared>>
        %dma_wait3A_270 = arith.constant 0 : i32
        %dma_wait3A_271 = tpu.memref_slice %arg17[%add3A_263, %dma_wait3A_270] : memref<5120x128xf32, #tpu.memory_space<vmem_shared>> -> memref<40x128xf32, #tpu.memory_space<vmem_shared>>
        tpu.wait_dma2 semaphore(%run_scoped3A : memref<!tpu.dma_semaphore, #tpu.memory_space<semaphore_mem>>) src(%arg15 : memref<40x128xf32, #tpu.memory_space<vmem>>) dst(%dma_wait3A_271 : memref<40x128xf32, #tpu.memory_space<vmem_shared>>)
        tpu.yield
      }) : () -> ()
    }
    %scan3A_7 = arith.constant 8 : i32
    %barrier3A = arith.constant 0 : index
    tpu.barrier barrier_id(%barrier3A)
    %mul3A_8 = arith.constant 20000 : i32
    %mul3A_9 = arith.muli %arg1, %mul3A_8 : i32
    %add3A = arith.constant 5000 : i32
    %add3A_10 = arith.addi %add3A, %arg1 : i32
    %add3A_11 = arith.constant 0 : i32
    %add3A_12 = arith.addi %mul3A_9, %add3A_11 : i32
    %dma_start3A = tpu.memref_slice %arg3[%add3A_12] : memref<320000xi32, #tpu.memory_space<hbm>> -> memref<80xi32, #tpu.memory_space<hbm>>
    %dma_start3A_13 = tpu.memref_slice %arg3[%add3A_12] : memref<320000xi32, #tpu.memory_space<hbm>> -> memref<80xi32, #tpu.memory_space<hbm>>
    tpu.enqueue_dma source(%dma_start3A_13 : memref<80xi32, #tpu.memory_space<hbm>>) target(%arg8 : memref<80xi32, #tpu.memory_space<vmem>>) target_semaphore(%arg18 : memref<!tpu.dma_semaphore, #tpu.memory_space<semaphore_mem>>)
    %dma_start3A_14 = arith.constant 0 : i32
    %dma_start3A_15 = tpu.memref_slice %arg2[%add3A_12, %dma_start3A_14] : memref<320000x128xf32, #tpu.memory_space<hbm>> -> memref<80x128xf32, #tpu.memory_space<hbm>>
    %dma_start3A_16 = arith.constant 0 : i32
    %dma_start3A_17 = tpu.memref_slice %arg2[%add3A_12, %dma_start3A_16] : memref<320000x128xf32, #tpu.memory_space<hbm>> -> memref<80x128xf32, #tpu.memory_space<hbm>>
    tpu.enqueue_dma source(%dma_start3A_17 : memref<80x128xf32, #tpu.memory_space<hbm>>) target(%arg10 : memref<80x128xf32, #tpu.memory_space<vmem>>) target_semaphore(%arg19 : memref<!tpu.dma_semaphore, #tpu.memory_space<semaphore_mem>>)
    %add3A_18 = arith.constant 0 : i32
    %add3A_19 = arith.addi %mul3A_9, %add3A_18 : i32
    %dma_wait3A = tpu.memref_slice %arg3[%add3A_19] : memref<320000xi32, #tpu.memory_space<hbm>> -> memref<80xi32, #tpu.memory_space<hbm>>
    %dma_wait3A_20 = tpu.memref_slice %arg3[%add3A_19] : memref<320000xi32, #tpu.memory_space<hbm>> -> memref<80xi32, #tpu.memory_space<hbm>>
    tpu.wait_dma2 semaphore(%arg18 : memref<!tpu.dma_semaphore, #tpu.memory_space<semaphore_mem>>) src(%dma_wait3A_20 : memref<80xi32, #tpu.memory_space<hbm>>) dst(%arg8 : memref<80xi32, #tpu.memory_space<vmem>>)
    %get3A = arith.constant 0 : index
    %get3A_21 = tpu.vector_load %arg8[%get3A] {strides = array<i32>} : memref<80xi32, #tpu.memory_space<vmem>>, vector<16xi32>,
    %get3A_22 = vector.shape_cast %get3A_21 : vector<16xi32> to vector<16xi32>
    %sub3A = vector.broadcast %mul3A_0 : i32 to vector<16xi32>
    %sub3A_23 = arith.subi %get3A_22, %sub3A : vector<16xi32>
    %ge3A = arith.constant 0 : i32
    %ge3A_24 = vector.broadcast %ge3A : i32 to vector<16xi32>
    %ge3A_25 = arith.cmpi sge, %sub3A_23, %ge3A_24 : vector<16xi32>
    %lt3A = arith.constant 5000 : i32
    %lt3A_26 = vector.broadcast %lt3A : i32 to vector<16xi32>
    %lt3A_27 = arith.cmpi slt, %sub3A_23, %lt3A_26 : vector<16xi32>
    %and3A = arith.andi %ge3A_25, %lt3A_27 : vector<16xi1>
    %broadcast_in_dim3A = vector.broadcast %add3A_10 : i32 to vector<16xi32>
    %select_n3A = arith.select %and3A, %sub3A_23, %broadcast_in_dim3A : vector<16xi1>, vector<16xi32>
    %swap3A = arith.constant 0 : index
    %swap3A_28 = tpu.vector_load %arg9[%swap3A] {strides = array<i32>} : memref<80xi32, #tpu.memory_space<vmem>>, vector<16xi32>,
    %swap3A_29 = vector.shape_cast %swap3A_28 : vector<16xi32> to vector<16xi32>
    %swap3A_30 = vector.shape_cast %select_n3A : vector<16xi32> to vector<16xi32>
    tpu.vector_store %arg9[%swap3A], %swap3A_30 {strides = array<i32>} : memref<80xi32, #tpu.memory_space<vmem>>, vector<16xi32>,
    %get3A_31 = arith.constant 16 : index
    %get3A_32 = tpu.vector_load %arg8[%get3A_31] {strides = array<i32>} : memref<80xi32, #tpu.memory_space<vmem>>, vector<16xi32>,
    %get3A_33 = vector.shape_cast %get3A_32 : vector<16xi32> to vector<16xi32>
    %sub3A_34 = vector.broadcast %mul3A_0 : i32 to vector<16xi32>
    %sub3A_35 = arith.subi %get3A_33, %sub3A_34 : vector<16xi32>
    %ge3A_36 = arith.constant 0 : i32
    %ge3A_37 = vector.broadcast %ge3A_36 : i32 to vector<16xi32>
    %ge3A_38 = arith.cmpi sge, %sub3A_35, %ge3A_37 : vector<16xi32>
    %lt3A_39 = arith.constant 5000 : i32
    %lt3A_40 = vector.broadcast %lt3A_39 : i32 to vector<16xi32>
    %lt3A_41 = arith.cmpi slt, %sub3A_35, %lt3A_40 : vector<16xi32>
    %and3A_42 = arith.andi %ge3A_38, %lt3A_41 : vector<16xi1>
    %broadcast_in_dim3A_43 = vector.broadcast %add3A_10 : i32 to vector<16xi32>
    %select_n3A_44 = arith.select %and3A_42, %sub3A_35, %broadcast_in_dim3A_43 : vector<16xi1>, vector<16xi32>
    %swap3A_45 = arith.constant 16 : index
    %swap3A_46 = tpu.vector_load %arg9[%swap3A_45] {strides = array<i32>} : memref<80xi32, #tpu.memory_space<vmem>>, vector<16xi32>,
    %swap3A_47 = vector.shape_cast %swap3A_46 : vector<16xi32> to vector<16xi32>
    %swap3A_48 = vector.shape_cast %select_n3A_44 : vector<16xi32> to vector<16xi32>
    tpu.vector_store %arg9[%swap3A_45], %swap3A_48 {strides = array<i32>} : memref<80xi32, #tpu.memory_space<vmem>>, vector<16xi32>,
    %get3A_49 = arith.constant 32 : index
    %get3A_50 = tpu.vector_load %arg8[%get3A_49] {strides = array<i32>} : memref<80xi32, #tpu.memory_space<vmem>>, vector<16xi32>,
    %get3A_51 = vector.shape_cast %get3A_50 : vector<16xi32> to vector<16xi32>
    %sub3A_52 = vector.broadcast %mul3A_0 : i32 to vector<16xi32>
    %sub3A_53 = arith.subi %get3A_51, %sub3A_52 : vector<16xi32>
    %ge3A_54 = arith.constant 0 : i32
    %ge3A_55 = vector.broadcast %ge3A_54 : i32 to vector<16xi32>
    %ge3A_56 = arith.cmpi sge, %sub3A_53, %ge3A_55 : vector<16xi32>
    %lt3A_57 = arith.constant 5000 : i32
    %lt3A_58 = vector.broadcast %lt3A_57 : i32 to vector<16xi32>
    %lt3A_59 = arith.cmpi slt, %sub3A_53, %lt3A_58 : vector<16xi32>
    %and3A_60 = arith.andi %ge3A_56, %lt3A_59 : vector<16xi1>
    %broadcast_in_dim3A_61 = vector.broadcast %add3A_10 : i32 to vector<16xi32>
    %select_n3A_62 = arith.select %and3A_60, %sub3A_53, %broadcast_in_dim3A_61 : vector<16xi1>, vector<16xi32>
    %swap3A_63 = arith.constant 32 : index
    %swap3A_64 = tpu.vector_load %arg9[%swap3A_63] {strides = array<i32>} : memref<80xi32, #tpu.memory_space<vmem>>, vector<16xi32>,
    %swap3A_65 = vector.shape_cast %swap3A_64 : vector<16xi32> to vector<16xi32>
    %swap3A_66 = vector.shape_cast %select_n3A_62 : vector<16xi32> to vector<16xi32>
    tpu.vector_store %arg9[%swap3A_63], %swap3A_66 {strides = array<i32>} : memref<80xi32, #tpu.memory_space<vmem>>, vector<16xi32>,
    %get3A_67 = arith.constant 48 : index
    %get3A_68 = tpu.vector_load %arg8[%get3A_67] {strides = array<i32>} : memref<80xi32, #tpu.memory_space<vmem>>, vector<16xi32>,
    %get3A_69 = vector.shape_cast %get3A_68 : vector<16xi32> to vector<16xi32>
    %sub3A_70 = vector.broadcast %mul3A_0 : i32 to vector<16xi32>
    %sub3A_71 = arith.subi %get3A_69, %sub3A_70 : vector<16xi32>
    %ge3A_72 = arith.constant 0 : i32
    %ge3A_73 = vector.broadcast %ge3A_72 : i32 to vector<16xi32>
    %ge3A_74 = arith.cmpi sge, %sub3A_71, %ge3A_73 : vector<16xi32>
    %lt3A_75 = arith.constant 5000 : i32
    %lt3A_76 = vector.broadcast %lt3A_75 : i32 to vector<16xi32>
    %lt3A_77 = arith.cmpi slt, %sub3A_71, %lt3A_76 : vector<16xi32>
    %and3A_78 = arith.andi %ge3A_74, %lt3A_77 : vector<16xi1>
    %broadcast_in_dim3A_79 = vector.broadcast %add3A_10 : i32 to vector<16xi32>
    %select_n3A_80 = arith.select %and3A_78, %sub3A_71, %broadcast_in_dim3A_79 : vector<16xi1>, vector<16xi32>
    %swap3A_81 = arith.constant 48 : index
    %swap3A_82 = tpu.vector_load %arg9[%swap3A_81] {strides = array<i32>} : memref<80xi32, #tpu.memory_space<vmem>>, vector<16xi32>,
    %swap3A_83 = vector.shape_cast %swap3A_82 : vector<16xi32> to vector<16xi32>
    %swap3A_84 = vector.shape_cast %select_n3A_80 : vector<16xi32> to vector<16xi32>
    tpu.vector_store %arg9[%swap3A_81], %swap3A_84 {strides = array<i32>} : memref<80xi32, #tpu.memory_space<vmem>>, vector<16xi32>,
    %get3A_85 = arith.constant 64 : index
    %get3A_86 = tpu.vector_load %arg8[%get3A_85] {strides = array<i32>} : memref<80xi32, #tpu.memory_space<vmem>>, vector<16xi32>,
    %get3A_87 = vector.shape_cast %get3A_86 : vector<16xi32> to vector<16xi32>
    %sub3A_88 = vector.broadcast %mul3A_0 : i32 to vector<16xi32>
    %sub3A_89 = arith.subi %get3A_87, %sub3A_88 : vector<16xi32>
    %ge3A_90 = arith.constant 0 : i32
    %ge3A_91 = vector.broadcast %ge3A_90 : i32 to vector<16xi32>
    %ge3A_92 = arith.cmpi sge, %sub3A_89, %ge3A_91 : vector<16xi32>
    %lt3A_93 = arith.constant 5000 : i32
    %lt3A_94 = vector.broadcast %lt3A_93 : i32 to vector<16xi32>
    %lt3A_95 = arith.cmpi slt, %sub3A_89, %lt3A_94 : vector<16xi32>
    %and3A_96 = arith.andi %ge3A_92, %lt3A_95 : vector<16xi1>
    %broadcast_in_dim3A_97 = vector.broadcast %add3A_10 : i32 to vector<16xi32>
    %select_n3A_98 = arith.select %and3A_96, %sub3A_89, %broadcast_in_dim3A_97 : vector<16xi1>, vector<16xi32>
    %swap3A_99 = arith.constant 64 : index
    %swap3A_100 = tpu.vector_load %arg9[%swap3A_99] {strides = array<i32>} : memref<80xi32, #tpu.memory_space<vmem>>, vector<16xi32>,
    %swap3A_101 = vector.shape_cast %swap3A_100 : vector<16xi32> to vector<16xi32>
    %swap3A_102 = vector.shape_cast %select_n3A_98 : vector<16xi32> to vector<16xi32>
    tpu.vector_store %arg9[%swap3A_99], %swap3A_102 {strides = array<i32>} : memref<80xi32, #tpu.memory_space<vmem>>, vector<16xi32>,
    %add3A_103 = arith.constant 0 : i32
    %add3A_104 = arith.addi %mul3A_9, %add3A_103 : i32
    %dma_wait3A_105 = arith.constant 0 : i32
    %dma_wait3A_106 = tpu.memref_slice %arg2[%add3A_104, %dma_wait3A_105] : memref<320000x128xf32, #tpu.memory_space<hbm>> -> memref<80x128xf32, #tpu.memory_space<hbm>>
    %dma_wait3A_107 = arith.constant 0 : i32
    %dma_wait3A_108 = tpu.memref_slice %arg2[%add3A_104, %dma_wait3A_107] : memref<320000x128xf32, #tpu.memory_space<hbm>> -> memref<80x128xf32, #tpu.memory_space<hbm>>
    tpu.wait_dma2 semaphore(%arg19 : memref<!tpu.dma_semaphore, #tpu.memory_space<semaphore_mem>>) src(%dma_wait3A_108 : memref<80x128xf32, #tpu.memory_space<hbm>>) dst(%arg10 : memref<80x128xf32, #tpu.memory_space<vmem>>)
    %dma_start3A_109 = arith.constant 0 : i32
    %dma_start3A_110 = arith.constant 0 : i32
    %dma_start3A_111 = tpu.memref_slice %arg16[%dma_start3A_109, %dma_start3A_110] : memref<5120x128xf32, #tpu.memory_space<vmem_shared>> -> memref<5120x128xf32, #tpu.memory_space<vmem_shared>>
    tpu.enqueue_indirect_dma source(%arg10 : memref<80x128xf32, #tpu.memory_space<vmem>>) target(%dma_start3A_111 : memref<5120x128xf32, #tpu.memory_space<vmem_shared>>) offsets(%arg9 : memref<80xi32, #tpu.memory_space<vmem>>) semaphore(%arg20 : memref<!tpu.dma_semaphore, #tpu.memory_space<semaphore_mem>>) {add = true}
    %dma_start3A_112 = arith.constant 0 : i32
    %dma_start3A_113 = arith.constant 0 : i32
    %dma_start3A_114 = tpu.memref_slice %arg17[%dma_start3A_112, %dma_start3A_113] : memref<5120x128xf32, #tpu.memory_space<vmem_shared>> -> memref<5120x128xf32, #tpu.memory_space<vmem_shared>>
    tpu.enqueue_indirect_dma source(%arg14 : memref<80x128xf32, #tpu.memory_space<vmem>>) target(%dma_start3A_114 : memref<5120x128xf32, #tpu.memory_space<vmem_shared>>) offsets(%arg9 : memref<80xi32, #tpu.memory_space<vmem>>) semaphore(%arg21 : memref<!tpu.dma_semaphore, #tpu.memory_space<semaphore_mem>>) {add = true}
    %add3A_115 = arith.constant 80 : i32
    %add3A_116 = arith.addi %mul3A_9, %add3A_115 : i32
    %dma_start3A_117 = tpu.memref_slice %arg3[%add3A_116] : memref<320000xi32, #tpu.memory_space<hbm>> -> memref<80xi32, #tpu.memory_space<hbm>>
    %dma_start3A_118 = tpu.memref_slice %arg3[%add3A_116] : memref<320000xi32, #tpu.memory_space<hbm>> -> memref<80xi32, #tpu.memory_space<hbm>>
    tpu.enqueue_dma source(%dma_start3A_118 : memref<80xi32, #tpu.memory_space<hbm>>) target(%arg11 : memref<80xi32, #tpu.memory_space<vmem>>) target_semaphore(%arg22 : memref<!tpu.dma_semaphore, #tpu.memory_space<semaphore_mem>>)
    %dma_start3A_119 = arith.constant 0 : i32
    %dma_start3A_120 = tpu.memref_slice %arg2[%add3A_116, %dma_start3A_119] : memref<320000x128xf32, #tpu.memory_space<hbm>> -> memref<80x128xf32, #tpu.memory_space<hbm>>
    %dma_start3A_121 = arith.constant 0 : i32
    %dma_start3A_122 = tpu.memref_slice %arg2[%add3A_116, %dma_start3A_121] : memref<320000x128xf32, #tpu.memory_space<hbm>> -> memref<80x128xf32, #tpu.memory_space<hbm>>
    tpu.enqueue_dma source(%dma_start3A_122 : memref<80x128xf32, #tpu.memory_space<hbm>>) target(%arg13 : memref<80x128xf32, #tpu.memory_space<vmem>>) target_semaphore(%arg23 : memref<!tpu.dma_semaphore, #tpu.memory_space<semaphore_mem>>)
    %add3A_123 = arith.constant 80 : i32
    %add3A_124 = arith.addi %mul3A_9, %add3A_123 : i32
    %dma_wait3A_125 = tpu.memref_slice %arg3[%add3A_124] : memref<320000xi32, #tpu.memory_space<hbm>> -> memref<80xi32, #tpu.memory_space<hbm>>
    %dma_wait3A_126 = tpu.memref_slice %arg3[%add3A_124] : memref<320000xi32, #tpu.memory_space<hbm>> -> memref<80xi32, #tpu.memory_space<hbm>>
    tpu.wait_dma2 semaphore(%arg22 : memref<!tpu.dma_semaphore, #tpu.memory_space<semaphore_mem>>) src(%dma_wait3A_126 : memref<80xi32, #tpu.memory_space<hbm>>) dst(%arg11 : memref<80xi32, #tpu.memory_space<vmem>>)
    %get3A_127 = arith.constant 0 : index
    %get3A_128 = tpu.vector_load %arg11[%get3A_127] {strides = array<i32>} : memref<80xi32, #tpu.memory_space<vmem>>, vector<16xi32>,
    %get3A_129 = vector.shape_cast %get3A_128 : vector<16xi32> to vector<16xi32>
    %sub3A_130 = vector.broadcast %mul3A_0 : i32 to vector<16xi32>
    %sub3A_131 = arith.subi %get3A_129, %sub3A_130 : vector<16xi32>
    %ge3A_132 = arith.constant 0 : i32
    %ge3A_133 = vector.broadcast %ge3A_132 : i32 to vector<16xi32>
    %ge3A_134 = arith.cmpi sge, %sub3A_131, %ge3A_133 : vector<16xi32>
    %lt3A_135 = arith.constant 5000 : i32
    %lt3A_136 = vector.broadcast %lt3A_135 : i32 to vector<16xi32>
    %lt3A_137 = arith.cmpi slt, %sub3A_131, %lt3A_136 : vector<16xi32>
    %and3A_138 = arith.andi %ge3A_134, %lt3A_137 : vector<16xi1>
    %broadcast_in_dim3A_139 = vector.broadcast %add3A_10 : i32 to vector<16xi32>
    %select_n3A_140 = arith.select %and3A_138, %sub3A_131, %broadcast_in_dim3A_139 : vector<16xi1>, vector<16xi32>
    %swap3A_141 = arith.constant 0 : index
    %swap3A_142 = tpu.vector_load %arg12[%swap3A_141] {strides = array<i32>} : memref<80xi32, #tpu.memory_space<vmem>>, vector<16xi32>,
    %swap3A_143 = vector.shape_cast %swap3A_142 : vector<16xi32> to vector<16xi32>
    %swap3A_144 = vector.shape_cast %select_n3A_140 : vector<16xi32> to vector<16xi32>
    tpu.vector_store %arg12[%swap3A_141], %swap3A_144 {strides = array<i32>} : memref<80xi32, #tpu.memory_space<vmem>>, vector<16xi32>,
    %get3A_145 = arith.constant 16 : index
    %get3A_146 = tpu.vector_load %arg11[%get3A_145] {strides = array<i32>} : memref<80xi32, #tpu.memory_space<vmem>>, vector<16xi32>,
    %get3A_147 = vector.shape_cast %get3A_146 : vector<16xi32> to vector<16xi32>
    %sub3A_148 = vector.broadcast %mul3A_0 : i32 to vector<16xi32>
    %sub3A_149 = arith.subi %get3A_147, %sub3A_148 : vector<16xi32>
    %ge3A_150 = arith.constant 0 : i32
    %ge3A_151 = vector.broadcast %ge3A_150 : i32 to vector<16xi32>
    %ge3A_152 = arith.cmpi sge, %sub3A_149, %ge3A_151 : vector<16xi32>
    %lt3A_153 = arith.constant 5000 : i32
    %lt3A_154 = vector.broadcast %lt3A_153 : i32 to vector<16xi32>
    %lt3A_155 = arith.cmpi slt, %sub3A_149, %lt3A_154 : vector<16xi32>
    %and3A_156 = arith.andi %ge3A_152, %lt3A_155 : vector<16xi1>
    %broadcast_in_dim3A_157 = vector.broadcast %add3A_10 : i32 to vector<16xi32>
    %select_n3A_158 = arith.select %and3A_156, %sub3A_149, %broadcast_in_dim3A_157 : vector<16xi1>, vector<16xi32>
    %swap3A_159 = arith.constant 16 : index
    %swap3A_160 = tpu.vector_load %arg12[%swap3A_159] {strides = array<i32>} : memref<80xi32, #tpu.memory_space<vmem>>, vector<16xi32>,
    %swap3A_161 = vector.shape_cast %swap3A_160 : vector<16xi32> to vector<16xi32>
    %swap3A_162 = vector.shape_cast %select_n3A_158 : vector<16xi32> to vector<16xi32>
    tpu.vector_store %arg12[%swap3A_159], %swap3A_162 {strides = array<i32>} : memref<80xi32, #tpu.memory_space<vmem>>, vector<16xi32>,
    %get3A_163 = arith.constant 32 : index
    %get3A_164 = tpu.vector_load %arg11[%get3A_163] {strides = array<i32>} : memref<80xi32, #tpu.memory_space<vmem>>, vector<16xi32>,
    %get3A_165 = vector.shape_cast %get3A_164 : vector<16xi32> to vector<16xi32>
    %sub3A_166 = vector.broadcast %mul3A_0 : i32 to vector<16xi32>
    %sub3A_167 = arith.subi %get3A_165, %sub3A_166 : vector<16xi32>
    %ge3A_168 = arith.constant 0 : i32
    %ge3A_169 = vector.broadcast %ge3A_168 : i32 to vector<16xi32>
    %ge3A_170 = arith.cmpi sge, %sub3A_167, %ge3A_169 : vector<16xi32>
    %lt3A_171 = arith.constant 5000 : i32
    %lt3A_172 = vector.broadcast %lt3A_171 : i32 to vector<16xi32>
    %lt3A_173 = arith.cmpi slt, %sub3A_167, %lt3A_172 : vector<16xi32>
    %and3A_174 = arith.andi %ge3A_170, %lt3A_173 : vector<16xi1>
    %broadcast_in_dim3A_175 = vector.broadcast %add3A_10 : i32 to vector<16xi32>
    %select_n3A_176 = arith.select %and3A_174, %sub3A_167, %broadcast_in_dim3A_175 : vector<16xi1>, vector<16xi32>
    %swap3A_177 = arith.constant 32 : index
    %swap3A_178 = tpu.vector_load %arg12[%swap3A_177] {strides = array<i32>} : memref<80xi32, #tpu.memory_space<vmem>>, vector<16xi32>,
    %swap3A_179 = vector.shape_cast %swap3A_178 : vector<16xi32> to vector<16xi32>
    %swap3A_180 = vector.shape_cast %select_n3A_176 : vector<16xi32> to vector<16xi32>
    tpu.vector_store %arg12[%swap3A_177], %swap3A_180 {strides = array<i32>} : memref<80xi32, #tpu.memory_space<vmem>>, vector<16xi32>,
    %get3A_181 = arith.constant 48 : index
    %get3A_182 = tpu.vector_load %arg11[%get3A_181] {strides = array<i32>} : memref<80xi32, #tpu.memory_space<vmem>>, vector<16xi32>,
    %get3A_183 = vector.shape_cast %get3A_182 : vector<16xi32> to vector<16xi32>
    %sub3A_184 = vector.broadcast %mul3A_0 : i32 to vector<16xi32>
    %sub3A_185 = arith.subi %get3A_183, %sub3A_184 : vector<16xi32>
    %ge3A_186 = arith.constant 0 : i32
    %ge3A_187 = vector.broadcast %ge3A_186 : i32 to vector<16xi32>
    %ge3A_188 = arith.cmpi sge, %sub3A_185, %ge3A_187 : vector<16xi32>
    %lt3A_189 = arith.constant 5000 : i32
    %lt3A_190 = vector.broadcast %lt3A_189 : i32 to vector<16xi32>
    %lt3A_191 = arith.cmpi slt, %sub3A_185, %lt3A_190 : vector<16xi32>
    %and3A_192 = arith.andi %ge3A_188, %lt3A_191 : vector<16xi1>
    %broadcast_in_dim3A_193 = vector.broadcast %add3A_10 : i32 to vector<16xi32>
    %select_n3A_194 = arith.select %and3A_192, %sub3A_185, %broadcast_in_dim3A_193 : vector<16xi1>, vector<16xi32>
    %swap3A_195 = arith.constant 48 : index
    %swap3A_196 = tpu.vector_load %arg12[%swap3A_195] {strides = array<i32>} : memref<80xi32, #tpu.memory_space<vmem>>, vector<16xi32>,
    %swap3A_197 = vector.shape_cast %swap3A_196 : vector<16xi32> to vector<16xi32>
    %swap3A_198 = vector.shape_cast %select_n3A_194 : vector<16xi32> to vector<16xi32>
    tpu.vector_store %arg12[%swap3A_195], %swap3A_198 {strides = array<i32>} : memref<80xi32, #tpu.memory_space<vmem>>, vector<16xi32>,
    %get3A_199 = arith.constant 64 : index
    %get3A_200 = tpu.vector_load %arg11[%get3A_199] {strides = array<i32>} : memref<80xi32, #tpu.memory_space<vmem>>, vector<16xi32>,
    %get3A_201 = vector.shape_cast %get3A_200 : vector<16xi32> to vector<16xi32>
    %sub3A_202 = vector.broadcast %mul3A_0 : i32 to vector<16xi32>
    %sub3A_203 = arith.subi %get3A_201, %sub3A_202 : vector<16xi32>
    %ge3A_204 = arith.constant 0 : i32
    %ge3A_205 = vector.broadcast %ge3A_204 : i32 to vector<16xi32>
    %ge3A_206 = arith.cmpi sge, %sub3A_203, %ge3A_205 : vector<16xi32>
    %lt3A_207 = arith.constant 5000 : i32
    %lt3A_208 = vector.broadcast %lt3A_207 : i32 to vector<16xi32>
    %lt3A_209 = arith.cmpi slt, %sub3A_203, %lt3A_208 : vector<16xi32>
    %and3A_210 = arith.andi %ge3A_206, %lt3A_209 : vector<16xi1>
    %broadcast_in_dim3A_211 = vector.broadcast %add3A_10 : i32 to vector<16xi32>
    %select_n3A_212 = arith.select %and3A_210, %sub3A_203, %broadcast_in_dim3A_211 : vector<16xi1>, vector<16xi32>
    %swap3A_213 = arith.constant 64 : index
    %swap3A_214 = tpu.vector_load %arg12[%swap3A_213] {strides = array<i32>} : memref<80xi32, #tpu.memory_space<vmem>>, vector<16xi32>,
    %swap3A_215 = vector.shape_cast %swap3A_214 : vector<16xi32> to vector<16xi32>
    %swap3A_216 = vector.shape_cast %select_n3A_212 : vector<16xi32> to vector<16xi32>
    tpu.vector_store %arg12[%swap3A_213], %swap3A_216 {strides = array<i32>} : memref<80xi32, #tpu.memory_space<vmem>>, vector<16xi32>,
    %add3A_217 = arith.constant 80 : i32
    %add3A_218 = arith.addi %mul3A_9, %add3A_217 : i32
    %dma_wait3A_219 = arith.constant 0 : i32
    %dma_wait3A_220 = tpu.memref_slice %arg2[%add3A_218, %dma_wait3A_219] : memref<320000x128xf32, #tpu.memory_space<hbm>> -> memref<80x128xf32, #tpu.memory_space<hbm>>
    %dma_wait3A_221 = arith.constant 0 : i32
    %dma_wait3A_222 = tpu.memref_slice %arg2[%add3A_218, %dma_wait3A_221] : memref<320000x128xf32, #tpu.memory_space<hbm>> -> memref<80x128xf32, #tpu.memory_space<hbm>>
    tpu.wait_dma2 semaphore(%arg23 : memref<!tpu.dma_semaphore, #tpu.memory_space<semaphore_mem>>) src(%dma_wait3A_222 : memref<80x128xf32, #tpu.memory_space<hbm>>) dst(%arg13 : memref<80x128xf32, #tpu.memory_space<vmem>>)
    %dma_start3A_223 = arith.constant 0 : i32
    %dma_start3A_224 = arith.constant 0 : i32
    %dma_start3A_225 = tpu.memref_slice %arg16[%dma_start3A_223, %dma_start3A_224] : memref<5120x128xf32, #tpu.memory_space<vmem_shared>> -> memref<5120x128xf32, #tpu.memory_space<vmem_shared>>
    tpu.enqueue_indirect_dma source(%arg13 : memref<80x128xf32, #tpu.memory_space<vmem>>) target(%dma_start3A_225 : memref<5120x128xf32, #tpu.memory_space<vmem_shared>>) offsets(%arg12 : memref<80xi32, #tpu.memory_space<vmem>>) semaphore(%arg24 : memref<!tpu.dma_semaphore, #tpu.memory_space<semaphore_mem>>) {add = true}
    %dma_start3A_226 = arith.constant 0 : i32
    %dma_start3A_227 = arith.constant 0 : i32
    %dma_start3A_228 = tpu.memref_slice %arg17[%dma_start3A_226, %dma_start3A_227] : memref<5120x128xf32, #tpu.memory_space<vmem_shared>> -> memref<5120x128xf32, #tpu.memory_space<vmem_shared>>
    tpu.enqueue_indirect_dma source(%arg14 : memref<80x128xf32, #tpu.memory_space<vmem>>) target(%dma_start3A_228 : memref<5120x128xf32, #tpu.memory_space<vmem_shared>>) offsets(%arg12 : memref<80xi32, #tpu.memory_space<vmem>>) semaphore(%arg25 : memref<!tpu.dma_semaphore, #tpu.memory_space<semaphore_mem>>) {add = true}
    %scan3A_229 = arith.constant 0 : i32
    %scan3A_230 = arith.constant 0 : i32
    %scan3A_231 = arith.constant 124 : i32
    %scan3A_232 = arith.addi %scan3A_230, %scan3A_231 : i32
    %scan3A_233 = arith.constant 1 : i32
    scf.for %scan3A_260 = %scan3A_230 to %scan3A_232 step %scan3A_233  : i32 {
      %mul3A_261 = arith.constant 2 : i32
      %mul3A_262 = arith.muli %mul3A_261, %scan3A_260 : i32
      %add3A_263 = arith.constant 1 : i32
      %add3A_264 = arith.addi %add3A_263, %mul3A_262 : i32
      %dma_wait3A_265 = arith.constant 0 : i32
      %dma_wait3A_266 = arith.constant 0 : i32
      %dma_wait3A_267 = tpu.memref_slice %arg16[%dma_wait3A_265, %dma_wait3A_266] : memref<5120x128xf32, #tpu.memory_space<vmem_shared>> -> memref<5120x128xf32, #tpu.memory_space<vmem_shared>>
      tpu.wait_indirect_dma semaphore(%arg20 : memref<!tpu.dma_semaphore, #tpu.memory_space<semaphore_mem>>) src(%arg10 : memref<80x128xf32, #tpu.memory_space<vmem>>) dst(%dma_wait3A_267 : memref<5120x128xf32, #tpu.memory_space<vmem_shared>>)
      %dma_wait3A_268 = arith.constant 0 : i32
      %dma_wait3A_269 = arith.constant 0 : i32
      %dma_wait3A_270 = tpu.memref_slice %arg17[%dma_wait3A_268, %dma_wait3A_269] : memref<5120x128xf32, #tpu.memory_space<vmem_shared>> -> memref<5120x128xf32, #tpu.memory_space<vmem_shared>>
      tpu.wait_indirect_dma semaphore(%arg21 : memref<!tpu.dma_semaphore, #tpu.memory_space<semaphore_mem>>) src(%arg14 : memref<80x128xf32, #tpu.memory_space<vmem>>) dst(%dma_wait3A_270 : memref<5120x128xf32, #tpu.memory_space<vmem_shared>>)
      %add3A_271 = arith.constant 1 : i32
      %add3A_272 = arith.addi %add3A_264, %add3A_271 : i32
      %mul3A_273 = arith.constant 80 : i32
      %mul3A_274 = arith.muli %add3A_272, %mul3A_273 : i32
      %add3A_275 = arith.addi %mul3A_9, %mul3A_274 : i32
      %dma_start3A_276 = tpu.memref_slice %arg3[%add3A_275] : memref<320000xi32, #tpu.memory_space<hbm>> -> memref<80xi32, #tpu.memory_space<hbm>>
      %dma_start3A_277 = tpu.memref_slice %arg3[%add3A_275] : memref<320000xi32, #tpu.memory_space<hbm>> -> memref<80xi32, #tpu.memory_space<hbm>>
      tpu.enqueue_dma source(%dma_start3A_277 : memref<80xi32, #tpu.memory_space<hbm>>) target(%arg8 : memref<80xi32, #tpu.memory_space<vmem>>) target_semaphore(%arg18 : memref<!tpu.dma_semaphore, #tpu.memory_space<semaphore_mem>>)
      %dma_start3A_278 = arith.constant 0 : i32
      %dma_start3A_279 = tpu.memref_slice %arg2[%add3A_275, %dma_start3A_278] : memref<320000x128xf32, #tpu.memory_space<hbm>> -> memref<80x128xf32, #tpu.memory_space<hbm>>
      %dma_start3A_280 = arith.constant 0 : i32
      %dma_start3A_281 = tpu.memref_slice %arg2[%add3A_275, %dma_start3A_280] : memref<320000x128xf32, #tpu.memory_space<hbm>> -> memref<80x128xf32, #tpu.memory_space<hbm>>
      tpu.enqueue_dma source(%dma_start3A_281 : memref<80x128xf32, #tpu.memory_space<hbm>>) target(%arg10 : memref<80x128xf32, #tpu.memory_space<vmem>>) target_semaphore(%arg19 : memref<!tpu.dma_semaphore, #tpu.memory_space<semaphore_mem>>)
      %mul3A_282 = arith.constant 80 : i32
      %mul3A_283 = arith.muli %add3A_272, %mul3A_282 : i32
      %add3A_284 = arith.addi %mul3A_9, %mul3A_283 : i32
      %dma_wait3A_285 = tpu.memref_slice %arg3[%add3A_284] : memref<320000xi32, #tpu.memory_space<hbm>> -> memref<80xi32, #tpu.memory_space<hbm>>
      %dma_wait3A_286 = tpu.memref_slice %arg3[%add3A_284] : memref<320000xi32, #tpu.memory_space<hbm>> -> memref<80xi32, #tpu.memory_space<hbm>>
      tpu.wait_dma2 semaphore(%arg18 : memref<!tpu.dma_semaphore, #tpu.memory_space<semaphore_mem>>) src(%dma_wait3A_286 : memref<80xi32, #tpu.memory_space<hbm>>) dst(%arg8 : memref<80xi32, #tpu.memory_space<vmem>>)
      %get3A_287 = arith.constant 0 : index
      %get3A_288 = tpu.vector_load %arg8[%get3A_287] {strides = array<i32>} : memref<80xi32, #tpu.memory_space<vmem>>, vector<16xi32>,
      %get3A_289 = vector.shape_cast %get3A_288 : vector<16xi32> to vector<16xi32>
      %sub3A_290 = vector.broadcast %mul3A_0 : i32 to vector<16xi32>
      %sub3A_291 = arith.subi %get3A_289, %sub3A_290 : vector<16xi32>
      %ge3A_292 = arith.constant 0 : i32
      %ge3A_293 = vector.broadcast %ge3A_292 : i32 to vector<16xi32>
      %ge3A_294 = arith.cmpi sge, %sub3A_291, %ge3A_293 : vector<16xi32>
      %lt3A_295 = arith.constant 5000 : i32
      %lt3A_296 = vector.broadcast %lt3A_295 : i32 to vector<16xi32>
      %lt3A_297 = arith.cmpi slt, %sub3A_291, %lt3A_296 : vector<16xi32>
      %and3A_298 = arith.andi %ge3A_294, %lt3A_297 : vector<16xi1>
      %broadcast_in_dim3A_299 = vector.broadcast %add3A_10 : i32 to vector<16xi32>
      %select_n3A_300 = arith.select %and3A_298, %sub3A_291, %broadcast_in_dim3A_299 : vector<16xi1>, vector<16xi32>
      %swap3A_301 = arith.constant 0 : index
      %swap3A_302 = tpu.vector_load %arg9[%swap3A_301] {strides = array<i32>} : memref<80xi32, #tpu.memory_space<vmem>>, vector<16xi32>,
      %swap3A_303 = vector.shape_cast %swap3A_302 : vector<16xi32> to vector<16xi32>
      %swap3A_304 = vector.shape_cast %select_n3A_300 : vector<16xi32> to vector<16xi32>
      tpu.vector_store %arg9[%swap3A_301], %swap3A_304 {strides = array<i32>} : memref<80xi32, #tpu.memory_space<vmem>>, vector<16xi32>,
      %get3A_305 = arith.constant 16 : index
      %get3A_306 = tpu.vector_load %arg8[%get3A_305] {strides = array<i32>} : memref<80xi32, #tpu.memory_space<vmem>>, vector<16xi32>,
      %get3A_307 = vector.shape_cast %get3A_306 : vector<16xi32> to vector<16xi32>
      %sub3A_308 = vector.broadcast %mul3A_0 : i32 to vector<16xi32>
      %sub3A_309 = arith.subi %get3A_307, %sub3A_308 : vector<16xi32>
      %ge3A_310 = arith.constant 0 : i32
      %ge3A_311 = vector.broadcast %ge3A_310 : i32 to vector<16xi32>
      %ge3A_312 = arith.cmpi sge, %sub3A_309, %ge3A_311 : vector<16xi32>
      %lt3A_313 = arith.constant 5000 : i32
      %lt3A_314 = vector.broadcast %lt3A_313 : i32 to vector<16xi32>
      %lt3A_315 = arith.cmpi slt, %sub3A_309, %lt3A_314 : vector<16xi32>
      %and3A_316 = arith.andi %ge3A_312, %lt3A_315 : vector<16xi1>
      %broadcast_in_dim3A_317 = vector.broadcast %add3A_10 : i32 to vector<16xi32>
      %select_n3A_318 = arith.select %and3A_316, %sub3A_309, %broadcast_in_dim3A_317 : vector<16xi1>, vector<16xi32>
      %swap3A_319 = arith.constant 16 : index
      %swap3A_320 = tpu.vector_load %arg9[%swap3A_319] {strides = array<i32>} : memref<80xi32, #tpu.memory_space<vmem>>, vector<16xi32>,
      %swap3A_321 = vector.shape_cast %swap3A_320 : vector<16xi32> to vector<16xi32>
      %swap3A_322 = vector.shape_cast %select_n3A_318 : vector<16xi32> to vector<16xi32>
      tpu.vector_store %arg9[%swap3A_319], %swap3A_322 {strides = array<i32>} : memref<80xi32, #tpu.memory_space<vmem>>, vector<16xi32>,
      %get3A_323 = arith.constant 32 : index
      %get3A_324 = tpu.vector_load %arg8[%get3A_323] {strides = array<i32>} : memref<80xi32, #tpu.memory_space<vmem>>, vector<16xi32>,
      %get3A_325 = vector.shape_cast %get3A_324 : vector<16xi32> to vector<16xi32>
      %sub3A_326 = vector.broadcast %mul3A_0 : i32 to vector<16xi32>
      %sub3A_327 = arith.subi %get3A_325, %sub3A_326 : vector<16xi32>
      %ge3A_328 = arith.constant 0 : i32
      %ge3A_329 = vector.broadcast %ge3A_328 : i32 to vector<16xi32>
      %ge3A_330 = arith.cmpi sge, %sub3A_327, %ge3A_329 : vector<16xi32>
      %lt3A_331 = arith.constant 5000 : i32
      %lt3A_332 = vector.broadcast %lt3A_331 : i32 to vector<16xi32>
      %lt3A_333 = arith.cmpi slt, %sub3A_327, %lt3A_332 : vector<16xi32>
      %and3A_334 = arith.andi %ge3A_330, %lt3A_333 : vector<16xi1>
      %broadcast_in_dim3A_335 = vector.broadcast %add3A_10 : i32 to vector<16xi32>
      %select_n3A_336 = arith.select %and3A_334, %sub3A_327, %broadcast_in_dim3A_335 : vector<16xi1>, vector<16xi32>
      %swap3A_337 = arith.constant 32 : index
      %swap3A_338 = tpu.vector_load %arg9[%swap3A_337] {strides = array<i32>} : memref<80xi32, #tpu.memory_space<vmem>>, vector<16xi32>,
      %swap3A_339 = vector.shape_cast %swap3A_338 : vector<16xi32> to vector<16xi32>
      %swap3A_340 = vector.shape_cast %select_n3A_336 : vector<16xi32> to vector<16xi32>
      tpu.vector_store %arg9[%swap3A_337], %swap3A_340 {strides = array<i32>} : memref<80xi32, #tpu.memory_space<vmem>>, vector<16xi32>,
      %get3A_341 = arith.constant 48 : index
      %get3A_342 = tpu.vector_load %arg8[%get3A_341] {strides = array<i32>} : memref<80xi32, #tpu.memory_space<vmem>>, vector<16xi32>,
      %get3A_343 = vector.shape_cast %get3A_342 : vector<16xi32> to vector<16xi32>
      %sub3A_344 = vector.broadcast %mul3A_0 : i32 to vector<16xi32>
      %sub3A_345 = arith.subi %get3A_343, %sub3A_344 : vector<16xi32>
      %ge3A_346 = arith.constant 0 : i32
      %ge3A_347 = vector.broadcast %ge3A_346 : i32 to vector<16xi32>
      %ge3A_348 = arith.cmpi sge, %sub3A_345, %ge3A_347 : vector<16xi32>
      %lt3A_349 = arith.constant 5000 : i32
      %lt3A_350 = vector.broadcast %lt3A_349 : i32 to vector<16xi32>
      %lt3A_351 = arith.cmpi slt, %sub3A_345, %lt3A_350 : vector<16xi32>
      %and3A_352 = arith.andi %ge3A_348, %lt3A_351 : vector<16xi1>
      %broadcast_in_dim3A_353 = vector.broadcast %add3A_10 : i32 to vector<16xi32>
      %select_n3A_354 = arith.select %and3A_352, %sub3A_345, %broadcast_in_dim3A_353 : vector<16xi1>, vector<16xi32>
      %swap3A_355 = arith.constant 48 : index
      %swap3A_356 = tpu.vector_load %arg9[%swap3A_355] {strides = array<i32>} : memref<80xi32, #tpu.memory_space<vmem>>, vector<16xi32>,
      %swap3A_357 = vector.shape_cast %swap3A_356 : vector<16xi32> to vector<16xi32>
      %swap3A_358 = vector.shape_cast %select_n3A_354 : vector<16xi32> to vector<16xi32>
      tpu.vector_store %arg9[%swap3A_355], %swap3A_358 {strides = array<i32>} : memref<80xi32, #tpu.memory_space<vmem>>, vector<16xi32>,
      %get3A_359 = arith.constant 64 : index
      %get3A_360 = tpu.vector_load %arg8[%get3A_359] {strides = array<i32>} : memref<80xi32, #tpu.memory_space<vmem>>, vector<16xi32>,
      %get3A_361 = vector.shape_cast %get3A_360 : vector<16xi32> to vector<16xi32>
      %sub3A_362 = vector.broadcast %mul3A_0 : i32 to vector<16xi32>
      %sub3A_363 = arith.subi %get3A_361, %sub3A_362 : vector<16xi32>
      %ge3A_364 = arith.constant 0 : i32
      %ge3A_365 = vector.broadcast %ge3A_364 : i32 to vector<16xi32>
      %ge3A_366 = arith.cmpi sge, %sub3A_363, %ge3A_365 : vector<16xi32>
      %lt3A_367 = arith.constant 5000 : i32
      %lt3A_368 = vector.broadcast %lt3A_367 : i32 to vector<16xi32>
      %lt3A_369 = arith.cmpi slt, %sub3A_363, %lt3A_368 : vector<16xi32>
      %and3A_370 = arith.andi %ge3A_366, %lt3A_369 : vector<16xi1>
      %broadcast_in_dim3A_371 = vector.broadcast %add3A_10 : i32 to vector<16xi32>
      %select_n3A_372 = arith.select %and3A_370, %sub3A_363, %broadcast_in_dim3A_371 : vector<16xi1>, vector<16xi32>
      %swap3A_373 = arith.constant 64 : index
      %swap3A_374 = tpu.vector_load %arg9[%swap3A_373] {strides = array<i32>} : memref<80xi32, #tpu.memory_space<vmem>>, vector<16xi32>,
      %swap3A_375 = vector.shape_cast %swap3A_374 : vector<16xi32> to vector<16xi32>
      %swap3A_376 = vector.shape_cast %select_n3A_372 : vector<16xi32> to vector<16xi32>
      tpu.vector_store %arg9[%swap3A_373], %swap3A_376 {strides = array<i32>} : memref<80xi32, #tpu.memory_space<vmem>>, vector<16xi32>,
      %mul3A_377 = arith.constant 80 : i32
      %mul3A_378 = arith.muli %add3A_272, %mul3A_377 : i32
      %add3A_379 = arith.addi %mul3A_9, %mul3A_378 : i32
      %dma_wait3A_380 = arith.constant 0 : i32
      %dma_wait3A_381 = tpu.memref_slice %arg2[%add3A_379, %dma_wait3A_380] : memref<320000x128xf32, #tpu.memory_space<hbm>> -> memref<80x128xf32, #tpu.memory_space<hbm>>
      %dma_wait3A_382 = arith.constant 0 : i32
      %dma_wait3A_383 = tpu.memref_slice %arg2[%add3A_379, %dma_wait3A_382] : memref<320000x128xf32, #tpu.memory_space<hbm>> -> memref<80x128xf32, #tpu.memory_space<hbm>>
      tpu.wait_dma2 semaphore(%arg19 : memref<!tpu.dma_semaphore, #tpu.memory_space<semaphore_mem>>) src(%dma_wait3A_383 : memref<80x128xf32, #tpu.memory_space<hbm>>) dst(%arg10 : memref<80x128xf32, #tpu.memory_space<vmem>>)
      %dma_start3A_384 = arith.constant 0 : i32
      %dma_start3A_385 = arith.constant 0 : i32
      %dma_start3A_386 = tpu.memref_slice %arg16[%dma_start3A_384, %dma_start3A_385] : memref<5120x128xf32, #tpu.memory_space<vmem_shared>> -> memref<5120x128xf32, #tpu.memory_space<vmem_shared>>
      tpu.enqueue_indirect_dma source(%arg10 : memref<80x128xf32, #tpu.memory_space<vmem>>) target(%dma_start3A_386 : memref<5120x128xf32, #tpu.memory_space<vmem_shared>>) offsets(%arg9 : memref<80xi32, #tpu.memory_space<vmem>>) semaphore(%arg20 : memref<!tpu.dma_semaphore, #tpu.memory_space<semaphore_mem>>) {add = true}
      %dma_start3A_387 = arith.constant 0 : i32
      %dma_start3A_388 = arith.constant 0 : i32
      %dma_start3A_389 = tpu.memref_slice %arg17[%dma_start3A_387, %dma_start3A_388] : memref<5120x128xf32, #tpu.memory_space<vmem_shared>> -> memref<5120x128xf32, #tpu.memory_space<vmem_shared>>
      tpu.enqueue_indirect_dma source(%arg14 : memref<80x128xf32, #tpu.memory_space<vmem>>) target(%dma_start3A_389 : memref<5120x128xf32, #tpu.memory_space<vmem_shared>>) offsets(%arg9 : memref<80xi32, #tpu.memory_space<vmem>>) semaphore(%arg21 : memref<!tpu.dma_semaphore, #tpu.memory_space<semaphore_mem>>) {add = true}
      %mul3A_390 = arith.constant 2 : i32
      %mul3A_391 = arith.muli %mul3A_390, %scan3A_260 : i32
      %add3A_392 = arith.constant 2 : i32
      %add3A_393 = arith.addi %add3A_392, %mul3A_391 : i32
      %dma_wait3A_394 = arith.constant 0 : i32
      %dma_wait3A_395 = arith.constant 0 : i32
      %dma_wait3A_396 = tpu.memref_slice %arg16[%dma_wait3A_394, %dma_wait3A_395] : memref<5120x128xf32, #tpu.memory_space<vmem_shared>> -> memref<5120x128xf32, #tpu.memory_space<vmem_shared>>
      tpu.wait_indirect_dma semaphore(%arg24 : memref<!tpu.dma_semaphore, #tpu.memory_space<semaphore_mem>>) src(%arg13 : memref<80x128xf32, #tpu.memory_space<vmem>>) dst(%dma_wait3A_396 : memref<5120x128xf32, #tpu.memory_space<vmem_shared>>)
      %dma_wait3A_397 = arith.constant 0 : i32
      %dma_wait3A_398 = arith.constant 0 : i32
      %dma_wait3A_399 = tpu.memref_slice %arg17[%dma_wait3A_397, %dma_wait3A_398] : memref<5120x128xf32, #tpu.memory_space<vmem_shared>> -> memref<5120x128xf32, #tpu.memory_space<vmem_shared>>
      tpu.wait_indirect_dma semaphore(%arg25 : memref<!tpu.dma_semaphore, #tpu.memory_space<semaphore_mem>>) src(%arg14 : memref<80x128xf32, #tpu.memory_space<vmem>>) dst(%dma_wait3A_399 : memref<5120x128xf32, #tpu.memory_space<vmem_shared>>)
      %add3A_400 = arith.constant 1 : i32
      %add3A_401 = arith.addi %add3A_393, %add3A_400 : i32
      %mul3A_402 = arith.constant 80 : i32
      %mul3A_403 = arith.muli %add3A_401, %mul3A_402 : i32
      %add3A_404 = arith.addi %mul3A_9, %mul3A_403 : i32
      %dma_start3A_405 = tpu.memref_slice %arg3[%add3A_404] : memref<320000xi32, #tpu.memory_space<hbm>> -> memref<80xi32, #tpu.memory_space<hbm>>
      %dma_start3A_406 = tpu.memref_slice %arg3[%add3A_404] : memref<320000xi32, #tpu.memory_space<hbm>> -> memref<80xi32, #tpu.memory_space<hbm>>
      tpu.enqueue_dma source(%dma_start3A_406 : memref<80xi32, #tpu.memory_space<hbm>>) target(%arg11 : memref<80xi32, #tpu.memory_space<vmem>>) target_semaphore(%arg22 : memref<!tpu.dma_semaphore, #tpu.memory_space<semaphore_mem>>)
      %dma_start3A_407 = arith.constant 0 : i32
      %dma_start3A_408 = tpu.memref_slice %arg2[%add3A_404, %dma_start3A_407] : memref<320000x128xf32, #tpu.memory_space<hbm>> -> memref<80x128xf32, #tpu.memory_space<hbm>>
      %dma_start3A_409 = arith.constant 0 : i32
      %dma_start3A_410 = tpu.memref_slice %arg2[%add3A_404, %dma_start3A_409] : memref<320000x128xf32, #tpu.memory_space<hbm>> -> memref<80x128xf32, #tpu.memory_space<hbm>>
      tpu.enqueue_dma source(%dma_start3A_410 : memref<80x128xf32, #tpu.memory_space<hbm>>) target(%arg13 : memref<80x128xf32, #tpu.memory_space<vmem>>) target_semaphore(%arg23 : memref<!tpu.dma_semaphore, #tpu.memory_space<semaphore_mem>>)
      %mul3A_411 = arith.constant 80 : i32
      %mul3A_412 = arith.muli %add3A_401, %mul3A_411 : i32
      %add3A_413 = arith.addi %mul3A_9, %mul3A_412 : i32
      %dma_wait3A_414 = tpu.memref_slice %arg3[%add3A_413] : memref<320000xi32, #tpu.memory_space<hbm>> -> memref<80xi32, #tpu.memory_space<hbm>>
      %dma_wait3A_415 = tpu.memref_slice %arg3[%add3A_413] : memref<320000xi32, #tpu.memory_space<hbm>> -> memref<80xi32, #tpu.memory_space<hbm>>
      tpu.wait_dma2 semaphore(%arg22 : memref<!tpu.dma_semaphore, #tpu.memory_space<semaphore_mem>>) src(%dma_wait3A_415 : memref<80xi32, #tpu.memory_space<hbm>>) dst(%arg11 : memref<80xi32, #tpu.memory_space<vmem>>)
      %get3A_416 = arith.constant 0 : index
      %get3A_417 = tpu.vector_load %arg11[%get3A_416] {strides = array<i32>} : memref<80xi32, #tpu.memory_space<vmem>>, vector<16xi32>,
      %get3A_418 = vector.shape_cast %get3A_417 : vector<16xi32> to vector<16xi32>
      %sub3A_419 = vector.broadcast %mul3A_0 : i32 to vector<16xi32>
      %sub3A_420 = arith.subi %get3A_418, %sub3A_419 : vector<16xi32>
      %ge3A_421 = arith.constant 0 : i32
      %ge3A_422 = vector.broadcast %ge3A_421 : i32 to vector<16xi32>
      %ge3A_423 = arith.cmpi sge, %sub3A_420, %ge3A_422 : vector<16xi32>
      %lt3A_424 = arith.constant 5000 : i32
      %lt3A_425 = vector.broadcast %lt3A_424 : i32 to vector<16xi32>
      %lt3A_426 = arith.cmpi slt, %sub3A_420, %lt3A_425 : vector<16xi32>
      %and3A_427 = arith.andi %ge3A_423, %lt3A_426 : vector<16xi1>
      %broadcast_in_dim3A_428 = vector.broadcast %add3A_10 : i32 to vector<16xi32>
      %select_n3A_429 = arith.select %and3A_427, %sub3A_420, %broadcast_in_dim3A_428 : vector<16xi1>, vector<16xi32>
      %swap3A_430 = arith.constant 0 : index
      %swap3A_431 = tpu.vector_load %arg12[%swap3A_430] {strides = array<i32>} : memref<80xi32, #tpu.memory_space<vmem>>, vector<16xi32>,
      %swap3A_432 = vector.shape_cast %swap3A_431 : vector<16xi32> to vector<16xi32>
      %swap3A_433 = vector.shape_cast %select_n3A_429 : vector<16xi32> to vector<16xi32>
      tpu.vector_store %arg12[%swap3A_430], %swap3A_433 {strides = array<i32>} : memref<80xi32, #tpu.memory_space<vmem>>, vector<16xi32>,
      %get3A_434 = arith.constant 16 : index
      %get3A_435 = tpu.vector_load %arg11[%get3A_434] {strides = array<i32>} : memref<80xi32, #tpu.memory_space<vmem>>, vector<16xi32>,
      %get3A_436 = vector.shape_cast %get3A_435 : vector<16xi32> to vector<16xi32>
      %sub3A_437 = vector.broadcast %mul3A_0 : i32 to vector<16xi32>
      %sub3A_438 = arith.subi %get3A_436, %sub3A_437 : vector<16xi32>
      %ge3A_439 = arith.constant 0 : i32
      %ge3A_440 = vector.broadcast %ge3A_439 : i32 to vector<16xi32>
      %ge3A_441 = arith.cmpi sge, %sub3A_438, %ge3A_440 : vector<16xi32>
      %lt3A_442 = arith.constant 5000 : i32
      %lt3A_443 = vector.broadcast %lt3A_442 : i32 to vector<16xi32>
      %lt3A_444 = arith.cmpi slt, %sub3A_438, %lt3A_443 : vector<16xi32>
      %and3A_445 = arith.andi %ge3A_441, %lt3A_444 : vector<16xi1>
      %broadcast_in_dim3A_446 = vector.broadcast %add3A_10 : i32 to vector<16xi32>
      %select_n3A_447 = arith.select %and3A_445, %sub3A_438, %broadcast_in_dim3A_446 : vector<16xi1>, vector<16xi32>
      %swap3A_448 = arith.constant 16 : index
      %swap3A_449 = tpu.vector_load %arg12[%swap3A_448] {strides = array<i32>} : memref<80xi32, #tpu.memory_space<vmem>>, vector<16xi32>,
      %swap3A_450 = vector.shape_cast %swap3A_449 : vector<16xi32> to vector<16xi32>
      %swap3A_451 = vector.shape_cast %select_n3A_447 : vector<16xi32> to vector<16xi32>
      tpu.vector_store %arg12[%swap3A_448], %swap3A_451 {strides = array<i32>} : memref<80xi32, #tpu.memory_space<vmem>>, vector<16xi32>,
      %get3A_452 = arith.constant 32 : index
      %get3A_453 = tpu.vector_load %arg11[%get3A_452] {strides = array<i32>} : memref<80xi32, #tpu.memory_space<vmem>>, vector<16xi32>,
      %get3A_454 = vector.shape_cast %get3A_453 : vector<16xi32> to vector<16xi32>
      %sub3A_455 = vector.broadcast %mul3A_0 : i32 to vector<16xi32>
      %sub3A_456 = arith.subi %get3A_454, %sub3A_455 : vector<16xi32>
      %ge3A_457 = arith.constant 0 : i32
      %ge3A_458 = vector.broadcast %ge3A_457 : i32 to vector<16xi32>
      %ge3A_459 = arith.cmpi sge, %sub3A_456, %ge3A_458 : vector<16xi32>
      %lt3A_460 = arith.constant 5000 : i32
      %lt3A_461 = vector.broadcast %lt3A_460 : i32 to vector<16xi32>
      %lt3A_462 = arith.cmpi slt, %sub3A_456, %lt3A_461 : vector<16xi32>
      %and3A_463 = arith.andi %ge3A_459, %lt3A_462 : vector<16xi1>
      %broadcast_in_dim3A_464 = vector.broadcast %add3A_10 : i32 to vector<16xi32>
      %select_n3A_465 = arith.select %and3A_463, %sub3A_456, %broadcast_in_dim3A_464 : vector<16xi1>, vector<16xi32>
      %swap3A_466 = arith.constant 32 : index
      %swap3A_467 = tpu.vector_load %arg12[%swap3A_466] {strides = array<i32>} : memref<80xi32, #tpu.memory_space<vmem>>, vector<16xi32>,
      %swap3A_468 = vector.shape_cast %swap3A_467 : vector<16xi32> to vector<16xi32>
      %swap3A_469 = vector.shape_cast %select_n3A_465 : vector<16xi32> to vector<16xi32>
      tpu.vector_store %arg12[%swap3A_466], %swap3A_469 {strides = array<i32>} : memref<80xi32, #tpu.memory_space<vmem>>, vector<16xi32>,
      %get3A_470 = arith.constant 48 : index
      %get3A_471 = tpu.vector_load %arg11[%get3A_470] {strides = array<i32>} : memref<80xi32, #tpu.memory_space<vmem>>, vector<16xi32>,
      %get3A_472 = vector.shape_cast %get3A_471 : vector<16xi32> to vector<16xi32>
      %sub3A_473 = vector.broadcast %mul3A_0 : i32 to vector<16xi32>
      %sub3A_474 = arith.subi %get3A_472, %sub3A_473 : vector<16xi32>
      %ge3A_475 = arith.constant 0 : i32
      %ge3A_476 = vector.broadcast %ge3A_475 : i32 to vector<16xi32>
      %ge3A_477 = arith.cmpi sge, %sub3A_474, %ge3A_476 : vector<16xi32>
      %lt3A_478 = arith.constant 5000 : i32
      %lt3A_479 = vector.broadcast %lt3A_478 : i32 to vector<16xi32>
      %lt3A_480 = arith.cmpi slt, %sub3A_474, %lt3A_479 : vector<16xi32>
      %and3A_481 = arith.andi %ge3A_477, %lt3A_480 : vector<16xi1>
      %broadcast_in_dim3A_482 = vector.broadcast %add3A_10 : i32 to vector<16xi32>
      %select_n3A_483 = arith.select %and3A_481, %sub3A_474, %broadcast_in_dim3A_482 : vector<16xi1>, vector<16xi32>
      %swap3A_484 = arith.constant 48 : index
      %swap3A_485 = tpu.vector_load %arg12[%swap3A_484] {strides = array<i32>} : memref<80xi32, #tpu.memory_space<vmem>>, vector<16xi32>,
      %swap3A_486 = vector.shape_cast %swap3A_485 : vector<16xi32> to vector<16xi32>
      %swap3A_487 = vector.shape_cast %select_n3A_483 : vector<16xi32> to vector<16xi32>
      tpu.vector_store %arg12[%swap3A_484], %swap3A_487 {strides = array<i32>} : memref<80xi32, #tpu.memory_space<vmem>>, vector<16xi32>,
      %get3A_488 = arith.constant 64 : index
      %get3A_489 = tpu.vector_load %arg11[%get3A_488] {strides = array<i32>} : memref<80xi32, #tpu.memory_space<vmem>>, vector<16xi32>,
      %get3A_490 = vector.shape_cast %get3A_489 : vector<16xi32> to vector<16xi32>
      %sub3A_491 = vector.broadcast %mul3A_0 : i32 to vector<16xi32>
      %sub3A_492 = arith.subi %get3A_490, %sub3A_491 : vector<16xi32>
      %ge3A_493 = arith.constant 0 : i32
      %ge3A_494 = vector.broadcast %ge3A_493 : i32 to vector<16xi32>
      %ge3A_495 = arith.cmpi sge, %sub3A_492, %ge3A_494 : vector<16xi32>
      %lt3A_496 = arith.constant 5000 : i32
      %lt3A_497 = vector.broadcast %lt3A_496 : i32 to vector<16xi32>
      %lt3A_498 = arith.cmpi slt, %sub3A_492, %lt3A_497 : vector<16xi32>
      %and3A_499 = arith.andi %ge3A_495, %lt3A_498 : vector<16xi1>
      %broadcast_in_dim3A_500 = vector.broadcast %add3A_10 : i32 to vector<16xi32>
      %select_n3A_501 = arith.select %and3A_499, %sub3A_492, %broadcast_in_dim3A_500 : vector<16xi1>, vector<16xi32>
      %swap3A_502 = arith.constant 64 : index
      %swap3A_503 = tpu.vector_load %arg12[%swap3A_502] {strides = array<i32>} : memref<80xi32, #tpu.memory_space<vmem>>, vector<16xi32>,
      %swap3A_504 = vector.shape_cast %swap3A_503 : vector<16xi32> to vector<16xi32>
      %swap3A_505 = vector.shape_cast %select_n3A_501 : vector<16xi32> to vector<16xi32>
      tpu.vector_store %arg12[%swap3A_502], %swap3A_505 {strides = array<i32>} : memref<80xi32, #tpu.memory_space<vmem>>, vector<16xi32>,
      %mul3A_506 = arith.constant 80 : i32
      %mul3A_507 = arith.muli %add3A_401, %mul3A_506 : i32
      %add3A_508 = arith.addi %mul3A_9, %mul3A_507 : i32
      %dma_wait3A_509 = arith.constant 0 : i32
      %dma_wait3A_510 = tpu.memref_slice %arg2[%add3A_508, %dma_wait3A_509] : memref<320000x128xf32, #tpu.memory_space<hbm>> -> memref<80x128xf32, #tpu.memory_space<hbm>>
      %dma_wait3A_511 = arith.constant 0 : i32
      %dma_wait3A_512 = tpu.memref_slice %arg2[%add3A_508, %dma_wait3A_511] : memref<320000x128xf32, #tpu.memory_space<hbm>> -> memref<80x128xf32, #tpu.memory_space<hbm>>
      tpu.wait_dma2 semaphore(%arg23 : memref<!tpu.dma_semaphore, #tpu.memory_space<semaphore_mem>>) src(%dma_wait3A_512 : memref<80x128xf32, #tpu.memory_space<hbm>>) dst(%arg13 : memref<80x128xf32, #tpu.memory_space<vmem>>)
      %dma_start3A_513 = arith.constant 0 : i32
      %dma_start3A_514 = arith.constant 0 : i32
      %dma_start3A_515 = tpu.memref_slice %arg16[%dma_start3A_513, %dma_start3A_514] : memref<5120x128xf32, #tpu.memory_space<vmem_shared>> -> memref<5120x128xf32, #tpu.memory_space<vmem_shared>>
      tpu.enqueue_indirect_dma source(%arg13 : memref<80x128xf32, #tpu.memory_space<vmem>>) target(%dma_start3A_515 : memref<5120x128xf32, #tpu.memory_space<vmem_shared>>) offsets(%arg12 : memref<80xi32, #tpu.memory_space<vmem>>) semaphore(%arg24 : memref<!tpu.dma_semaphore, #tpu.memory_space<semaphore_mem>>) {add = true}
      %dma_start3A_516 = arith.constant 0 : i32
      %dma_start3A_517 = arith.constant 0 : i32
      %dma_start3A_518 = tpu.memref_slice %arg17[%dma_start3A_516, %dma_start3A_517] : memref<5120x128xf32, #tpu.memory_space<vmem_shared>> -> memref<5120x128xf32, #tpu.memory_space<vmem_shared>>
      tpu.enqueue_indirect_dma source(%arg14 : memref<80x128xf32, #tpu.memory_space<vmem>>) target(%dma_start3A_518 : memref<5120x128xf32, #tpu.memory_space<vmem_shared>>) offsets(%arg12 : memref<80xi32, #tpu.memory_space<vmem>>) semaphore(%arg25 : memref<!tpu.dma_semaphore, #tpu.memory_space<semaphore_mem>>) {add = true}
    }
    %scan3A_234 = arith.constant 124 : i32
    %dma_wait3A_235 = arith.constant 0 : i32
    %dma_wait3A_236 = arith.constant 0 : i32
    %dma_wait3A_237 = tpu.memref_slice %arg16[%dma_wait3A_235, %dma_wait3A_236] : memref<5120x128xf32, #tpu.memory_space<vmem_shared>> -> memref<5120x128xf32, #tpu.memory_space<vmem_shared>>
    tpu.wait_indirect_dma semaphore(%arg20 : memref<!tpu.dma_semaphore, #tpu.memory_space<semaphore_mem>>) src(%arg10 : memref<80x128xf32, #tpu.memory_space<vmem>>) dst(%dma_wait3A_237 : memref<5120x128xf32, #tpu.memory_space<vmem_shared>>)
    %dma_wait3A_238 = arith.constant 0 : i32
    %dma_wait3A_239 = arith.constant 0 : i32
    %dma_wait3A_240 = tpu.memref_slice %arg17[%dma_wait3A_238, %dma_wait3A_239] : memref<5120x128xf32, #tpu.memory_space<vmem_shared>> -> memref<5120x128xf32, #tpu.memory_space<vmem_shared>>
    tpu.wait_indirect_dma semaphore(%arg21 : memref<!tpu.dma_semaphore, #tpu.memory_space<semaphore_mem>>) src(%arg14 : memref<80x128xf32, #tpu.memory_space<vmem>>) dst(%dma_wait3A_240 : memref<5120x128xf32, #tpu.memory_space<vmem_shared>>)
    %dma_wait3A_241 = arith.constant 0 : i32
    %dma_wait3A_242 = arith.constant 0 : i32
    %dma_wait3A_243 = tpu.memref_slice %arg16[%dma_wait3A_241, %dma_wait3A_242] : memref<5120x128xf32, #tpu.memory_space<vmem_shared>> -> memref<5120x128xf32, #tpu.memory_space<vmem_shared>>
    tpu.wait_indirect_dma semaphore(%arg24 : memref<!tpu.dma_semaphore, #tpu.memory_space<semaphore_mem>>) src(%arg13 : memref<80x128xf32, #tpu.memory_space<vmem>>) dst(%dma_wait3A_243 : memref<5120x128xf32, #tpu.memory_space<vmem_shared>>)
    %dma_wait3A_244 = arith.constant 0 : i32
    %dma_wait3A_245 = arith.constant 0 : i32
    %dma_wait3A_246 = tpu.memref_slice %arg17[%dma_wait3A_244, %dma_wait3A_245] : memref<5120x128xf32, #tpu.memory_space<vmem_shared>> -> memref<5120x128xf32, #tpu.memory_space<vmem_shared>>
    tpu.wait_indirect_dma semaphore(%arg25 : memref<!tpu.dma_semaphore, #tpu.memory_space<semaphore_mem>>) src(%arg14 : memref<80x128xf32, #tpu.memory_space<vmem>>) dst(%dma_wait3A_246 : memref<5120x128xf32, #tpu.memory_space<vmem_shared>>)
    %barrier3A_247 = arith.constant 0 : index
    tpu.barrier barrier_id(%barrier3A_247)
    %eq3A = arith.constant 15 : i32
    %eq3A_248 = arith.cmpi eq, %arg1, %eq3A : i32
    %jit3A = arith.constant 5 : i32
    %jit3A_249 = arith.constant 8 : i32
    %select_n3A_250 = arith.select %eq3A_248, %jit3A, %jit3A_249 : i32
    %while3A = arith.constant 0 : i32
    %while3A_251 = arith.constant 0 : i32
    %while3A_252 = arith.subi %select_n3A_250, %while3A_251 : i32
    %while3A_253 = arith.addi %while3A_251, %while3A_252 : i32
    %while3A_254 = arith.constant 1 : i32
    %while3A_255 = arith.divsi %while3A_252, %while3A_254 : i32
    %while3A_256 = arith.muli %while3A_255, %while3A_254 : i32
    %while3A_257 = arith.addi %while3A_251, %while3A_256 : i32
    %while3A_258 = arith.constant 1 : i32
    scf.for %while3A_260 = %while3A_251 to %while3A_257 step %while3A_258  : i32 {
      %mul3A_261 = arith.constant 40 : i32
      %mul3A_262 = arith.muli %while3A_260, %mul3A_261 : i32
      %add3A_263 = arith.addi %mul3A_2, %mul3A_262 : i32
      "tpu.region"() ({
        %run_scoped3A = tpu.sem_alloc : memref<!tpu.dma_semaphore, #tpu.memory_space<semaphore_mem>>
        %dma_start3A_266 = arith.constant 0 : i32
        %dma_start3A_267 = tpu.memref_slice %arg16[%add3A_263, %dma_start3A_266] : memref<5120x128xf32, #tpu.memory_space<vmem_shared>> -> memref<40x128xf32, #tpu.memory_space<vmem_shared>>
        %dma_start3A_268 = arith.constant 0 : i32
        %dma_start3A_269 = tpu.memref_slice %arg16[%add3A_263, %dma_start3A_268] : memref<5120x128xf32, #tpu.memory_space<vmem_shared>> -> memref<40x128xf32, #tpu.memory_space<vmem_shared>>
        tpu.enqueue_dma source(%dma_start3A_269 : memref<40x128xf32, #tpu.memory_space<vmem_shared>>) target(%arg15 : memref<40x128xf32, #tpu.memory_space<vmem>>) target_semaphore(%run_scoped3A : memref<!tpu.dma_semaphore, #tpu.memory_space<semaphore_mem>>)
        %dma_wait3A_270 = arith.constant 0 : i32
        %dma_wait3A_271 = tpu.memref_slice %arg16[%add3A_263, %dma_wait3A_270] : memref<5120x128xf32, #tpu.memory_space<vmem_shared>> -> memref<40x128xf32, #tpu.memory_space<vmem_shared>>
        %dma_wait3A_272 = arith.constant 0 : i32
        %dma_wait3A_273 = tpu.memref_slice %arg16[%add3A_263, %dma_wait3A_272] : memref<5120x128xf32, #tpu.memory_space<vmem_shared>> -> memref<40x128xf32, #tpu.memory_space<vmem_shared>>
        tpu.wait_dma2 semaphore(%run_scoped3A : memref<!tpu.dma_semaphore, #tpu.memory_space<semaphore_mem>>) src(%dma_wait3A_273 : memref<40x128xf32, #tpu.memory_space<vmem_shared>>) dst(%arg15 : memref<40x128xf32, #tpu.memory_space<vmem>>)
        tpu.yield
      }) : () -> ()
      %add3A_264 = arith.addi %mul3A_0, %add3A_263 : i32
      "tpu.region"() ({
        %run_scoped3A = tpu.sem_alloc : memref<!tpu.dma_semaphore, #tpu.memory_space<semaphore_mem>>
        %dma_start3A_266 = arith.constant 0 : i32
        %dma_start3A_267 = tpu.memref_slice %arg6[%add3A_264, %dma_start3A_266] : memref<10000x128xf32, #tpu.memory_space<hbm>> -> memref<40x128xf32, #tpu.memory_space<hbm>>
        %dma_start3A_268 = arith.constant 0 : i32
        %dma_start3A_269 = tpu.memref_slice %arg6[%add3A_264, %dma_start3A_268] : memref<10000x128xf32, #tpu.memory_space<hbm>> -> memref<40x128xf32, #tpu.memory_space<hbm>>
        tpu.enqueue_dma source(%arg15 : memref<40x128xf32, #tpu.memory_space<vmem>>) target(%dma_start3A_269 : memref<40x128xf32, #tpu.memory_space<hbm>>) target_semaphore(%run_scoped3A : memref<!tpu.dma_semaphore, #tpu.memory_space<semaphore_mem>>)
        %dma_wait3A_270 = arith.constant 0 : i32
        %dma_wait3A_271 = tpu.memref_slice %arg6[%add3A_264, %dma_wait3A_270] : memref<10000x128xf32, #tpu.memory_space<hbm>> -> memref<40x128xf32, #tpu.memory_space<hbm>>
        %dma_wait3A_272 = arith.constant 0 : i32
        %dma_wait3A_273 = tpu.memref_slice %arg6[%add3A_264, %dma_wait3A_272] : memref<10000x128xf32, #tpu.memory_space<hbm>> -> memref<40x128xf32, #tpu.memory_space<hbm>>
        tpu.wait_dma2 semaphore(%run_scoped3A : memref<!tpu.dma_semaphore, #tpu.memory_space<semaphore_mem>>) src(%arg15 : memref<40x128xf32, #tpu.memory_space<vmem>>) dst(%dma_wait3A_273 : memref<40x128xf32, #tpu.memory_space<hbm>>)
        tpu.yield
      }) : () -> ()
      "tpu.region"() ({
        %run_scoped3A = tpu.sem_alloc : memref<!tpu.dma_semaphore, #tpu.memory_space<semaphore_mem>>
        %dma_start3A_266 = arith.constant 0 : i32
        %dma_start3A_267 = tpu.memref_slice %arg17[%add3A_263, %dma_start3A_266] : memref<5120x128xf32, #tpu.memory_space<vmem_shared>> -> memref<40x128xf32, #tpu.memory_space<vmem_shared>>
        %dma_start3A_268 = arith.constant 0 : i32
        %dma_start3A_269 = tpu.memref_slice %arg17[%add3A_263, %dma_start3A_268] : memref<5120x128xf32, #tpu.memory_space<vmem_shared>> -> memref<40x128xf32, #tpu.memory_space<vmem_shared>>
        tpu.enqueue_dma source(%dma_start3A_269 : memref<40x128xf32, #tpu.memory_space<vmem_shared>>) target(%arg15 : memref<40x128xf32, #tpu.memory_space<vmem>>) target_semaphore(%run_scoped3A : memref<!tpu.dma_semaphore, #tpu.memory_space<semaphore_mem>>)
        %dma_wait3A_270 = arith.constant 0 : i32
        %dma_wait3A_271 = tpu.memref_slice %arg17[%add3A_263, %dma_wait3A_270] : memref<5120x128xf32, #tpu.memory_space<vmem_shared>> -> memref<40x128xf32, #tpu.memory_space<vmem_shared>>
        %dma_wait3A_272 = arith.constant 0 : i32
        %dma_wait3A_273 = tpu.memref_slice %arg17[%add3A_263, %dma_wait3A_272] : memref<5120x128xf32, #tpu.memory_space<vmem_shared>> -> memref<40x128xf32, #tpu.memory_space<vmem_shared>>
        tpu.wait_dma2 semaphore(%run_scoped3A : memref<!tpu.dma_semaphore, #tpu.memory_space<semaphore_mem>>) src(%dma_wait3A_273 : memref<40x128xf32, #tpu.memory_space<vmem_shared>>) dst(%arg15 : memref<40x128xf32, #tpu.memory_space<vmem>>)
        tpu.yield
      }) : () -> ()
      %add3A_265 = arith.addi %mul3A_0, %add3A_263 : i32
      "tpu.region"() ({
        %run_scoped3A = tpu.sem_alloc : memref<!tpu.dma_semaphore, #tpu.memory_space<semaphore_mem>>
        %dma_start3A_266 = arith.constant 0 : i32
        %dma_start3A_267 = tpu.memref_slice %arg7[%add3A_265, %dma_start3A_266] : memref<10000x128xf32, #tpu.memory_space<hbm>> -> memref<40x128xf32, #tpu.memory_space<hbm>>
        %dma_start3A_268 = arith.constant 0 : i32
        %dma_start3A_269 = tpu.memref_slice %arg7[%add3A_265, %dma_start3A_268] : memref<10000x128xf32, #tpu.memory_space<hbm>> -> memref<40x128xf32, #tpu.memory_space<hbm>>
        tpu.enqueue_dma source(%arg15 : memref<40x128xf32, #tpu.memory_space<vmem>>) target(%dma_start3A_269 : memref<40x128xf32, #tpu.memory_space<hbm>>) target_semaphore(%run_scoped3A : memref<!tpu.dma_semaphore, #tpu.memory_space<semaphore_mem>>)
        %dma_wait3A_270 = arith.constant 0 : i32
        %dma_wait3A_271 = tpu.memref_slice %arg7[%add3A_265, %dma_wait3A_270] : memref<10000x128xf32, #tpu.memory_space<hbm>> -> memref<40x128xf32, #tpu.memory_space<hbm>>
        %dma_wait3A_272 = arith.constant 0 : i32
        %dma_wait3A_273 = tpu.memref_slice %arg7[%add3A_265, %dma_wait3A_272] : memref<10000x128xf32, #tpu.memory_space<hbm>> -> memref<40x128xf32, #tpu.memory_space<hbm>>
        tpu.wait_dma2 semaphore(%run_scoped3A : memref<!tpu.dma_semaphore, #tpu.memory_space<semaphore_mem>>) src(%arg15 : memref<40x128xf32, #tpu.memory_space<vmem>>) dst(%dma_wait3A_273 : memref<40x128xf32, #tpu.memory_space<hbm>>)
        tpu.yield
      }) : () -> ()
    }
    %while3A_259 = arith.constant 1 : i32
    scf.for %while3A_260 = %while3A_257 to %while3A_253 step %while3A_259  : i32 {
      %mul3A_261 = arith.constant 40 : i32
      %mul3A_262 = arith.muli %while3A_260, %mul3A_261 : i32
      %add3A_263 = arith.addi %mul3A_2, %mul3A_262 : i32
      "tpu.region"() ({
        %run_scoped3A = tpu.sem_alloc : memref<!tpu.dma_semaphore, #tpu.memory_space<semaphore_mem>>
        %dma_start3A_266 = arith.constant 0 : i32
        %dma_start3A_267 = tpu.memref_slice %arg16[%add3A_263, %dma_start3A_266] : memref<5120x128xf32, #tpu.memory_space<vmem_shared>> -> memref<40x128xf32, #tpu.memory_space<vmem_shared>>
        %dma_start3A_268 = arith.constant 0 : i32
        %dma_start3A_269 = tpu.memref_slice %arg16[%add3A_263, %dma_start3A_268] : memref<5120x128xf32, #tpu.memory_space<vmem_shared>> -> memref<40x128xf32, #tpu.memory_space<vmem_shared>>
        tpu.enqueue_dma source(%dma_start3A_269 : memref<40x128xf32, #tpu.memory_space<vmem_shared>>) target(%arg15 : memref<40x128xf32, #tpu.memory_space<vmem>>) target_semaphore(%run_scoped3A : memref<!tpu.dma_semaphore, #tpu.memory_space<semaphore_mem>>)
        %dma_wait3A_270 = arith.constant 0 : i32
        %dma_wait3A_271 = tpu.memref_slice %arg16[%add3A_263, %dma_wait3A_270] : memref<5120x128xf32, #tpu.memory_space<vmem_shared>> -> memref<40x128xf32, #tpu.memory_space<vmem_shared>>
        %dma_wait3A_272 = arith.constant 0 : i32
        %dma_wait3A_273 = tpu.memref_slice %arg16[%add3A_263, %dma_wait3A_272] : memref<5120x128xf32, #tpu.memory_space<vmem_shared>> -> memref<40x128xf32, #tpu.memory_space<vmem_shared>>
        tpu.wait_dma2 semaphore(%run_scoped3A : memref<!tpu.dma_semaphore, #tpu.memory_space<semaphore_mem>>) src(%dma_wait3A_273 : memref<40x128xf32, #tpu.memory_space<vmem_shared>>) dst(%arg15 : memref<40x128xf32, #tpu.memory_space<vmem>>)
        tpu.yield
      }) : () -> ()
      %add3A_264 = arith.addi %mul3A_0, %add3A_263 : i32
      "tpu.region"() ({
        %run_scoped3A = tpu.sem_alloc : memref<!tpu.dma_semaphore, #tpu.memory_space<semaphore_mem>>
        %dma_start3A_266 = arith.constant 0 : i32
        %dma_start3A_267 = tpu.memref_slice %arg6[%add3A_264, %dma_start3A_266] : memref<10000x128xf32, #tpu.memory_space<hbm>> -> memref<40x128xf32, #tpu.memory_space<hbm>>
        %dma_start3A_268 = arith.constant 0 : i32
        %dma_start3A_269 = tpu.memref_slice %arg6[%add3A_264, %dma_start3A_268] : memref<10000x128xf32, #tpu.memory_space<hbm>> -> memref<40x128xf32, #tpu.memory_space<hbm>>
        tpu.enqueue_dma source(%arg15 : memref<40x128xf32, #tpu.memory_space<vmem>>) target(%dma_start3A_269 : memref<40x128xf32, #tpu.memory_space<hbm>>) target_semaphore(%run_scoped3A : memref<!tpu.dma_semaphore, #tpu.memory_space<semaphore_mem>>)
        %dma_wait3A_270 = arith.constant 0 : i32
        %dma_wait3A_271 = tpu.memref_slice %arg6[%add3A_264, %dma_wait3A_270] : memref<10000x128xf32, #tpu.memory_space<hbm>> -> memref<40x128xf32, #tpu.memory_space<hbm>>
        %dma_wait3A_272 = arith.constant 0 : i32
        %dma_wait3A_273 = tpu.memref_slice %arg6[%add3A_264, %dma_wait3A_272] : memref<10000x128xf32, #tpu.memory_space<hbm>> -> memref<40x128xf32, #tpu.memory_space<hbm>>
        tpu.wait_dma2 semaphore(%run_scoped3A : memref<!tpu.dma_semaphore, #tpu.memory_space<semaphore_mem>>) src(%arg15 : memref<40x128xf32, #tpu.memory_space<vmem>>) dst(%dma_wait3A_273 : memref<40x128xf32, #tpu.memory_space<hbm>>)
        tpu.yield
      }) : () -> ()
      "tpu.region"() ({
        %run_scoped3A = tpu.sem_alloc : memref<!tpu.dma_semaphore, #tpu.memory_space<semaphore_mem>>
        %dma_start3A_266 = arith.constant 0 : i32
        %dma_start3A_267 = tpu.memref_slice %arg17[%add3A_263, %dma_start3A_266] : memref<5120x128xf32, #tpu.memory_space<vmem_shared>> -> memref<40x128xf32, #tpu.memory_space<vmem_shared>>
        %dma_start3A_268 = arith.constant 0 : i32
        %dma_start3A_269 = tpu.memref_slice %arg17[%add3A_263, %dma_start3A_268] : memref<5120x128xf32, #tpu.memory_space<vmem_shared>> -> memref<40x128xf32, #tpu.memory_space<vmem_shared>>
        tpu.enqueue_dma source(%dma_start3A_269 : memref<40x128xf32, #tpu.memory_space<vmem_shared>>) target(%arg15 : memref<40x128xf32, #tpu.memory_space<vmem>>) target_semaphore(%run_scoped3A : memref<!tpu.dma_semaphore, #tpu.memory_space<semaphore_mem>>)
        %dma_wait3A_270 = arith.constant 0 : i32
        %dma_wait3A_271 = tpu.memref_slice %arg17[%add3A_263, %dma_wait3A_270] : memref<5120x128xf32, #tpu.memory_space<vmem_shared>> -> memref<40x128xf32, #tpu.memory_space<vmem_shared>>
        %dma_wait3A_272 = arith.constant 0 : i32
        %dma_wait3A_273 = tpu.memref_slice %arg17[%add3A_263, %dma_wait3A_272] : memref<5120x128xf32, #tpu.memory_space<vmem_shared>> -> memref<40x128xf32, #tpu.memory_space<vmem_shared>>
        tpu.wait_dma2 semaphore(%run_scoped3A : memref<!tpu.dma_semaphore, #tpu.memory_space<semaphore_mem>>) src(%dma_wait3A_273 : memref<40x128xf32, #tpu.memory_space<vmem_shared>>) dst(%arg15 : memref<40x128xf32, #tpu.memory_space<vmem>>)
        tpu.yield
      }) : () -> ()
      %add3A_265 = arith.addi %mul3A_0, %add3A_263 : i32
      "tpu.region"() ({
        %run_scoped3A = tpu.sem_alloc : memref<!tpu.dma_semaphore, #tpu.memory_space<semaphore_mem>>
        %dma_start3A_266 = arith.constant 0 : i32
        %dma_start3A_267 = tpu.memref_slice %arg7[%add3A_265, %dma_start3A_266] : memref<10000x128xf32, #tpu.memory_space<hbm>> -> memref<40x128xf32, #tpu.memory_space<hbm>>
        %dma_start3A_268 = arith.constant 0 : i32
        %dma_start3A_269 = tpu.memref_slice %arg7[%add3A_265, %dma_start3A_268] : memref<10000x128xf32, #tpu.memory_space<hbm>> -> memref<40x128xf32, #tpu.memory_space<hbm>>
        tpu.enqueue_dma source(%arg15 : memref<40x128xf32, #tpu.memory_space<vmem>>) target(%dma_start3A_269 : memref<40x128xf32, #tpu.memory_space<hbm>>) target_semaphore(%run_scoped3A : memref<!tpu.dma_semaphore, #tpu.memory_space<semaphore_mem>>)
        %dma_wait3A_270 = arith.constant 0 : i32
        %dma_wait3A_271 = tpu.memref_slice %arg7[%add3A_265, %dma_wait3A_270] : memref<10000x128xf32, #tpu.memory_space<hbm>> -> memref<40x128xf32, #tpu.memory_space<hbm>>
        %dma_wait3A_272 = arith.constant 0 : i32
        %dma_wait3A_273 = tpu.memref_slice %arg7[%add3A_265, %dma_wait3A_272] : memref<10000x128xf32, #tpu.memory_space<hbm>> -> memref<40x128xf32, #tpu.memory_space<hbm>>
        tpu.wait_dma2 semaphore(%run_scoped3A : memref<!tpu.dma_semaphore, #tpu.memory_space<semaphore_mem>>) src(%arg15 : memref<40x128xf32, #tpu.memory_space<vmem>>) dst(%dma_wait3A_273 : memref<40x128xf32, #tpu.memory_space<hbm>>)
        tpu.yield
      }) : () -> ()
    }
    return
  }
}

#map = affine_map<(d0, d1) -> (0, 0)>
#map1 = affine_map<(d0, d1) -> (0)>
module attributes {stable_mosaic.version = 14 : i64} {
  func.func @_gather_body(%arg0: i32, %arg1: i32, %arg2: memref<10000x128xi32, #tpu.memory_space<hbm>>, %arg3: memref<10000x128xf32, #tpu.memory_space<hbm>>, %arg4: memref<320000xi32, #tpu.memory_space<hbm>>, %arg5: memref<320000xi32, #tpu.memory_space<hbm>>, %arg6: memref<320000x128xi32, #tpu.memory_space<hbm>>, %arg7: memref<320000x128xf32, #tpu.memory_space<hbm>>, %arg8: memref<80xi32, #tpu.memory_space<vmem>>, %arg9: memref<80xi32, #tpu.memory_space<vmem>>, %arg10: memref<80x128xi32, #tpu.memory_space<vmem>>, %arg11: memref<80x128xf32, #tpu.memory_space<vmem>>, %arg12: memref<80xi32, #tpu.memory_space<vmem>>, %arg13: memref<80xi32, #tpu.memory_space<vmem>>, %arg14: memref<80x128xi32, #tpu.memory_space<vmem>>, %arg15: memref<80x128xf32, #tpu.memory_space<vmem>>, %arg16: memref<80xi32, #tpu.memory_space<vmem>>, %arg17: memref<80xi32, #tpu.memory_space<vmem>>, %arg18: memref<80x128xi32, #tpu.memory_space<vmem>>, %arg19: memref<80x128xf32, #tpu.memory_space<vmem>>, %arg20: memref<!tpu.dma_semaphore, #tpu.memory_space<semaphore_mem>>, %arg21: memref<!tpu.dma_semaphore, #tpu.memory_space<semaphore_mem>>, %arg22: memref<!tpu.dma_semaphore, #tpu.memory_space<semaphore_mem>>, %arg23: memref<!tpu.dma_semaphore, #tpu.memory_space<semaphore_mem>>, %arg24: memref<!tpu.dma_semaphore, #tpu.memory_space<semaphore_mem>>, %arg25: memref<!tpu.dma_semaphore, #tpu.memory_space<semaphore_mem>>, %arg26: memref<!tpu.dma_semaphore, #tpu.memory_space<semaphore_mem>>, %arg27: memref<!tpu.dma_semaphore, #tpu.memory_space<semaphore_mem>>, %arg28: memref<!tpu.dma_semaphore, #tpu.memory_space<semaphore_mem>>, %arg29: memref<!tpu.dma_semaphore, #tpu.memory_space<semaphore_mem>>, %arg30: memref<!tpu.dma_semaphore, #tpu.memory_space<semaphore_mem>>, %arg31: memref<!tpu.dma_semaphore, #tpu.memory_space<semaphore_mem>>) attributes {dimension_semantics = [#tpu.dimension_semantics<core_parallel>, #tpu.dimension_semantics<subcore_parallel>], iteration_bounds = array<i64: 2, 16>, scalar_prefetch = 0 : i64, scratch_operands = 24 : i64, tpu.core_type = #tpu.core_type<sc_vector_subcore>, window_params = [{transform_indices = #map}, {transform_indices = #map}, {transform_indices = #map1}, {transform_indices = #map1}, {transform_indices = #map}, {transform_indices = #map}]} {
    %mul3A = arith.constant 2 : i32
    %mul3A_0 = arith.muli %arg1, %mul3A : i32
    %add3A = arith.addi %mul3A_0, %arg0 : i32
    %mul3A_1 = arith.constant 10000 : i32
    %mul3A_2 = arith.muli %add3A, %mul3A_1 : i32
    %add3A_3 = arith.constant 0 : i32
    %add3A_4 = arith.addi %mul3A_2, %add3A_3 : i32
    "tpu.region"() ({
      %run_scoped3A = tpu.sem_alloc : memref<!tpu.dma_semaphore, #tpu.memory_space<semaphore_mem>>
      %dma_start3A_176 = tpu.memref_slice %arg4[%add3A_4] : memref<320000xi32, #tpu.memory_space<hbm>> -> memref<80xi32, #tpu.memory_space<hbm>>
      %dma_start3A_177 = tpu.memref_slice %arg4[%add3A_4] : memref<320000xi32, #tpu.memory_space<hbm>> -> memref<80xi32, #tpu.memory_space<hbm>>
      tpu.enqueue_dma source(%dma_start3A_177 : memref<80xi32, #tpu.memory_space<hbm>>) target(%arg8 : memref<80xi32, #tpu.memory_space<vmem>>) target_semaphore(%run_scoped3A : memref<!tpu.dma_semaphore, #tpu.memory_space<semaphore_mem>>)
      %dma_wait3A_178 = tpu.memref_slice %arg4[%add3A_4] : memref<320000xi32, #tpu.memory_space<hbm>> -> memref<80xi32, #tpu.memory_space<hbm>>
      %dma_wait3A_179 = tpu.memref_slice %arg4[%add3A_4] : memref<320000xi32, #tpu.memory_space<hbm>> -> memref<80xi32, #tpu.memory_space<hbm>>
      tpu.wait_dma2 semaphore(%run_scoped3A : memref<!tpu.dma_semaphore, #tpu.memory_space<semaphore_mem>>) src(%dma_wait3A_179 : memref<80xi32, #tpu.memory_space<hbm>>) dst(%arg8 : memref<80xi32, #tpu.memory_space<vmem>>)
      tpu.yield
    }) : () -> ()
    "tpu.region"() ({
      %run_scoped3A = tpu.sem_alloc : memref<!tpu.dma_semaphore, #tpu.memory_space<semaphore_mem>>
      %dma_start3A_176 = tpu.memref_slice %arg5[%add3A_4] : memref<320000xi32, #tpu.memory_space<hbm>> -> memref<80xi32, #tpu.memory_space<hbm>>
      %dma_start3A_177 = tpu.memref_slice %arg5[%add3A_4] : memref<320000xi32, #tpu.memory_space<hbm>> -> memref<80xi32, #tpu.memory_space<hbm>>
      tpu.enqueue_dma source(%dma_start3A_177 : memref<80xi32, #tpu.memory_space<hbm>>) target(%arg9 : memref<80xi32, #tpu.memory_space<vmem>>) target_semaphore(%run_scoped3A : memref<!tpu.dma_semaphore, #tpu.memory_space<semaphore_mem>>)
      %dma_wait3A_178 = tpu.memref_slice %arg5[%add3A_4] : memref<320000xi32, #tpu.memory_space<hbm>> -> memref<80xi32, #tpu.memory_space<hbm>>
      %dma_wait3A_179 = tpu.memref_slice %arg5[%add3A_4] : memref<320000xi32, #tpu.memory_space<hbm>> -> memref<80xi32, #tpu.memory_space<hbm>>
      tpu.wait_dma2 semaphore(%run_scoped3A : memref<!tpu.dma_semaphore, #tpu.memory_space<semaphore_mem>>) src(%dma_wait3A_179 : memref<80xi32, #tpu.memory_space<hbm>>) dst(%arg9 : memref<80xi32, #tpu.memory_space<vmem>>)
      tpu.yield
    }) : () -> ()
    %add3A_5 = arith.constant 80 : i32
    %add3A_6 = arith.addi %mul3A_2, %add3A_5 : i32
    "tpu.region"() ({
      %run_scoped3A = tpu.sem_alloc : memref<!tpu.dma_semaphore, #tpu.memory_space<semaphore_mem>>
      %dma_start3A_176 = tpu.memref_slice %arg4[%add3A_6] : memref<320000xi32, #tpu.memory_space<hbm>> -> memref<80xi32, #tpu.memory_space<hbm>>
      %dma_start3A_177 = tpu.memref_slice %arg4[%add3A_6] : memref<320000xi32, #tpu.memory_space<hbm>> -> memref<80xi32, #tpu.memory_space<hbm>>
      tpu.enqueue_dma source(%dma_start3A_177 : memref<80xi32, #tpu.memory_space<hbm>>) target(%arg12 : memref<80xi32, #tpu.memory_space<vmem>>) target_semaphore(%run_scoped3A : memref<!tpu.dma_semaphore, #tpu.memory_space<semaphore_mem>>)
      %dma_wait3A_178 = tpu.memref_slice %arg4[%add3A_6] : memref<320000xi32, #tpu.memory_space<hbm>> -> memref<80xi32, #tpu.memory_space<hbm>>
      %dma_wait3A_179 = tpu.memref_slice %arg4[%add3A_6] : memref<320000xi32, #tpu.memory_space<hbm>> -> memref<80xi32, #tpu.memory_space<hbm>>
      tpu.wait_dma2 semaphore(%run_scoped3A : memref<!tpu.dma_semaphore, #tpu.memory_space<semaphore_mem>>) src(%dma_wait3A_179 : memref<80xi32, #tpu.memory_space<hbm>>) dst(%arg12 : memref<80xi32, #tpu.memory_space<vmem>>)
      tpu.yield
    }) : () -> ()
    "tpu.region"() ({
      %run_scoped3A = tpu.sem_alloc : memref<!tpu.dma_semaphore, #tpu.memory_space<semaphore_mem>>
      %dma_start3A_176 = tpu.memref_slice %arg5[%add3A_6] : memref<320000xi32, #tpu.memory_space<hbm>> -> memref<80xi32, #tpu.memory_space<hbm>>
      %dma_start3A_177 = tpu.memref_slice %arg5[%add3A_6] : memref<320000xi32, #tpu.memory_space<hbm>> -> memref<80xi32, #tpu.memory_space<hbm>>
      tpu.enqueue_dma source(%dma_start3A_177 : memref<80xi32, #tpu.memory_space<hbm>>) target(%arg13 : memref<80xi32, #tpu.memory_space<vmem>>) target_semaphore(%run_scoped3A : memref<!tpu.dma_semaphore, #tpu.memory_space<semaphore_mem>>)
      %dma_wait3A_178 = tpu.memref_slice %arg5[%add3A_6] : memref<320000xi32, #tpu.memory_space<hbm>> -> memref<80xi32, #tpu.memory_space<hbm>>
      %dma_wait3A_179 = tpu.memref_slice %arg5[%add3A_6] : memref<320000xi32, #tpu.memory_space<hbm>> -> memref<80xi32, #tpu.memory_space<hbm>>
      tpu.wait_dma2 semaphore(%run_scoped3A : memref<!tpu.dma_semaphore, #tpu.memory_space<semaphore_mem>>) src(%dma_wait3A_179 : memref<80xi32, #tpu.memory_space<hbm>>) dst(%arg13 : memref<80xi32, #tpu.memory_space<vmem>>)
      tpu.yield
    }) : () -> ()
    %add3A_7 = arith.constant 160 : i32
    %add3A_8 = arith.addi %mul3A_2, %add3A_7 : i32
    "tpu.region"() ({
      %run_scoped3A = tpu.sem_alloc : memref<!tpu.dma_semaphore, #tpu.memory_space<semaphore_mem>>
      %dma_start3A_176 = tpu.memref_slice %arg4[%add3A_8] : memref<320000xi32, #tpu.memory_space<hbm>> -> memref<80xi32, #tpu.memory_space<hbm>>
      %dma_start3A_177 = tpu.memref_slice %arg4[%add3A_8] : memref<320000xi32, #tpu.memory_space<hbm>> -> memref<80xi32, #tpu.memory_space<hbm>>
      tpu.enqueue_dma source(%dma_start3A_177 : memref<80xi32, #tpu.memory_space<hbm>>) target(%arg16 : memref<80xi32, #tpu.memory_space<vmem>>) target_semaphore(%run_scoped3A : memref<!tpu.dma_semaphore, #tpu.memory_space<semaphore_mem>>)
      %dma_wait3A_178 = tpu.memref_slice %arg4[%add3A_8] : memref<320000xi32, #tpu.memory_space<hbm>> -> memref<80xi32, #tpu.memory_space<hbm>>
      %dma_wait3A_179 = tpu.memref_slice %arg4[%add3A_8] : memref<320000xi32, #tpu.memory_space<hbm>> -> memref<80xi32, #tpu.memory_space<hbm>>
      tpu.wait_dma2 semaphore(%run_scoped3A : memref<!tpu.dma_semaphore, #tpu.memory_space<semaphore_mem>>) src(%dma_wait3A_179 : memref<80xi32, #tpu.memory_space<hbm>>) dst(%arg16 : memref<80xi32, #tpu.memory_space<vmem>>)
      tpu.yield
    }) : () -> ()
    "tpu.region"() ({
      %run_scoped3A = tpu.sem_alloc : memref<!tpu.dma_semaphore, #tpu.memory_space<semaphore_mem>>
      %dma_start3A_176 = tpu.memref_slice %arg5[%add3A_8] : memref<320000xi32, #tpu.memory_space<hbm>> -> memref<80xi32, #tpu.memory_space<hbm>>
      %dma_start3A_177 = tpu.memref_slice %arg5[%add3A_8] : memref<320000xi32, #tpu.memory_space<hbm>> -> memref<80xi32, #tpu.memory_space<hbm>>
      tpu.enqueue_dma source(%dma_start3A_177 : memref<80xi32, #tpu.memory_space<hbm>>) target(%arg17 : memref<80xi32, #tpu.memory_space<vmem>>) target_semaphore(%run_scoped3A : memref<!tpu.dma_semaphore, #tpu.memory_space<semaphore_mem>>)
      %dma_wait3A_178 = tpu.memref_slice %arg5[%add3A_8] : memref<320000xi32, #tpu.memory_space<hbm>> -> memref<80xi32, #tpu.memory_space<hbm>>
      %dma_wait3A_179 = tpu.memref_slice %arg5[%add3A_8] : memref<320000xi32, #tpu.memory_space<hbm>> -> memref<80xi32, #tpu.memory_space<hbm>>
      tpu.wait_dma2 semaphore(%run_scoped3A : memref<!tpu.dma_semaphore, #tpu.memory_space<semaphore_mem>>) src(%dma_wait3A_179 : memref<80xi32, #tpu.memory_space<hbm>>) dst(%arg17 : memref<80xi32, #tpu.memory_space<vmem>>)
      tpu.yield
    }) : () -> ()
    %dma_start3A = arith.constant 0 : i32
    %dma_start3A_9 = arith.constant 0 : i32
    %dma_start3A_10 = tpu.memref_slice %arg2[%dma_start3A, %dma_start3A_9] : memref<10000x128xi32, #tpu.memory_space<hbm>> -> memref<10000x128xi32, #tpu.memory_space<hbm>>
    tpu.enqueue_indirect_dma source(%dma_start3A_10 : memref<10000x128xi32, #tpu.memory_space<hbm>>) target(%arg10 : memref<80x128xi32, #tpu.memory_space<vmem>>) offsets(%arg8 : memref<80xi32, #tpu.memory_space<vmem>>) semaphore(%arg20 : memref<!tpu.dma_semaphore, #tpu.memory_space<semaphore_mem>>)
    %dma_start3A_11 = arith.constant 0 : i32
    %dma_start3A_12 = arith.constant 0 : i32
    %dma_start3A_13 = tpu.memref_slice %arg3[%dma_start3A_11, %dma_start3A_12] : memref<10000x128xf32, #tpu.memory_space<hbm>> -> memref<10000x128xf32, #tpu.memory_space<hbm>>
    tpu.enqueue_indirect_dma source(%dma_start3A_13 : memref<10000x128xf32, #tpu.memory_space<hbm>>) target(%arg11 : memref<80x128xf32, #tpu.memory_space<vmem>>) offsets(%arg9 : memref<80xi32, #tpu.memory_space<vmem>>) semaphore(%arg21 : memref<!tpu.dma_semaphore, #tpu.memory_space<semaphore_mem>>)
    %dma_start3A_14 = arith.constant 0 : i32
    %dma_start3A_15 = arith.constant 0 : i32
    %dma_start3A_16 = tpu.memref_slice %arg2[%dma_start3A_14, %dma_start3A_15] : memref<10000x128xi32, #tpu.memory_space<hbm>> -> memref<10000x128xi32, #tpu.memory_space<hbm>>
    tpu.enqueue_indirect_dma source(%dma_start3A_16 : memref<10000x128xi32, #tpu.memory_space<hbm>>) target(%arg14 : memref<80x128xi32, #tpu.memory_space<vmem>>) offsets(%arg12 : memref<80xi32, #tpu.memory_space<vmem>>) semaphore(%arg24 : memref<!tpu.dma_semaphore, #tpu.memory_space<semaphore_mem>>)
    %dma_start3A_17 = arith.constant 0 : i32
    %dma_start3A_18 = arith.constant 0 : i32
    %dma_start3A_19 = tpu.memref_slice %arg3[%dma_start3A_17, %dma_start3A_18] : memref<10000x128xf32, #tpu.memory_space<hbm>> -> memref<10000x128xf32, #tpu.memory_space<hbm>>
    tpu.enqueue_indirect_dma source(%dma_start3A_19 : memref<10000x128xf32, #tpu.memory_space<hbm>>) target(%arg15 : memref<80x128xf32, #tpu.memory_space<vmem>>) offsets(%arg13 : memref<80xi32, #tpu.memory_space<vmem>>) semaphore(%arg25 : memref<!tpu.dma_semaphore, #tpu.memory_space<semaphore_mem>>)
    %dma_start3A_20 = arith.constant 0 : i32
    %dma_start3A_21 = arith.constant 0 : i32
    %dma_start3A_22 = tpu.memref_slice %arg2[%dma_start3A_20, %dma_start3A_21] : memref<10000x128xi32, #tpu.memory_space<hbm>> -> memref<10000x128xi32, #tpu.memory_space<hbm>>
    tpu.enqueue_indirect_dma source(%dma_start3A_22 : memref<10000x128xi32, #tpu.memory_space<hbm>>) target(%arg18 : memref<80x128xi32, #tpu.memory_space<vmem>>) offsets(%arg16 : memref<80xi32, #tpu.memory_space<vmem>>) semaphore(%arg28 : memref<!tpu.dma_semaphore, #tpu.memory_space<semaphore_mem>>)
    %dma_start3A_23 = arith.constant 0 : i32
    %dma_start3A_24 = arith.constant 0 : i32
    %dma_start3A_25 = tpu.memref_slice %arg3[%dma_start3A_23, %dma_start3A_24] : memref<10000x128xf32, #tpu.memory_space<hbm>> -> memref<10000x128xf32, #tpu.memory_space<hbm>>
    tpu.enqueue_indirect_dma source(%dma_start3A_25 : memref<10000x128xf32, #tpu.memory_space<hbm>>) target(%arg19 : memref<80x128xf32, #tpu.memory_space<vmem>>) offsets(%arg17 : memref<80xi32, #tpu.memory_space<vmem>>) semaphore(%arg29 : memref<!tpu.dma_semaphore, #tpu.memory_space<semaphore_mem>>)
    %dma_wait3A = arith.constant 0 : i32
    %dma_wait3A_26 = arith.constant 0 : i32
    %dma_wait3A_27 = tpu.memref_slice %arg2[%dma_wait3A, %dma_wait3A_26] : memref<10000x128xi32, #tpu.memory_space<hbm>> -> memref<10000x128xi32, #tpu.memory_space<hbm>>
    tpu.wait_indirect_dma semaphore(%arg20 : memref<!tpu.dma_semaphore, #tpu.memory_space<semaphore_mem>>) src(%dma_wait3A_27 : memref<10000x128xi32, #tpu.memory_space<hbm>>) dst(%arg10 : memref<80x128xi32, #tpu.memory_space<vmem>>)
    %dma_wait3A_28 = arith.constant 0 : i32
    %dma_wait3A_29 = arith.constant 0 : i32
    %dma_wait3A_30 = tpu.memref_slice %arg3[%dma_wait3A_28, %dma_wait3A_29] : memref<10000x128xf32, #tpu.memory_space<hbm>> -> memref<10000x128xf32, #tpu.memory_space<hbm>>
    tpu.wait_indirect_dma semaphore(%arg21 : memref<!tpu.dma_semaphore, #tpu.memory_space<semaphore_mem>>) src(%dma_wait3A_30 : memref<10000x128xf32, #tpu.memory_space<hbm>>) dst(%arg11 : memref<80x128xf32, #tpu.memory_space<vmem>>)
    %add3A_31 = arith.constant 0 : i32
    %add3A_32 = arith.addi %mul3A_2, %add3A_31 : i32
    %dma_start3A_33 = arith.constant 0 : i32
    %dma_start3A_34 = tpu.memref_slice %arg6[%add3A_32, %dma_start3A_33] : memref<320000x128xi32, #tpu.memory_space<hbm>> -> memref<80x128xi32, #tpu.memory_space<hbm>>
    %dma_start3A_35 = arith.constant 0 : i32
    %dma_start3A_36 = tpu.memref_slice %arg6[%add3A_32, %dma_start3A_35] : memref<320000x128xi32, #tpu.memory_space<hbm>> -> memref<80x128xi32, #tpu.memory_space<hbm>>
    tpu.enqueue_dma source(%arg10 : memref<80x128xi32, #tpu.memory_space<vmem>>) target(%dma_start3A_36 : memref<80x128xi32, #tpu.memory_space<hbm>>) target_semaphore(%arg22 : memref<!tpu.dma_semaphore, #tpu.memory_space<semaphore_mem>>)
    %dma_start3A_37 = arith.constant 0 : i32
    %dma_start3A_38 = tpu.memref_slice %arg7[%add3A_32, %dma_start3A_37] : memref<320000x128xf32, #tpu.memory_space<hbm>> -> memref<80x128xf32, #tpu.memory_space<hbm>>
    %dma_start3A_39 = arith.constant 0 : i32
    %dma_start3A_40 = tpu.memref_slice %arg7[%add3A_32, %dma_start3A_39] : memref<320000x128xf32, #tpu.memory_space<hbm>> -> memref<80x128xf32, #tpu.memory_space<hbm>>
    tpu.enqueue_dma source(%arg11 : memref<80x128xf32, #tpu.memory_space<vmem>>) target(%dma_start3A_40 : memref<80x128xf32, #tpu.memory_space<hbm>>) target_semaphore(%arg23 : memref<!tpu.dma_semaphore, #tpu.memory_space<semaphore_mem>>)
    %add3A_41 = arith.constant 240 : i32
    %add3A_42 = arith.addi %mul3A_2, %add3A_41 : i32
    "tpu.region"() ({
      %run_scoped3A = tpu.sem_alloc : memref<!tpu.dma_semaphore, #tpu.memory_space<semaphore_mem>>
      %dma_start3A_176 = tpu.memref_slice %arg4[%add3A_42] : memref<320000xi32, #tpu.memory_space<hbm>> -> memref<80xi32, #tpu.memory_space<hbm>>
      %dma_start3A_177 = tpu.memref_slice %arg4[%add3A_42] : memref<320000xi32, #tpu.memory_space<hbm>> -> memref<80xi32, #tpu.memory_space<hbm>>
      tpu.enqueue_dma source(%dma_start3A_177 : memref<80xi32, #tpu.memory_space<hbm>>) target(%arg8 : memref<80xi32, #tpu.memory_space<vmem>>) target_semaphore(%run_scoped3A : memref<!tpu.dma_semaphore, #tpu.memory_space<semaphore_mem>>)
      %dma_wait3A_178 = tpu.memref_slice %arg4[%add3A_42] : memref<320000xi32, #tpu.memory_space<hbm>> -> memref<80xi32, #tpu.memory_space<hbm>>
      %dma_wait3A_179 = tpu.memref_slice %arg4[%add3A_42] : memref<320000xi32, #tpu.memory_space<hbm>> -> memref<80xi32, #tpu.memory_space<hbm>>
      tpu.wait_dma2 semaphore(%run_scoped3A : memref<!tpu.dma_semaphore, #tpu.memory_space<semaphore_mem>>) src(%dma_wait3A_179 : memref<80xi32, #tpu.memory_space<hbm>>) dst(%arg8 : memref<80xi32, #tpu.memory_space<vmem>>)
      tpu.yield
    }) : () -> ()
    "tpu.region"() ({
      %run_scoped3A = tpu.sem_alloc : memref<!tpu.dma_semaphore, #tpu.memory_space<semaphore_mem>>
      %dma_start3A_176 = tpu.memref_slice %arg5[%add3A_42] : memref<320000xi32, #tpu.memory_space<hbm>> -> memref<80xi32, #tpu.memory_space<hbm>>
      %dma_start3A_177 = tpu.memref_slice %arg5[%add3A_42] : memref<320000xi32, #tpu.memory_space<hbm>> -> memref<80xi32, #tpu.memory_space<hbm>>
      tpu.enqueue_dma source(%dma_start3A_177 : memref<80xi32, #tpu.memory_space<hbm>>) target(%arg9 : memref<80xi32, #tpu.memory_space<vmem>>) target_semaphore(%run_scoped3A : memref<!tpu.dma_semaphore, #tpu.memory_space<semaphore_mem>>)
      %dma_wait3A_178 = tpu.memref_slice %arg5[%add3A_42] : memref<320000xi32, #tpu.memory_space<hbm>> -> memref<80xi32, #tpu.memory_space<hbm>>
      %dma_wait3A_179 = tpu.memref_slice %arg5[%add3A_42] : memref<320000xi32, #tpu.memory_space<hbm>> -> memref<80xi32, #tpu.memory_space<hbm>>
      tpu.wait_dma2 semaphore(%run_scoped3A : memref<!tpu.dma_semaphore, #tpu.memory_space<semaphore_mem>>) src(%dma_wait3A_179 : memref<80xi32, #tpu.memory_space<hbm>>) dst(%arg9 : memref<80xi32, #tpu.memory_space<vmem>>)
      tpu.yield
    }) : () -> ()
    %scan3A = arith.constant 0 : i32
    %scan3A_43 = arith.constant 0 : i32
    %scan3A_44 = arith.constant 40 : i32
    %scan3A_45 = arith.addi %scan3A_43, %scan3A_44 : i32
    %scan3A_46 = arith.constant 1 : i32
    scf.for %scan3A_176 = %scan3A_43 to %scan3A_45 step %scan3A_46  : i32 {
      %mul3A_177 = arith.constant 3 : i32
      %mul3A_178 = arith.muli %mul3A_177, %scan3A_176 : i32
      %add3A_179 = arith.constant 1 : i32
      %add3A_180 = arith.addi %mul3A_178, %add3A_179 : i32
      %sub3A = arith.constant 1 : i32
      %sub3A_181 = arith.subi %add3A_180, %sub3A : i32
      %mul3A_182 = arith.constant 80 : i32
      %mul3A_183 = arith.muli %sub3A_181, %mul3A_182 : i32
      %add3A_184 = arith.addi %mul3A_2, %mul3A_183 : i32
      %dma_wait3A_185 = arith.constant 0 : i32
      %dma_wait3A_186 = tpu.memref_slice %arg6[%add3A_184, %dma_wait3A_185] : memref<320000x128xi32, #tpu.memory_space<hbm>> -> memref<80x128xi32, #tpu.memory_space<hbm>>
      %dma_wait3A_187 = arith.constant 0 : i32
      %dma_wait3A_188 = tpu.memref_slice %arg6[%add3A_184, %dma_wait3A_187] : memref<320000x128xi32, #tpu.memory_space<hbm>> -> memref<80x128xi32, #tpu.memory_space<hbm>>
      tpu.wait_dma2 semaphore(%arg22 : memref<!tpu.dma_semaphore, #tpu.memory_space<semaphore_mem>>) src(%arg10 : memref<80x128xi32, #tpu.memory_space<vmem>>) dst(%dma_wait3A_188 : memref<80x128xi32, #tpu.memory_space<hbm>>)
      %dma_wait3A_189 = arith.constant 0 : i32
      %dma_wait3A_190 = tpu.memref_slice %arg7[%add3A_184, %dma_wait3A_189] : memref<320000x128xf32, #tpu.memory_space<hbm>> -> memref<80x128xf32, #tpu.memory_space<hbm>>
      %dma_wait3A_191 = arith.constant 0 : i32
      %dma_wait3A_192 = tpu.memref_slice %arg7[%add3A_184, %dma_wait3A_191] : memref<320000x128xf32, #tpu.memory_space<hbm>> -> memref<80x128xf32, #tpu.memory_space<hbm>>
      tpu.wait_dma2 semaphore(%arg23 : memref<!tpu.dma_semaphore, #tpu.memory_space<semaphore_mem>>) src(%arg11 : memref<80x128xf32, #tpu.memory_space<vmem>>) dst(%dma_wait3A_192 : memref<80x128xf32, #tpu.memory_space<hbm>>)
      %dma_start3A_193 = arith.constant 0 : i32
      %dma_start3A_194 = arith.constant 0 : i32
      %dma_start3A_195 = tpu.memref_slice %arg2[%dma_start3A_193, %dma_start3A_194] : memref<10000x128xi32, #tpu.memory_space<hbm>> -> memref<10000x128xi32, #tpu.memory_space<hbm>>
      tpu.enqueue_indirect_dma source(%dma_start3A_195 : memref<10000x128xi32, #tpu.memory_space<hbm>>) target(%arg10 : memref<80x128xi32, #tpu.memory_space<vmem>>) offsets(%arg8 : memref<80xi32, #tpu.memory_space<vmem>>) semaphore(%arg20 : memref<!tpu.dma_semaphore, #tpu.memory_space<semaphore_mem>>)
      %dma_start3A_196 = arith.constant 0 : i32
      %dma_start3A_197 = arith.constant 0 : i32
      %dma_start3A_198 = tpu.memref_slice %arg3[%dma_start3A_196, %dma_start3A_197] : memref<10000x128xf32, #tpu.memory_space<hbm>> -> memref<10000x128xf32, #tpu.memory_space<hbm>>
      tpu.enqueue_indirect_dma source(%dma_start3A_198 : memref<10000x128xf32, #tpu.memory_space<hbm>>) target(%arg11 : memref<80x128xf32, #tpu.memory_space<vmem>>) offsets(%arg9 : memref<80xi32, #tpu.memory_space<vmem>>) semaphore(%arg21 : memref<!tpu.dma_semaphore, #tpu.memory_space<semaphore_mem>>)
      %dma_wait3A_199 = arith.constant 0 : i32
      %dma_wait3A_200 = arith.constant 0 : i32
      %dma_wait3A_201 = tpu.memref_slice %arg2[%dma_wait3A_199, %dma_wait3A_200] : memref<10000x128xi32, #tpu.memory_space<hbm>> -> memref<10000x128xi32, #tpu.memory_space<hbm>>
      tpu.wait_indirect_dma semaphore(%arg24 : memref<!tpu.dma_semaphore, #tpu.memory_space<semaphore_mem>>) src(%dma_wait3A_201 : memref<10000x128xi32, #tpu.memory_space<hbm>>) dst(%arg14 : memref<80x128xi32, #tpu.memory_space<vmem>>)
      %dma_wait3A_202 = arith.constant 0 : i32
      %dma_wait3A_203 = arith.constant 0 : i32
      %dma_wait3A_204 = tpu.memref_slice %arg3[%dma_wait3A_202, %dma_wait3A_203] : memref<10000x128xf32, #tpu.memory_space<hbm>> -> memref<10000x128xf32, #tpu.memory_space<hbm>>
      tpu.wait_indirect_dma semaphore(%arg25 : memref<!tpu.dma_semaphore, #tpu.memory_space<semaphore_mem>>) src(%dma_wait3A_204 : memref<10000x128xf32, #tpu.memory_space<hbm>>) dst(%arg15 : memref<80x128xf32, #tpu.memory_space<vmem>>)
      %mul3A_205 = arith.constant 80 : i32
      %mul3A_206 = arith.muli %add3A_180, %mul3A_205 : i32
      %add3A_207 = arith.addi %mul3A_2, %mul3A_206 : i32
      %dma_start3A_208 = arith.constant 0 : i32
      %dma_start3A_209 = tpu.memref_slice %arg6[%add3A_207, %dma_start3A_208] : memref<320000x128xi32, #tpu.memory_space<hbm>> -> memref<80x128xi32, #tpu.memory_space<hbm>>
      %dma_start3A_210 = arith.constant 0 : i32
      %dma_start3A_211 = tpu.memref_slice %arg6[%add3A_207, %dma_start3A_210] : memref<320000x128xi32, #tpu.memory_space<hbm>> -> memref<80x128xi32, #tpu.memory_space<hbm>>
      tpu.enqueue_dma source(%arg14 : memref<80x128xi32, #tpu.memory_space<vmem>>) target(%dma_start3A_211 : memref<80x128xi32, #tpu.memory_space<hbm>>) target_semaphore(%arg26 : memref<!tpu.dma_semaphore, #tpu.memory_space<semaphore_mem>>)
      %dma_start3A_212 = arith.constant 0 : i32
      %dma_start3A_213 = tpu.memref_slice %arg7[%add3A_207, %dma_start3A_212] : memref<320000x128xf32, #tpu.memory_space<hbm>> -> memref<80x128xf32, #tpu.memory_space<hbm>>
      %dma_start3A_214 = arith.constant 0 : i32
      %dma_start3A_215 = tpu.memref_slice %arg7[%add3A_207, %dma_start3A_214] : memref<320000x128xf32, #tpu.memory_space<hbm>> -> memref<80x128xf32, #tpu.memory_space<hbm>>
      tpu.enqueue_dma source(%arg15 : memref<80x128xf32, #tpu.memory_space<vmem>>) target(%dma_start3A_215 : memref<80x128xf32, #tpu.memory_space<hbm>>) target_semaphore(%arg27 : memref<!tpu.dma_semaphore, #tpu.memory_space<semaphore_mem>>)
      %add3A_216 = arith.constant 3 : i32
      %add3A_217 = arith.addi %add3A_180, %add3A_216 : i32
      %mul3A_218 = arith.constant 80 : i32
      %mul3A_219 = arith.muli %add3A_217, %mul3A_218 : i32
      %add3A_220 = arith.addi %mul3A_2, %mul3A_219 : i32
      "tpu.region"() ({
        %run_scoped3A = tpu.sem_alloc : memref<!tpu.dma_semaphore, #tpu.memory_space<semaphore_mem>>
        %dma_start3A_311 = tpu.memref_slice %arg4[%add3A_220] : memref<320000xi32, #tpu.memory_space<hbm>> -> memref<80xi32, #tpu.memory_space<hbm>>
        %dma_start3A_312 = tpu.memref_slice %arg4[%add3A_220] : memref<320000xi32, #tpu.memory_space<hbm>> -> memref<80xi32, #tpu.memory_space<hbm>>
        tpu.enqueue_dma source(%dma_start3A_312 : memref<80xi32, #tpu.memory_space<hbm>>) target(%arg12 : memref<80xi32, #tpu.memory_space<vmem>>) target_semaphore(%run_scoped3A : memref<!tpu.dma_semaphore, #tpu.memory_space<semaphore_mem>>)
        %dma_wait3A_313 = tpu.memref_slice %arg4[%add3A_220] : memref<320000xi32, #tpu.memory_space<hbm>> -> memref<80xi32, #tpu.memory_space<hbm>>
        %dma_wait3A_314 = tpu.memref_slice %arg4[%add3A_220] : memref<320000xi32, #tpu.memory_space<hbm>> -> memref<80xi32, #tpu.memory_space<hbm>>
        tpu.wait_dma2 semaphore(%run_scoped3A : memref<!tpu.dma_semaphore, #tpu.memory_space<semaphore_mem>>) src(%dma_wait3A_314 : memref<80xi32, #tpu.memory_space<hbm>>) dst(%arg12 : memref<80xi32, #tpu.memory_space<vmem>>)
        tpu.yield
      }) : () -> ()
      "tpu.region"() ({
        %run_scoped3A = tpu.sem_alloc : memref<!tpu.dma_semaphore, #tpu.memory_space<semaphore_mem>>
        %dma_start3A_311 = tpu.memref_slice %arg5[%add3A_220] : memref<320000xi32, #tpu.memory_space<hbm>> -> memref<80xi32, #tpu.memory_space<hbm>>
        %dma_start3A_312 = tpu.memref_slice %arg5[%add3A_220] : memref<320000xi32, #tpu.memory_space<hbm>> -> memref<80xi32, #tpu.memory_space<hbm>>
        tpu.enqueue_dma source(%dma_start3A_312 : memref<80xi32, #tpu.memory_space<hbm>>) target(%arg13 : memref<80xi32, #tpu.memory_space<vmem>>) target_semaphore(%run_scoped3A : memref<!tpu.dma_semaphore, #tpu.memory_space<semaphore_mem>>)
        %dma_wait3A_313 = tpu.memref_slice %arg5[%add3A_220] : memref<320000xi32, #tpu.memory_space<hbm>> -> memref<80xi32, #tpu.memory_space<hbm>>
        %dma_wait3A_314 = tpu.memref_slice %arg5[%add3A_220] : memref<320000xi32, #tpu.memory_space<hbm>> -> memref<80xi32, #tpu.memory_space<hbm>>
        tpu.wait_dma2 semaphore(%run_scoped3A : memref<!tpu.dma_semaphore, #tpu.memory_space<semaphore_mem>>) src(%dma_wait3A_314 : memref<80xi32, #tpu.memory_space<hbm>>) dst(%arg13 : memref<80xi32, #tpu.memory_space<vmem>>)
        tpu.yield
      }) : () -> ()
      %mul3A_221 = arith.constant 3 : i32
      %mul3A_222 = arith.muli %mul3A_221, %scan3A_176 : i32
      %add3A_223 = arith.constant 2 : i32
      %add3A_224 = arith.addi %mul3A_222, %add3A_223 : i32
      %sub3A_225 = arith.constant 1 : i32
      %sub3A_226 = arith.subi %add3A_224, %sub3A_225 : i32
      %mul3A_227 = arith.constant 80 : i32
      %mul3A_228 = arith.muli %sub3A_226, %mul3A_227 : i32
      %add3A_229 = arith.addi %mul3A_2, %mul3A_228 : i32
      %dma_wait3A_230 = arith.constant 0 : i32
      %dma_wait3A_231 = tpu.memref_slice %arg6[%add3A_229, %dma_wait3A_230] : memref<320000x128xi32, #tpu.memory_space<hbm>> -> memref<80x128xi32, #tpu.memory_space<hbm>>
      %dma_wait3A_232 = arith.constant 0 : i32
      %dma_wait3A_233 = tpu.memref_slice %arg6[%add3A_229, %dma_wait3A_232] : memref<320000x128xi32, #tpu.memory_space<hbm>> -> memref<80x128xi32, #tpu.memory_space<hbm>>
      tpu.wait_dma2 semaphore(%arg26 : memref<!tpu.dma_semaphore, #tpu.memory_space<semaphore_mem>>) src(%arg14 : memref<80x128xi32, #tpu.memory_space<vmem>>) dst(%dma_wait3A_233 : memref<80x128xi32, #tpu.memory_space<hbm>>)
      %dma_wait3A_234 = arith.constant 0 : i32
      %dma_wait3A_235 = tpu.memref_slice %arg7[%add3A_229, %dma_wait3A_234] : memref<320000x128xf32, #tpu.memory_space<hbm>> -> memref<80x128xf32, #tpu.memory_space<hbm>>
      %dma_wait3A_236 = arith.constant 0 : i32
      %dma_wait3A_237 = tpu.memref_slice %arg7[%add3A_229, %dma_wait3A_236] : memref<320000x128xf32, #tpu.memory_space<hbm>> -> memref<80x128xf32, #tpu.memory_space<hbm>>
      tpu.wait_dma2 semaphore(%arg27 : memref<!tpu.dma_semaphore, #tpu.memory_space<semaphore_mem>>) src(%arg15 : memref<80x128xf32, #tpu.memory_space<vmem>>) dst(%dma_wait3A_237 : memref<80x128xf32, #tpu.memory_space<hbm>>)
      %dma_start3A_238 = arith.constant 0 : i32
      %dma_start3A_239 = arith.constant 0 : i32
      %dma_start3A_240 = tpu.memref_slice %arg2[%dma_start3A_238, %dma_start3A_239] : memref<10000x128xi32, #tpu.memory_space<hbm>> -> memref<10000x128xi32, #tpu.memory_space<hbm>>
      tpu.enqueue_indirect_dma source(%dma_start3A_240 : memref<10000x128xi32, #tpu.memory_space<hbm>>) target(%arg14 : memref<80x128xi32, #tpu.memory_space<vmem>>) offsets(%arg12 : memref<80xi32, #tpu.memory_space<vmem>>) semaphore(%arg24 : memref<!tpu.dma_semaphore, #tpu.memory_space<semaphore_mem>>)
      %dma_start3A_241 = arith.constant 0 : i32
      %dma_start3A_242 = arith.constant 0 : i32
      %dma_start3A_243 = tpu.memref_slice %arg3[%dma_start3A_241, %dma_start3A_242] : memref<10000x128xf32, #tpu.memory_space<hbm>> -> memref<10000x128xf32, #tpu.memory_space<hbm>>
      tpu.enqueue_indirect_dma source(%dma_start3A_243 : memref<10000x128xf32, #tpu.memory_space<hbm>>) target(%arg15 : memref<80x128xf32, #tpu.memory_space<vmem>>) offsets(%arg13 : memref<80xi32, #tpu.memory_space<vmem>>) semaphore(%arg25 : memref<!tpu.dma_semaphore, #tpu.memory_space<semaphore_mem>>)
      %dma_wait3A_244 = arith.constant 0 : i32
      %dma_wait3A_245 = arith.constant 0 : i32
      %dma_wait3A_246 = tpu.memref_slice %arg2[%dma_wait3A_244, %dma_wait3A_245] : memref<10000x128xi32, #tpu.memory_space<hbm>> -> memref<10000x128xi32, #tpu.memory_space<hbm>>
      tpu.wait_indirect_dma semaphore(%arg28 : memref<!tpu.dma_semaphore, #tpu.memory_space<semaphore_mem>>) src(%dma_wait3A_246 : memref<10000x128xi32, #tpu.memory_space<hbm>>) dst(%arg18 : memref<80x128xi32, #tpu.memory_space<vmem>>)
      %dma_wait3A_247 = arith.constant 0 : i32
      %dma_wait3A_248 = arith.constant 0 : i32
      %dma_wait3A_249 = tpu.memref_slice %arg3[%dma_wait3A_247, %dma_wait3A_248] : memref<10000x128xf32, #tpu.memory_space<hbm>> -> memref<10000x128xf32, #tpu.memory_space<hbm>>
      tpu.wait_indirect_dma semaphore(%arg29 : memref<!tpu.dma_semaphore, #tpu.memory_space<semaphore_mem>>) src(%dma_wait3A_249 : memref<10000x128xf32, #tpu.memory_space<hbm>>) dst(%arg19 : memref<80x128xf32, #tpu.memory_space<vmem>>)
      %mul3A_250 = arith.constant 80 : i32
      %mul3A_251 = arith.muli %add3A_224, %mul3A_250 : i32
      %add3A_252 = arith.addi %mul3A_2, %mul3A_251 : i32
      %dma_start3A_253 = arith.constant 0 : i32
      %dma_start3A_254 = tpu.memref_slice %arg6[%add3A_252, %dma_start3A_253] : memref<320000x128xi32, #tpu.memory_space<hbm>> -> memref<80x128xi32, #tpu.memory_space<hbm>>
      %dma_start3A_255 = arith.constant 0 : i32
      %dma_start3A_256 = tpu.memref_slice %arg6[%add3A_252, %dma_start3A_255] : memref<320000x128xi32, #tpu.memory_space<hbm>> -> memref<80x128xi32, #tpu.memory_space<hbm>>
      tpu.enqueue_dma source(%arg18 : memref<80x128xi32, #tpu.memory_space<vmem>>) target(%dma_start3A_256 : memref<80x128xi32, #tpu.memory_space<hbm>>) target_semaphore(%arg30 : memref<!tpu.dma_semaphore, #tpu.memory_space<semaphore_mem>>)
      %dma_start3A_257 = arith.constant 0 : i32
      %dma_start3A_258 = tpu.memref_slice %arg7[%add3A_252, %dma_start3A_257] : memref<320000x128xf32, #tpu.memory_space<hbm>> -> memref<80x128xf32, #tpu.memory_space<hbm>>
      %dma_start3A_259 = arith.constant 0 : i32
      %dma_start3A_260 = tpu.memref_slice %arg7[%add3A_252, %dma_start3A_259] : memref<320000x128xf32, #tpu.memory_space<hbm>> -> memref<80x128xf32, #tpu.memory_space<hbm>>
      tpu.enqueue_dma source(%arg19 : memref<80x128xf32, #tpu.memory_space<vmem>>) target(%dma_start3A_260 : memref<80x128xf32, #tpu.memory_space<hbm>>) target_semaphore(%arg31 : memref<!tpu.dma_semaphore, #tpu.memory_space<semaphore_mem>>)
      %add3A_261 = arith.constant 3 : i32
      %add3A_262 = arith.addi %add3A_224, %add3A_261 : i32
      %mul3A_263 = arith.constant 80 : i32
      %mul3A_264 = arith.muli %add3A_262, %mul3A_263 : i32
      %add3A_265 = arith.addi %mul3A_2, %mul3A_264 : i32
      "tpu.region"() ({
        %run_scoped3A = tpu.sem_alloc : memref<!tpu.dma_semaphore, #tpu.memory_space<semaphore_mem>>
        %dma_start3A_311 = tpu.memref_slice %arg4[%add3A_265] : memref<320000xi32, #tpu.memory_space<hbm>> -> memref<80xi32, #tpu.memory_space<hbm>>
        %dma_start3A_312 = tpu.memref_slice %arg4[%add3A_265] : memref<320000xi32, #tpu.memory_space<hbm>> -> memref<80xi32, #tpu.memory_space<hbm>>
        tpu.enqueue_dma source(%dma_start3A_312 : memref<80xi32, #tpu.memory_space<hbm>>) target(%arg16 : memref<80xi32, #tpu.memory_space<vmem>>) target_semaphore(%run_scoped3A : memref<!tpu.dma_semaphore, #tpu.memory_space<semaphore_mem>>)
        %dma_wait3A_313 = tpu.memref_slice %arg4[%add3A_265] : memref<320000xi32, #tpu.memory_space<hbm>> -> memref<80xi32, #tpu.memory_space<hbm>>
        %dma_wait3A_314 = tpu.memref_slice %arg4[%add3A_265] : memref<320000xi32, #tpu.memory_space<hbm>> -> memref<80xi32, #tpu.memory_space<hbm>>
        tpu.wait_dma2 semaphore(%run_scoped3A : memref<!tpu.dma_semaphore, #tpu.memory_space<semaphore_mem>>) src(%dma_wait3A_314 : memref<80xi32, #tpu.memory_space<hbm>>) dst(%arg16 : memref<80xi32, #tpu.memory_space<vmem>>)
        tpu.yield
      }) : () -> ()
      "tpu.region"() ({
        %run_scoped3A = tpu.sem_alloc : memref<!tpu.dma_semaphore, #tpu.memory_space<semaphore_mem>>
        %dma_start3A_311 = tpu.memref_slice %arg5[%add3A_265] : memref<320000xi32, #tpu.memory_space<hbm>> -> memref<80xi32, #tpu.memory_space<hbm>>
        %dma_start3A_312 = tpu.memref_slice %arg5[%add3A_265] : memref<320000xi32, #tpu.memory_space<hbm>> -> memref<80xi32, #tpu.memory_space<hbm>>
        tpu.enqueue_dma source(%dma_start3A_312 : memref<80xi32, #tpu.memory_space<hbm>>) target(%arg17 : memref<80xi32, #tpu.memory_space<vmem>>) target_semaphore(%run_scoped3A : memref<!tpu.dma_semaphore, #tpu.memory_space<semaphore_mem>>)
        %dma_wait3A_313 = tpu.memref_slice %arg5[%add3A_265] : memref<320000xi32, #tpu.memory_space<hbm>> -> memref<80xi32, #tpu.memory_space<hbm>>
        %dma_wait3A_314 = tpu.memref_slice %arg5[%add3A_265] : memref<320000xi32, #tpu.memory_space<hbm>> -> memref<80xi32, #tpu.memory_space<hbm>>
        tpu.wait_dma2 semaphore(%run_scoped3A : memref<!tpu.dma_semaphore, #tpu.memory_space<semaphore_mem>>) src(%dma_wait3A_314 : memref<80xi32, #tpu.memory_space<hbm>>) dst(%arg17 : memref<80xi32, #tpu.memory_space<vmem>>)
        tpu.yield
      }) : () -> ()
      %mul3A_266 = arith.constant 3 : i32
      %mul3A_267 = arith.muli %mul3A_266, %scan3A_176 : i32
      %add3A_268 = arith.constant 3 : i32
      %add3A_269 = arith.addi %mul3A_267, %add3A_268 : i32
      %sub3A_270 = arith.constant 1 : i32
      %sub3A_271 = arith.subi %add3A_269, %sub3A_270 : i32
      %mul3A_272 = arith.constant 80 : i32
      %mul3A_273 = arith.muli %sub3A_271, %mul3A_272 : i32
      %add3A_274 = arith.addi %mul3A_2, %mul3A_273 : i32
      %dma_wait3A_275 = arith.constant 0 : i32
      %dma_wait3A_276 = tpu.memref_slice %arg6[%add3A_274, %dma_wait3A_275] : memref<320000x128xi32, #tpu.memory_space<hbm>> -> memref<80x128xi32, #tpu.memory_space<hbm>>
      %dma_wait3A_277 = arith.constant 0 : i32
      %dma_wait3A_278 = tpu.memref_slice %arg6[%add3A_274, %dma_wait3A_277] : memref<320000x128xi32, #tpu.memory_space<hbm>> -> memref<80x128xi32, #tpu.memory_space<hbm>>
      tpu.wait_dma2 semaphore(%arg30 : memref<!tpu.dma_semaphore, #tpu.memory_space<semaphore_mem>>) src(%arg18 : memref<80x128xi32, #tpu.memory_space<vmem>>) dst(%dma_wait3A_278 : memref<80x128xi32, #tpu.memory_space<hbm>>)
      %dma_wait3A_279 = arith.constant 0 : i32
      %dma_wait3A_280 = tpu.memref_slice %arg7[%add3A_274, %dma_wait3A_279] : memref<320000x128xf32, #tpu.memory_space<hbm>> -> memref<80x128xf32, #tpu.memory_space<hbm>>
      %dma_wait3A_281 = arith.constant 0 : i32
      %dma_wait3A_282 = tpu.memref_slice %arg7[%add3A_274, %dma_wait3A_281] : memref<320000x128xf32, #tpu.memory_space<hbm>> -> memref<80x128xf32, #tpu.memory_space<hbm>>
      tpu.wait_dma2 semaphore(%arg31 : memref<!tpu.dma_semaphore, #tpu.memory_space<semaphore_mem>>) src(%arg19 : memref<80x128xf32, #tpu.memory_space<vmem>>) dst(%dma_wait3A_282 : memref<80x128xf32, #tpu.memory_space<hbm>>)
      %dma_start3A_283 = arith.constant 0 : i32
      %dma_start3A_284 = arith.constant 0 : i32
      %dma_start3A_285 = tpu.memref_slice %arg2[%dma_start3A_283, %dma_start3A_284] : memref<10000x128xi32, #tpu.memory_space<hbm>> -> memref<10000x128xi32, #tpu.memory_space<hbm>>
      tpu.enqueue_indirect_dma source(%dma_start3A_285 : memref<10000x128xi32, #tpu.memory_space<hbm>>) target(%arg18 : memref<80x128xi32, #tpu.memory_space<vmem>>) offsets(%arg16 : memref<80xi32, #tpu.memory_space<vmem>>) semaphore(%arg28 : memref<!tpu.dma_semaphore, #tpu.memory_space<semaphore_mem>>)
      %dma_start3A_286 = arith.constant 0 : i32
      %dma_start3A_287 = arith.constant 0 : i32
      %dma_start3A_288 = tpu.memref_slice %arg3[%dma_start3A_286, %dma_start3A_287] : memref<10000x128xf32, #tpu.memory_space<hbm>> -> memref<10000x128xf32, #tpu.memory_space<hbm>>
      tpu.enqueue_indirect_dma source(%dma_start3A_288 : memref<10000x128xf32, #tpu.memory_space<hbm>>) target(%arg19 : memref<80x128xf32, #tpu.memory_space<vmem>>) offsets(%arg17 : memref<80xi32, #tpu.memory_space<vmem>>) semaphore(%arg29 : memref<!tpu.dma_semaphore, #tpu.memory_space<semaphore_mem>>)
      %dma_wait3A_289 = arith.constant 0 : i32
      %dma_wait3A_290 = arith.constant 0 : i32
      %dma_wait3A_291 = tpu.memref_slice %arg2[%dma_wait3A_289, %dma_wait3A_290] : memref<10000x128xi32, #tpu.memory_space<hbm>> -> memref<10000x128xi32, #tpu.memory_space<hbm>>
      tpu.wait_indirect_dma semaphore(%arg20 : memref<!tpu.dma_semaphore, #tpu.memory_space<semaphore_mem>>) src(%dma_wait3A_291 : memref<10000x128xi32, #tpu.memory_space<hbm>>) dst(%arg10 : memref<80x128xi32, #tpu.memory_space<vmem>>)
      %dma_wait3A_292 = arith.constant 0 : i32
      %dma_wait3A_293 = arith.constant 0 : i32
      %dma_wait3A_294 = tpu.memref_slice %arg3[%dma_wait3A_292, %dma_wait3A_293] : memref<10000x128xf32, #tpu.memory_space<hbm>> -> memref<10000x128xf32, #tpu.memory_space<hbm>>
      tpu.wait_indirect_dma semaphore(%arg21 : memref<!tpu.dma_semaphore, #tpu.memory_space<semaphore_mem>>) src(%dma_wait3A_294 : memref<10000x128xf32, #tpu.memory_space<hbm>>) dst(%arg11 : memref<80x128xf32, #tpu.memory_space<vmem>>)
      %mul3A_295 = arith.constant 80 : i32
      %mul3A_296 = arith.muli %add3A_269, %mul3A_295 : i32
      %add3A_297 = arith.addi %mul3A_2, %mul3A_296 : i32
      %dma_start3A_298 = arith.constant 0 : i32
      %dma_start3A_299 = tpu.memref_slice %arg6[%add3A_297, %dma_start3A_298] : memref<320000x128xi32, #tpu.memory_space<hbm>> -> memref<80x128xi32, #tpu.memory_space<hbm>>
      %dma_start3A_300 = arith.constant 0 : i32
      %dma_start3A_301 = tpu.memref_slice %arg6[%add3A_297, %dma_start3A_300] : memref<320000x128xi32, #tpu.memory_space<hbm>> -> memref<80x128xi32, #tpu.memory_space<hbm>>
      tpu.enqueue_dma source(%arg10 : memref<80x128xi32, #tpu.memory_space<vmem>>) target(%dma_start3A_301 : memref<80x128xi32, #tpu.memory_space<hbm>>) target_semaphore(%arg22 : memref<!tpu.dma_semaphore, #tpu.memory_space<semaphore_mem>>)
      %dma_start3A_302 = arith.constant 0 : i32
      %dma_start3A_303 = tpu.memref_slice %arg7[%add3A_297, %dma_start3A_302] : memref<320000x128xf32, #tpu.memory_space<hbm>> -> memref<80x128xf32, #tpu.memory_space<hbm>>
      %dma_start3A_304 = arith.constant 0 : i32
      %dma_start3A_305 = tpu.memref_slice %arg7[%add3A_297, %dma_start3A_304] : memref<320000x128xf32, #tpu.memory_space<hbm>> -> memref<80x128xf32, #tpu.memory_space<hbm>>
      tpu.enqueue_dma source(%arg11 : memref<80x128xf32, #tpu.memory_space<vmem>>) target(%dma_start3A_305 : memref<80x128xf32, #tpu.memory_space<hbm>>) target_semaphore(%arg23 : memref<!tpu.dma_semaphore, #tpu.memory_space<semaphore_mem>>)
      %add3A_306 = arith.constant 3 : i32
      %add3A_307 = arith.addi %add3A_269, %add3A_306 : i32
      %mul3A_308 = arith.constant 80 : i32
      %mul3A_309 = arith.muli %add3A_307, %mul3A_308 : i32
      %add3A_310 = arith.addi %mul3A_2, %mul3A_309 : i32
      "tpu.region"() ({
        %run_scoped3A = tpu.sem_alloc : memref<!tpu.dma_semaphore, #tpu.memory_space<semaphore_mem>>
        %dma_start3A_311 = tpu.memref_slice %arg4[%add3A_310] : memref<320000xi32, #tpu.memory_space<hbm>> -> memref<80xi32, #tpu.memory_space<hbm>>
        %dma_start3A_312 = tpu.memref_slice %arg4[%add3A_310] : memref<320000xi32, #tpu.memory_space<hbm>> -> memref<80xi32, #tpu.memory_space<hbm>>
        tpu.enqueue_dma source(%dma_start3A_312 : memref<80xi32, #tpu.memory_space<hbm>>) target(%arg8 : memref<80xi32, #tpu.memory_space<vmem>>) target_semaphore(%run_scoped3A : memref<!tpu.dma_semaphore, #tpu.memory_space<semaphore_mem>>)
        %dma_wait3A_313 = tpu.memref_slice %arg4[%add3A_310] : memref<320000xi32, #tpu.memory_space<hbm>> -> memref<80xi32, #tpu.memory_space<hbm>>
        %dma_wait3A_314 = tpu.memref_slice %arg4[%add3A_310] : memref<320000xi32, #tpu.memory_space<hbm>> -> memref<80xi32, #tpu.memory_space<hbm>>
        tpu.wait_dma2 semaphore(%run_scoped3A : memref<!tpu.dma_semaphore, #tpu.memory_space<semaphore_mem>>) src(%dma_wait3A_314 : memref<80xi32, #tpu.memory_space<hbm>>) dst(%arg8 : memref<80xi32, #tpu.memory_space<vmem>>)
        tpu.yield
      }) : () -> ()
      "tpu.region"() ({
        %run_scoped3A = tpu.sem_alloc : memref<!tpu.dma_semaphore, #tpu.memory_space<semaphore_mem>>
        %dma_start3A_311 = tpu.memref_slice %arg5[%add3A_310] : memref<320000xi32, #tpu.memory_space<hbm>> -> memref<80xi32, #tpu.memory_space<hbm>>
        %dma_start3A_312 = tpu.memref_slice %arg5[%add3A_310] : memref<320000xi32, #tpu.memory_space<hbm>> -> memref<80xi32, #tpu.memory_space<hbm>>
        tpu.enqueue_dma source(%dma_start3A_312 : memref<80xi32, #tpu.memory_space<hbm>>) target(%arg9 : memref<80xi32, #tpu.memory_space<vmem>>) target_semaphore(%run_scoped3A : memref<!tpu.dma_semaphore, #tpu.memory_space<semaphore_mem>>)
        %dma_wait3A_313 = tpu.memref_slice %arg5[%add3A_310] : memref<320000xi32, #tpu.memory_space<hbm>> -> memref<80xi32, #tpu.memory_space<hbm>>
        %dma_wait3A_314 = tpu.memref_slice %arg5[%add3A_310] : memref<320000xi32, #tpu.memory_space<hbm>> -> memref<80xi32, #tpu.memory_space<hbm>>
        tpu.wait_dma2 semaphore(%run_scoped3A : memref<!tpu.dma_semaphore, #tpu.memory_space<semaphore_mem>>) src(%dma_wait3A_314 : memref<80xi32, #tpu.memory_space<hbm>>) dst(%arg9 : memref<80xi32, #tpu.memory_space<vmem>>)
        tpu.yield
      }) : () -> ()
    }
    %scan3A_47 = arith.constant 40 : i32
    %add3A_48 = arith.constant 9600 : i32
    %add3A_49 = arith.addi %mul3A_2, %add3A_48 : i32
    %dma_wait3A_50 = arith.constant 0 : i32
    %dma_wait3A_51 = tpu.memref_slice %arg6[%add3A_49, %dma_wait3A_50] : memref<320000x128xi32, #tpu.memory_space<hbm>> -> memref<80x128xi32, #tpu.memory_space<hbm>>
    %dma_wait3A_52 = arith.constant 0 : i32
    %dma_wait3A_53 = tpu.memref_slice %arg6[%add3A_49, %dma_wait3A_52] : memref<320000x128xi32, #tpu.memory_space<hbm>> -> memref<80x128xi32, #tpu.memory_space<hbm>>
    tpu.wait_dma2 semaphore(%arg22 : memref<!tpu.dma_semaphore, #tpu.memory_space<semaphore_mem>>) src(%arg10 : memref<80x128xi32, #tpu.memory_space<vmem>>) dst(%dma_wait3A_53 : memref<80x128xi32, #tpu.memory_space<hbm>>)
    %dma_wait3A_54 = arith.constant 0 : i32
    %dma_wait3A_55 = tpu.memref_slice %arg7[%add3A_49, %dma_wait3A_54] : memref<320000x128xf32, #tpu.memory_space<hbm>> -> memref<80x128xf32, #tpu.memory_space<hbm>>
    %dma_wait3A_56 = arith.constant 0 : i32
    %dma_wait3A_57 = tpu.memref_slice %arg7[%add3A_49, %dma_wait3A_56] : memref<320000x128xf32, #tpu.memory_space<hbm>> -> memref<80x128xf32, #tpu.memory_space<hbm>>
    tpu.wait_dma2 semaphore(%arg23 : memref<!tpu.dma_semaphore, #tpu.memory_space<semaphore_mem>>) src(%arg11 : memref<80x128xf32, #tpu.memory_space<vmem>>) dst(%dma_wait3A_57 : memref<80x128xf32, #tpu.memory_space<hbm>>)
    %dma_start3A_58 = arith.constant 0 : i32
    %dma_start3A_59 = arith.constant 0 : i32
    %dma_start3A_60 = tpu.memref_slice %arg2[%dma_start3A_58, %dma_start3A_59] : memref<10000x128xi32, #tpu.memory_space<hbm>> -> memref<10000x128xi32, #tpu.memory_space<hbm>>
    tpu.enqueue_indirect_dma source(%dma_start3A_60 : memref<10000x128xi32, #tpu.memory_space<hbm>>) target(%arg10 : memref<80x128xi32, #tpu.memory_space<vmem>>) offsets(%arg8 : memref<80xi32, #tpu.memory_space<vmem>>) semaphore(%arg20 : memref<!tpu.dma_semaphore, #tpu.memory_space<semaphore_mem>>)
    %dma_start3A_61 = arith.constant 0 : i32
    %dma_start3A_62 = arith.constant 0 : i32
    %dma_start3A_63 = tpu.memref_slice %arg3[%dma_start3A_61, %dma_start3A_62] : memref<10000x128xf32, #tpu.memory_space<hbm>> -> memref<10000x128xf32, #tpu.memory_space<hbm>>
    tpu.enqueue_indirect_dma source(%dma_start3A_63 : memref<10000x128xf32, #tpu.memory_space<hbm>>) target(%arg11 : memref<80x128xf32, #tpu.memory_space<vmem>>) offsets(%arg9 : memref<80xi32, #tpu.memory_space<vmem>>) semaphore(%arg21 : memref<!tpu.dma_semaphore, #tpu.memory_space<semaphore_mem>>)
    %dma_wait3A_64 = arith.constant 0 : i32
    %dma_wait3A_65 = arith.constant 0 : i32
    %dma_wait3A_66 = tpu.memref_slice %arg2[%dma_wait3A_64, %dma_wait3A_65] : memref<10000x128xi32, #tpu.memory_space<hbm>> -> memref<10000x128xi32, #tpu.memory_space<hbm>>
    tpu.wait_indirect_dma semaphore(%arg24 : memref<!tpu.dma_semaphore, #tpu.memory_space<semaphore_mem>>) src(%dma_wait3A_66 : memref<10000x128xi32, #tpu.memory_space<hbm>>) dst(%arg14 : memref<80x128xi32, #tpu.memory_space<vmem>>)
    %dma_wait3A_67 = arith.constant 0 : i32
    %dma_wait3A_68 = arith.constant 0 : i32
    %dma_wait3A_69 = tpu.memref_slice %arg3[%dma_wait3A_67, %dma_wait3A_68] : memref<10000x128xf32, #tpu.memory_space<hbm>> -> memref<10000x128xf32, #tpu.memory_space<hbm>>
    tpu.wait_indirect_dma semaphore(%arg25 : memref<!tpu.dma_semaphore, #tpu.memory_space<semaphore_mem>>) src(%dma_wait3A_69 : memref<10000x128xf32, #tpu.memory_space<hbm>>) dst(%arg15 : memref<80x128xf32, #tpu.memory_space<vmem>>)
    %add3A_70 = arith.constant 9680 : i32
    %add3A_71 = arith.addi %mul3A_2, %add3A_70 : i32
    %dma_start3A_72 = arith.constant 0 : i32
    %dma_start3A_73 = tpu.memref_slice %arg6[%add3A_71, %dma_start3A_72] : memref<320000x128xi32, #tpu.memory_space<hbm>> -> memref<80x128xi32, #tpu.memory_space<hbm>>
    %dma_start3A_74 = arith.constant 0 : i32
    %dma_start3A_75 = tpu.memref_slice %arg6[%add3A_71, %dma_start3A_74] : memref<320000x128xi32, #tpu.memory_space<hbm>> -> memref<80x128xi32, #tpu.memory_space<hbm>>
    tpu.enqueue_dma source(%arg14 : memref<80x128xi32, #tpu.memory_space<vmem>>) target(%dma_start3A_75 : memref<80x128xi32, #tpu.memory_space<hbm>>) target_semaphore(%arg26 : memref<!tpu.dma_semaphore, #tpu.memory_space<semaphore_mem>>)
    %dma_start3A_76 = arith.constant 0 : i32
    %dma_start3A_77 = tpu.memref_slice %arg7[%add3A_71, %dma_start3A_76] : memref<320000x128xf32, #tpu.memory_space<hbm>> -> memref<80x128xf32, #tpu.memory_space<hbm>>
    %dma_start3A_78 = arith.constant 0 : i32
    %dma_start3A_79 = tpu.memref_slice %arg7[%add3A_71, %dma_start3A_78] : memref<320000x128xf32, #tpu.memory_space<hbm>> -> memref<80x128xf32, #tpu.memory_space<hbm>>
    tpu.enqueue_dma source(%arg15 : memref<80x128xf32, #tpu.memory_space<vmem>>) target(%dma_start3A_79 : memref<80x128xf32, #tpu.memory_space<hbm>>) target_semaphore(%arg27 : memref<!tpu.dma_semaphore, #tpu.memory_space<semaphore_mem>>)
    %add3A_80 = arith.constant 9920 : i32
    %add3A_81 = arith.addi %mul3A_2, %add3A_80 : i32
    "tpu.region"() ({
      %run_scoped3A = tpu.sem_alloc : memref<!tpu.dma_semaphore, #tpu.memory_space<semaphore_mem>>
      %dma_start3A_176 = tpu.memref_slice %arg4[%add3A_81] : memref<320000xi32, #tpu.memory_space<hbm>> -> memref<80xi32, #tpu.memory_space<hbm>>
      %dma_start3A_177 = tpu.memref_slice %arg4[%add3A_81] : memref<320000xi32, #tpu.memory_space<hbm>> -> memref<80xi32, #tpu.memory_space<hbm>>
      tpu.enqueue_dma source(%dma_start3A_177 : memref<80xi32, #tpu.memory_space<hbm>>) target(%arg12 : memref<80xi32, #tpu.memory_space<vmem>>) target_semaphore(%run_scoped3A : memref<!tpu.dma_semaphore, #tpu.memory_space<semaphore_mem>>)
      %dma_wait3A_178 = tpu.memref_slice %arg4[%add3A_81] : memref<320000xi32, #tpu.memory_space<hbm>> -> memref<80xi32, #tpu.memory_space<hbm>>
      %dma_wait3A_179 = tpu.memref_slice %arg4[%add3A_81] : memref<320000xi32, #tpu.memory_space<hbm>> -> memref<80xi32, #tpu.memory_space<hbm>>
      tpu.wait_dma2 semaphore(%run_scoped3A : memref<!tpu.dma_semaphore, #tpu.memory_space<semaphore_mem>>) src(%dma_wait3A_179 : memref<80xi32, #tpu.memory_space<hbm>>) dst(%arg12 : memref<80xi32, #tpu.memory_space<vmem>>)
      tpu.yield
    }) : () -> ()
    "tpu.region"() ({
      %run_scoped3A = tpu.sem_alloc : memref<!tpu.dma_semaphore, #tpu.memory_space<semaphore_mem>>
      %dma_start3A_176 = tpu.memref_slice %arg5[%add3A_81] : memref<320000xi32, #tpu.memory_space<hbm>> -> memref<80xi32, #tpu.memory_space<hbm>>
      %dma_start3A_177 = tpu.memref_slice %arg5[%add3A_81] : memref<320000xi32, #tpu.memory_space<hbm>> -> memref<80xi32, #tpu.memory_space<hbm>>
      tpu.enqueue_dma source(%dma_start3A_177 : memref<80xi32, #tpu.memory_space<hbm>>) target(%arg13 : memref<80xi32, #tpu.memory_space<vmem>>) target_semaphore(%run_scoped3A : memref<!tpu.dma_semaphore, #tpu.memory_space<semaphore_mem>>)
      %dma_wait3A_178 = tpu.memref_slice %arg5[%add3A_81] : memref<320000xi32, #tpu.memory_space<hbm>> -> memref<80xi32, #tpu.memory_space<hbm>>
      %dma_wait3A_179 = tpu.memref_slice %arg5[%add3A_81] : memref<320000xi32, #tpu.memory_space<hbm>> -> memref<80xi32, #tpu.memory_space<hbm>>
      tpu.wait_dma2 semaphore(%run_scoped3A : memref<!tpu.dma_semaphore, #tpu.memory_space<semaphore_mem>>) src(%dma_wait3A_179 : memref<80xi32, #tpu.memory_space<hbm>>) dst(%arg13 : memref<80xi32, #tpu.memory_space<vmem>>)
      tpu.yield
    }) : () -> ()
    %add3A_82 = arith.constant 9680 : i32
    %add3A_83 = arith.addi %mul3A_2, %add3A_82 : i32
    %dma_wait3A_84 = arith.constant 0 : i32
    %dma_wait3A_85 = tpu.memref_slice %arg6[%add3A_83, %dma_wait3A_84] : memref<320000x128xi32, #tpu.memory_space<hbm>> -> memref<80x128xi32, #tpu.memory_space<hbm>>
    %dma_wait3A_86 = arith.constant 0 : i32
    %dma_wait3A_87 = tpu.memref_slice %arg6[%add3A_83, %dma_wait3A_86] : memref<320000x128xi32, #tpu.memory_space<hbm>> -> memref<80x128xi32, #tpu.memory_space<hbm>>
    tpu.wait_dma2 semaphore(%arg26 : memref<!tpu.dma_semaphore, #tpu.memory_space<semaphore_mem>>) src(%arg14 : memref<80x128xi32, #tpu.memory_space<vmem>>) dst(%dma_wait3A_87 : memref<80x128xi32, #tpu.memory_space<hbm>>)
    %dma_wait3A_88 = arith.constant 0 : i32
    %dma_wait3A_89 = tpu.memref_slice %arg7[%add3A_83, %dma_wait3A_88] : memref<320000x128xf32, #tpu.memory_space<hbm>> -> memref<80x128xf32, #tpu.memory_space<hbm>>
    %dma_wait3A_90 = arith.constant 0 : i32
    %dma_wait3A_91 = tpu.memref_slice %arg7[%add3A_83, %dma_wait3A_90] : memref<320000x128xf32, #tpu.memory_space<hbm>> -> memref<80x128xf32, #tpu.memory_space<hbm>>
    tpu.wait_dma2 semaphore(%arg27 : memref<!tpu.dma_semaphore, #tpu.memory_space<semaphore_mem>>) src(%arg15 : memref<80x128xf32, #tpu.memory_space<vmem>>) dst(%dma_wait3A_91 : memref<80x128xf32, #tpu.memory_space<hbm>>)
    %dma_start3A_92 = arith.constant 0 : i32
    %dma_start3A_93 = arith.constant 0 : i32
    %dma_start3A_94 = tpu.memref_slice %arg2[%dma_start3A_92, %dma_start3A_93] : memref<10000x128xi32, #tpu.memory_space<hbm>> -> memref<10000x128xi32, #tpu.memory_space<hbm>>
    tpu.enqueue_indirect_dma source(%dma_start3A_94 : memref<10000x128xi32, #tpu.memory_space<hbm>>) target(%arg14 : memref<80x128xi32, #tpu.memory_space<vmem>>) offsets(%arg12 : memref<80xi32, #tpu.memory_space<vmem>>) semaphore(%arg24 : memref<!tpu.dma_semaphore, #tpu.memory_space<semaphore_mem>>)
    %dma_start3A_95 = arith.constant 0 : i32
    %dma_start3A_96 = arith.constant 0 : i32
    %dma_start3A_97 = tpu.memref_slice %arg3[%dma_start3A_95, %dma_start3A_96] : memref<10000x128xf32, #tpu.memory_space<hbm>> -> memref<10000x128xf32, #tpu.memory_space<hbm>>
    tpu.enqueue_indirect_dma source(%dma_start3A_97 : memref<10000x128xf32, #tpu.memory_space<hbm>>) target(%arg15 : memref<80x128xf32, #tpu.memory_space<vmem>>) offsets(%arg13 : memref<80xi32, #tpu.memory_space<vmem>>) semaphore(%arg25 : memref<!tpu.dma_semaphore, #tpu.memory_space<semaphore_mem>>)
    %dma_wait3A_98 = arith.constant 0 : i32
    %dma_wait3A_99 = arith.constant 0 : i32
    %dma_wait3A_100 = tpu.memref_slice %arg2[%dma_wait3A_98, %dma_wait3A_99] : memref<10000x128xi32, #tpu.memory_space<hbm>> -> memref<10000x128xi32, #tpu.memory_space<hbm>>
    tpu.wait_indirect_dma semaphore(%arg28 : memref<!tpu.dma_semaphore, #tpu.memory_space<semaphore_mem>>) src(%dma_wait3A_100 : memref<10000x128xi32, #tpu.memory_space<hbm>>) dst(%arg18 : memref<80x128xi32, #tpu.memory_space<vmem>>)
    %dma_wait3A_101 = arith.constant 0 : i32
    %dma_wait3A_102 = arith.constant 0 : i32
    %dma_wait3A_103 = tpu.memref_slice %arg3[%dma_wait3A_101, %dma_wait3A_102] : memref<10000x128xf32, #tpu.memory_space<hbm>> -> memref<10000x128xf32, #tpu.memory_space<hbm>>
    tpu.wait_indirect_dma semaphore(%arg29 : memref<!tpu.dma_semaphore, #tpu.memory_space<semaphore_mem>>) src(%dma_wait3A_103 : memref<10000x128xf32, #tpu.memory_space<hbm>>) dst(%arg19 : memref<80x128xf32, #tpu.memory_space<vmem>>)
    %add3A_104 = arith.constant 9760 : i32
    %add3A_105 = arith.addi %mul3A_2, %add3A_104 : i32
    %dma_start3A_106 = arith.constant 0 : i32
    %dma_start3A_107 = tpu.memref_slice %arg6[%add3A_105, %dma_start3A_106] : memref<320000x128xi32, #tpu.memory_space<hbm>> -> memref<80x128xi32, #tpu.memory_space<hbm>>
    %dma_start3A_108 = arith.constant 0 : i32
    %dma_start3A_109 = tpu.memref_slice %arg6[%add3A_105, %dma_start3A_108] : memref<320000x128xi32, #tpu.memory_space<hbm>> -> memref<80x128xi32, #tpu.memory_space<hbm>>
    tpu.enqueue_dma source(%arg18 : memref<80x128xi32, #tpu.memory_space<vmem>>) target(%dma_start3A_109 : memref<80x128xi32, #tpu.memory_space<hbm>>) target_semaphore(%arg30 : memref<!tpu.dma_semaphore, #tpu.memory_space<semaphore_mem>>)
    %dma_start3A_110 = arith.constant 0 : i32
    %dma_start3A_111 = tpu.memref_slice %arg7[%add3A_105, %dma_start3A_110] : memref<320000x128xf32, #tpu.memory_space<hbm>> -> memref<80x128xf32, #tpu.memory_space<hbm>>
    %dma_start3A_112 = arith.constant 0 : i32
    %dma_start3A_113 = tpu.memref_slice %arg7[%add3A_105, %dma_start3A_112] : memref<320000x128xf32, #tpu.memory_space<hbm>> -> memref<80x128xf32, #tpu.memory_space<hbm>>
    tpu.enqueue_dma source(%arg19 : memref<80x128xf32, #tpu.memory_space<vmem>>) target(%dma_start3A_113 : memref<80x128xf32, #tpu.memory_space<hbm>>) target_semaphore(%arg31 : memref<!tpu.dma_semaphore, #tpu.memory_space<semaphore_mem>>)
    %add3A_114 = arith.constant 9760 : i32
    %add3A_115 = arith.addi %mul3A_2, %add3A_114 : i32
    %dma_wait3A_116 = arith.constant 0 : i32
    %dma_wait3A_117 = tpu.memref_slice %arg6[%add3A_115, %dma_wait3A_116] : memref<320000x128xi32, #tpu.memory_space<hbm>> -> memref<80x128xi32, #tpu.memory_space<hbm>>
    %dma_wait3A_118 = arith.constant 0 : i32
    %dma_wait3A_119 = tpu.memref_slice %arg6[%add3A_115, %dma_wait3A_118] : memref<320000x128xi32, #tpu.memory_space<hbm>> -> memref<80x128xi32, #tpu.memory_space<hbm>>
    tpu.wait_dma2 semaphore(%arg30 : memref<!tpu.dma_semaphore, #tpu.memory_space<semaphore_mem>>) src(%arg18 : memref<80x128xi32, #tpu.memory_space<vmem>>) dst(%dma_wait3A_119 : memref<80x128xi32, #tpu.memory_space<hbm>>)
    %dma_wait3A_120 = arith.constant 0 : i32
    %dma_wait3A_121 = tpu.memref_slice %arg7[%add3A_115, %dma_wait3A_120] : memref<320000x128xf32, #tpu.memory_space<hbm>> -> memref<80x128xf32, #tpu.memory_space<hbm>>
    %dma_wait3A_122 = arith.constant 0 : i32
    %dma_wait3A_123 = tpu.memref_slice %arg7[%add3A_115, %dma_wait3A_122] : memref<320000x128xf32, #tpu.memory_space<hbm>> -> memref<80x128xf32, #tpu.memory_space<hbm>>
    tpu.wait_dma2 semaphore(%arg31 : memref<!tpu.dma_semaphore, #tpu.memory_space<semaphore_mem>>) src(%arg19 : memref<80x128xf32, #tpu.memory_space<vmem>>) dst(%dma_wait3A_123 : memref<80x128xf32, #tpu.memory_space<hbm>>)
    %dma_wait3A_124 = arith.constant 0 : i32
    %dma_wait3A_125 = arith.constant 0 : i32
    %dma_wait3A_126 = tpu.memref_slice %arg2[%dma_wait3A_124, %dma_wait3A_125] : memref<10000x128xi32, #tpu.memory_space<hbm>> -> memref<10000x128xi32, #tpu.memory_space<hbm>>
    tpu.wait_indirect_dma semaphore(%arg20 : memref<!tpu.dma_semaphore, #tpu.memory_space<semaphore_mem>>) src(%dma_wait3A_126 : memref<10000x128xi32, #tpu.memory_space<hbm>>) dst(%arg10 : memref<80x128xi32, #tpu.memory_space<vmem>>)
    %dma_wait3A_127 = arith.constant 0 : i32
    %dma_wait3A_128 = arith.constant 0 : i32
    %dma_wait3A_129 = tpu.memref_slice %arg3[%dma_wait3A_127, %dma_wait3A_128] : memref<10000x128xf32, #tpu.memory_space<hbm>> -> memref<10000x128xf32, #tpu.memory_space<hbm>>
    tpu.wait_indirect_dma semaphore(%arg21 : memref<!tpu.dma_semaphore, #tpu.memory_space<semaphore_mem>>) src(%dma_wait3A_129 : memref<10000x128xf32, #tpu.memory_space<hbm>>) dst(%arg11 : memref<80x128xf32, #tpu.memory_space<vmem>>)
    %add3A_130 = arith.constant 9840 : i32
    %add3A_131 = arith.addi %mul3A_2, %add3A_130 : i32
    %dma_start3A_132 = arith.constant 0 : i32
    %dma_start3A_133 = tpu.memref_slice %arg6[%add3A_131, %dma_start3A_132] : memref<320000x128xi32, #tpu.memory_space<hbm>> -> memref<80x128xi32, #tpu.memory_space<hbm>>
    %dma_start3A_134 = arith.constant 0 : i32
    %dma_start3A_135 = tpu.memref_slice %arg6[%add3A_131, %dma_start3A_134] : memref<320000x128xi32, #tpu.memory_space<hbm>> -> memref<80x128xi32, #tpu.memory_space<hbm>>
    tpu.enqueue_dma source(%arg10 : memref<80x128xi32, #tpu.memory_space<vmem>>) target(%dma_start3A_135 : memref<80x128xi32, #tpu.memory_space<hbm>>) target_semaphore(%arg22 : memref<!tpu.dma_semaphore, #tpu.memory_space<semaphore_mem>>)
    %dma_start3A_136 = arith.constant 0 : i32
    %dma_start3A_137 = tpu.memref_slice %arg7[%add3A_131, %dma_start3A_136] : memref<320000x128xf32, #tpu.memory_space<hbm>> -> memref<80x128xf32, #tpu.memory_space<hbm>>
    %dma_start3A_138 = arith.constant 0 : i32
    %dma_start3A_139 = tpu.memref_slice %arg7[%add3A_131, %dma_start3A_138] : memref<320000x128xf32, #tpu.memory_space<hbm>> -> memref<80x128xf32, #tpu.memory_space<hbm>>
    tpu.enqueue_dma source(%arg11 : memref<80x128xf32, #tpu.memory_space<vmem>>) target(%dma_start3A_139 : memref<80x128xf32, #tpu.memory_space<hbm>>) target_semaphore(%arg23 : memref<!tpu.dma_semaphore, #tpu.memory_space<semaphore_mem>>)
    %add3A_140 = arith.constant 9840 : i32
    %add3A_141 = arith.addi %mul3A_2, %add3A_140 : i32
    %dma_wait3A_142 = arith.constant 0 : i32
    %dma_wait3A_143 = tpu.memref_slice %arg6[%add3A_141, %dma_wait3A_142] : memref<320000x128xi32, #tpu.memory_space<hbm>> -> memref<80x128xi32, #tpu.memory_space<hbm>>
    %dma_wait3A_144 = arith.constant 0 : i32
    %dma_wait3A_145 = tpu.memref_slice %arg6[%add3A_141, %dma_wait3A_144] : memref<320000x128xi32, #tpu.memory_space<hbm>> -> memref<80x128xi32, #tpu.memory_space<hbm>>
    tpu.wait_dma2 semaphore(%arg22 : memref<!tpu.dma_semaphore, #tpu.memory_space<semaphore_mem>>) src(%arg10 : memref<80x128xi32, #tpu.memory_space<vmem>>) dst(%dma_wait3A_145 : memref<80x128xi32, #tpu.memory_space<hbm>>)
    %dma_wait3A_146 = arith.constant 0 : i32
    %dma_wait3A_147 = tpu.memref_slice %arg7[%add3A_141, %dma_wait3A_146] : memref<320000x128xf32, #tpu.memory_space<hbm>> -> memref<80x128xf32, #tpu.memory_space<hbm>>
    %dma_wait3A_148 = arith.constant 0 : i32
    %dma_wait3A_149 = tpu.memref_slice %arg7[%add3A_141, %dma_wait3A_148] : memref<320000x128xf32, #tpu.memory_space<hbm>> -> memref<80x128xf32, #tpu.memory_space<hbm>>
    tpu.wait_dma2 semaphore(%arg23 : memref<!tpu.dma_semaphore, #tpu.memory_space<semaphore_mem>>) src(%arg11 : memref<80x128xf32, #tpu.memory_space<vmem>>) dst(%dma_wait3A_149 : memref<80x128xf32, #tpu.memory_space<hbm>>)
    %dma_wait3A_150 = arith.constant 0 : i32
    %dma_wait3A_151 = arith.constant 0 : i32
    %dma_wait3A_152 = tpu.memref_slice %arg2[%dma_wait3A_150, %dma_wait3A_151] : memref<10000x128xi32, #tpu.memory_space<hbm>> -> memref<10000x128xi32, #tpu.memory_space<hbm>>
    tpu.wait_indirect_dma semaphore(%arg24 : memref<!tpu.dma_semaphore, #tpu.memory_space<semaphore_mem>>) src(%dma_wait3A_152 : memref<10000x128xi32, #tpu.memory_space<hbm>>) dst(%arg14 : memref<80x128xi32, #tpu.memory_space<vmem>>)
    %dma_wait3A_153 = arith.constant 0 : i32
    %dma_wait3A_154 = arith.constant 0 : i32
    %dma_wait3A_155 = tpu.memref_slice %arg3[%dma_wait3A_153, %dma_wait3A_154] : memref<10000x128xf32, #tpu.memory_space<hbm>> -> memref<10000x128xf32, #tpu.memory_space<hbm>>
    tpu.wait_indirect_dma semaphore(%arg25 : memref<!tpu.dma_semaphore, #tpu.memory_space<semaphore_mem>>) src(%dma_wait3A_155 : memref<10000x128xf32, #tpu.memory_space<hbm>>) dst(%arg15 : memref<80x128xf32, #tpu.memory_space<vmem>>)
    %add3A_156 = arith.constant 9920 : i32
    %add3A_157 = arith.addi %mul3A_2, %add3A_156 : i32
    %dma_start3A_158 = arith.constant 0 : i32
    %dma_start3A_159 = tpu.memref_slice %arg6[%add3A_157, %dma_start3A_158] : memref<320000x128xi32, #tpu.memory_space<hbm>> -> memref<80x128xi32, #tpu.memory_space<hbm>>
    %dma_start3A_160 = arith.constant 0 : i32
    %dma_start3A_161 = tpu.memref_slice %arg6[%add3A_157, %dma_start3A_160] : memref<320000x128xi32, #tpu.memory_space<hbm>> -> memref<80x128xi32, #tpu.memory_space<hbm>>
    tpu.enqueue_dma source(%arg14 : memref<80x128xi32, #tpu.memory_space<vmem>>) target(%dma_start3A_161 : memref<80x128xi32, #tpu.memory_space<hbm>>) target_semaphore(%arg26 : memref<!tpu.dma_semaphore, #tpu.memory_space<semaphore_mem>>)
    %dma_start3A_162 = arith.constant 0 : i32
    %dma_start3A_163 = tpu.memref_slice %arg7[%add3A_157, %dma_start3A_162] : memref<320000x128xf32, #tpu.memory_space<hbm>> -> memref<80x128xf32, #tpu.memory_space<hbm>>
    %dma_start3A_164 = arith.constant 0 : i32
    %dma_start3A_165 = tpu.memref_slice %arg7[%add3A_157, %dma_start3A_164] : memref<320000x128xf32, #tpu.memory_space<hbm>> -> memref<80x128xf32, #tpu.memory_space<hbm>>
    tpu.enqueue_dma source(%arg15 : memref<80x128xf32, #tpu.memory_space<vmem>>) target(%dma_start3A_165 : memref<80x128xf32, #tpu.memory_space<hbm>>) target_semaphore(%arg27 : memref<!tpu.dma_semaphore, #tpu.memory_space<semaphore_mem>>)
    %add3A_166 = arith.constant 9920 : i32
    %add3A_167 = arith.addi %mul3A_2, %add3A_166 : i32
    %dma_wait3A_168 = arith.constant 0 : i32
    %dma_wait3A_169 = tpu.memref_slice %arg6[%add3A_167, %dma_wait3A_168] : memref<320000x128xi32, #tpu.memory_space<hbm>> -> memref<80x128xi32, #tpu.memory_space<hbm>>
    %dma_wait3A_170 = arith.constant 0 : i32
    %dma_wait3A_171 = tpu.memref_slice %arg6[%add3A_167, %dma_wait3A_170] : memref<320000x128xi32, #tpu.memory_space<hbm>> -> memref<80x128xi32, #tpu.memory_space<hbm>>
    tpu.wait_dma2 semaphore(%arg26 : memref<!tpu.dma_semaphore, #tpu.memory_space<semaphore_mem>>) src(%arg14 : memref<80x128xi32, #tpu.memory_space<vmem>>) dst(%dma_wait3A_171 : memref<80x128xi32, #tpu.memory_space<hbm>>)
    %dma_wait3A_172 = arith.constant 0 : i32
    %dma_wait3A_173 = tpu.memref_slice %arg7[%add3A_167, %dma_wait3A_172] : memref<320000x128xf32, #tpu.memory_space<hbm>> -> memref<80x128xf32, #tpu.memory_space<hbm>>
    %dma_wait3A_174 = arith.constant 0 : i32
    %dma_wait3A_175 = tpu.memref_slice %arg7[%add3A_167, %dma_wait3A_174] : memref<320000x128xf32, #tpu.memory_space<hbm>> -> memref<80x128xf32, #tpu.memory_space<hbm>>
    tpu.wait_dma2 semaphore(%arg27 : memref<!tpu.dma_semaphore, #tpu.memory_space<semaphore_mem>>) src(%arg15 : memref<80x128xf32, #tpu.memory_space<vmem>>) dst(%dma_wait3A_175 : memref<80x128xf32, #tpu.memory_space<hbm>>)
    return
  }
}

module attributes {stable_mosaic.version = 14 : i64} {
  func.func @_pre_body(%arg0: i32, %arg1: memref<2000x128xf32, #tpu.memory_space<vmem>>, %arg2: memref<128x512xf32, #tpu.memory_space<vmem>>, %arg3: memref<1x512xf32, #tpu.memory_space<vmem>>, %arg4: memref<2000x128xi32, #tpu.memory_space<vmem>>, %arg5: memref<2000x128xf32, #tpu.memory_space<vmem>>, %arg6: memref<2000x128xf32, #tpu.memory_space<vmem>>) attributes {dimension_semantics = [#tpu.dimension_semantics<arbitrary>], iteration_bounds = array<i64: 5>, scalar_prefetch = 0 : i64, scratch_operands = 0 : i64, tpu.core_type = #tpu.core_type<tc>, window_params = [{transform_indices = @transform_0, window_bounds = array<i64: 2000, 128>}, {pipeline_mode = #tpu.pipeline_mode<synchronous>, transform_indices = @transform_1, window_bounds = array<i64: 128, 512>}, {pipeline_mode = #tpu.pipeline_mode<synchronous>, transform_indices = @transform_2, window_bounds = array<i64: 1, 512>}, {transform_indices = @transform_3, window_bounds = array<i64: 2000, 128>}, {transform_indices = @transform_4, window_bounds = array<i64: 2000, 128>}, {transform_indices = @transform_5, window_bounds = array<i64: 2000, 128>}]} {
    %get3A = arith.constant 0 : index
    %get3A_0 = arith.constant 0 : index
    %get3A_1 = vector.load %arg1[%get3A, %get3A_0] : memref<2000x128xf32, #tpu.memory_space<vmem>>, vector<2000x128xf32>
    %get3A_2 = arith.constant 0 : index
    %get3A_3 = arith.constant 0 : index
    %get3A_4 = vector.load %arg2[%get3A_2, %get3A_3] : memref<128x512xf32, #tpu.memory_space<vmem>>, vector<128x512xf32>
    %dot_general3A = arith.constant dense<0.000000e+00> : vector<2000x512xf32>
    %dot_general3A_5 = tpu.matmul %get3A_1, %get3A_4, %dot_general3A {dimension_numbers = #tpu.dot_dimension_numbers<[1], [0], [0], [1], [0, 0, 1, 1], [], []>, transpose_lhs_hint = false} : vector<2000x128xf32>, vector<128x512xf32>, vector<2000x512xf32> -> vector<2000x512xf32>
    %get3A_6 = arith.constant 0 : index
    %get3A_7 = arith.constant 0 : index
    %get3A_8 = vector.load %arg3[%get3A_6, %get3A_7] : memref<1x512xf32, #tpu.memory_space<vmem>>, vector<1x512xf32>
    %add3A = vector.broadcast %get3A_8 : vector<1x512xf32> to vector<2000x512xf32>
    %add3A_9 = arith.addf %dot_general3A_5, %add3A : vector<2000x512xf32>
    %slice3A = vector.extract_strided_slice %add3A_9 {offsets = [0, 0], sizes = [2000, 128], strides = [1, 1]} : vector<2000x512xf32> to vector<2000x128xf32>
    %bitcast_convert_type3A = tpu.bitcast %slice3A : vector<2000x128xf32> -> vector<2000x128xi32>
    %add3A_10 = arith.constant 32767 : i32
    %add3A_11 = vector.broadcast %add3A_10 : i32 to vector<2000x128xi32>
    %add3A_12 = arith.addi %bitcast_convert_type3A, %add3A_11 : vector<2000x128xi32>
    %shift_right_logical3A = arith.constant 16 : i32
    %shift_right_logical3A_13 = vector.broadcast %shift_right_logical3A : i32 to vector<2000x128xi32>
    %shift_right_logical3A_14 = arith.shrui %bitcast_convert_type3A, %shift_right_logical3A_13 : vector<2000x128xi32>
    %and3A = arith.constant 1 : i32
    %and3A_15 = vector.broadcast %and3A : i32 to vector<2000x128xi32>
    %and3A_16 = arith.andi %shift_right_logical3A_14, %and3A_15 : vector<2000x128xi32>
    %add3A_17 = arith.addi %add3A_12, %and3A_16 : vector<2000x128xi32>
    %shift_right_logical3A_18 = arith.constant 16 : i32
    %shift_right_logical3A_19 = vector.broadcast %shift_right_logical3A_18 : i32 to vector<2000x128xi32>
    %shift_right_logical3A_20 = arith.shrui %add3A_17, %shift_right_logical3A_19 : vector<2000x128xi32>
    %slice3A_21 = vector.extract_strided_slice %add3A_9 {offsets = [0, 128], sizes = [2000, 128], strides = [1, 1]} : vector<2000x512xf32> to vector<2000x128xf32>
    %bitcast_convert_type3A_22 = tpu.bitcast %slice3A_21 : vector<2000x128xf32> -> vector<2000x128xi32>
    %add3A_23 = arith.constant 32767 : i32
    %add3A_24 = vector.broadcast %add3A_23 : i32 to vector<2000x128xi32>
    %add3A_25 = arith.addi %bitcast_convert_type3A_22, %add3A_24 : vector<2000x128xi32>
    %shift_right_logical3A_26 = arith.constant 16 : i32
    %shift_right_logical3A_27 = vector.broadcast %shift_right_logical3A_26 : i32 to vector<2000x128xi32>
    %shift_right_logical3A_28 = arith.shrui %bitcast_convert_type3A_22, %shift_right_logical3A_27 : vector<2000x128xi32>
    %and3A_29 = arith.constant 1 : i32
    %and3A_30 = vector.broadcast %and3A_29 : i32 to vector<2000x128xi32>
    %and3A_31 = arith.andi %shift_right_logical3A_28, %and3A_30 : vector<2000x128xi32>
    %add3A_32 = arith.addi %add3A_25, %and3A_31 : vector<2000x128xi32>
    %shift_right_logical3A_33 = arith.constant 16 : i32
    %shift_right_logical3A_34 = vector.broadcast %shift_right_logical3A_33 : i32 to vector<2000x128xi32>
    %shift_right_logical3A_35 = arith.shrui %add3A_32, %shift_right_logical3A_34 : vector<2000x128xi32>
    %shift_left3A = arith.constant 16 : i32
    %shift_left3A_36 = vector.broadcast %shift_left3A : i32 to vector<2000x128xi32>
    %shift_left3A_37 = arith.shli %shift_right_logical3A_35, %shift_left3A_36 : vector<2000x128xi32>
    %or3A = arith.ori %shift_right_logical3A_20, %shift_left3A_37 : vector<2000x128xi32>
    %bitcast_convert_type3A_38 = tpu.bitcast %or3A : vector<2000x128xi32> -> vector<2000x128xi32>
    %swap3A = arith.constant 0 : index
    %swap3A_39 = arith.constant 0 : index
    %swap3A_40 = vector.load %arg4[%swap3A, %swap3A_39] : memref<2000x128xi32, #tpu.memory_space<vmem>>, vector<2000x128xi32>
    tpu.vector_store %arg4[%swap3A, %swap3A_39], %bitcast_convert_type3A_38 {strides = array<i32>} : memref<2000x128xi32, #tpu.memory_space<vmem>>, vector<2000x128xi32>,
    %slice3A_41 = vector.extract_strided_slice %add3A_9 {offsets = [0, 256], sizes = [2000, 128], strides = [1, 1]} : vector<2000x512xf32> to vector<2000x128xf32>
    %swap3A_42 = arith.constant 0 : index
    %swap3A_43 = arith.constant 0 : index
    %swap3A_44 = vector.load %arg5[%swap3A_42, %swap3A_43] : memref<2000x128xf32, #tpu.memory_space<vmem>>, vector<2000x128xf32>
    tpu.vector_store %arg5[%swap3A_42, %swap3A_43], %slice3A_41 {strides = array<i32>} : memref<2000x128xf32, #tpu.memory_space<vmem>>, vector<2000x128xf32>,
    %slice3A_45 = vector.extract_strided_slice %add3A_9 {offsets = [0, 384], sizes = [2000, 128], strides = [1, 1]} : vector<2000x512xf32> to vector<2000x128xf32>
    %swap3A_46 = arith.constant 0 : index
    %swap3A_47 = arith.constant 0 : index
    %swap3A_48 = vector.load %arg6[%swap3A_46, %swap3A_47] : memref<2000x128xf32, #tpu.memory_space<vmem>>, vector<2000x128xf32>
    tpu.vector_store %arg6[%swap3A_46, %swap3A_47], %slice3A_45 {strides = array<i32>} : memref<2000x128xf32, #tpu.memory_space<vmem>>, vector<2000x128xf32>,
    return
  }
  func.func @transform_0(%arg0: i32) -> (i32, i32) {
    %c0_i32 = arith.constant 0 : i32
    %c0_i32_0 = arith.constant 0 : i32
    return %arg0, %c0_i32 : i32, i32
  }
  func.func @transform_1(%arg0: i32) -> (i32, i32) {
    %c0_i32 = arith.constant 0 : i32
    %c0_i32_0 = arith.constant 0 : i32
    %c0_i32_1 = arith.constant 0 : i32
    return %c0_i32, %c0_i32_0 : i32, i32
  }
  func.func @transform_2(%arg0: i32) -> (i32, i32) {
    %c0_i32 = arith.constant 0 : i32
    %c0_i32_0 = arith.constant 0 : i32
    %c0_i32_1 = arith.constant 0 : i32
    return %c0_i32, %c0_i32_0 : i32, i32
  }
  func.func @transform_3(%arg0: i32) -> (i32, i32) {
    %c0_i32 = arith.constant 0 : i32
    %c0_i32_0 = arith.constant 0 : i32
    return %arg0, %c0_i32 : i32, i32
  }
  func.func @transform_4(%arg0: i32) -> (i32, i32) {
    %c0_i32 = arith.constant 0 : i32
    %c0_i32_0 = arith.constant 0 : i32
    return %arg0, %c0_i32 : i32, i32
  }
  func.func @transform_5(%arg0: i32) -> (i32, i32) {
    %c0_i32 = arith.constant 0 : i32
    %c0_i32_0 = arith.constant 0 : i32
    return %arg0, %c0_i32 : i32, i32
  }
}

module attributes {stable_mosaic.version = 14 : i64} {
  func.func @_edge_body(%arg0: i32, %arg1: memref<2000x128xi32, #tpu.memory_space<vmem>>, %arg2: memref<2000x128xf32, #tpu.memory_space<vmem>>, %arg3: memref<2000x16xf32, #tpu.memory_space<vmem>>, %arg4: memref<16x128xf32, #tpu.memory_space<vmem>>, %arg5: memref<128x16xf32, #tpu.memory_space<vmem>>, %arg6: memref<1x16xf32, #tpu.memory_space<vmem>>, %arg7: memref<16x128xf32, #tpu.memory_space<vmem>>, %arg8: memref<2000x16xf32, #tpu.memory_space<vmem>>, %arg9: memref<2000x128xf32, #tpu.memory_space<vmem>>) attributes {dimension_semantics = [#tpu.dimension_semantics<arbitrary>], iteration_bounds = array<i64: 160>, scalar_prefetch = 0 : i64, scratch_operands = 0 : i64, tpu.core_type = #tpu.core_type<tc>, window_params = [{transform_indices = @transform_0, window_bounds = array<i64: 2000, 128>}, {transform_indices = @transform_1, window_bounds = array<i64: 2000, 128>}, {transform_indices = @transform_2, window_bounds = array<i64: 2000, 16>}, {pipeline_mode = #tpu.pipeline_mode<synchronous>, transform_indices = @transform_3, window_bounds = array<i64: 16, 128>}, {pipeline_mode = #tpu.pipeline_mode<synchronous>, transform_indices = @transform_4, window_bounds = array<i64: 128, 16>}, {pipeline_mode = #tpu.pipeline_mode<synchronous>, transform_indices = @transform_5, window_bounds = array<i64: 1, 16>}, {pipeline_mode = #tpu.pipeline_mode<synchronous>, transform_indices = @transform_6, window_bounds = array<i64: 16, 128>}, {transform_indices = @transform_7, window_bounds = array<i64: 2000, 16>}, {transform_indices = @transform_8, window_bounds = array<i64: 2000, 128>}]} {
    %get3A = arith.constant 0 : index
    %get3A_0 = arith.constant 0 : index
    %get3A_1 = vector.load %arg1[%get3A, %get3A_0] : memref<2000x128xi32, #tpu.memory_space<vmem>>, vector<2000x128xi32>
    %bitcast_convert_type3A = tpu.bitcast %get3A_1 : vector<2000x128xi32> -> vector<2000x128xi32>
    %shift_left3A = arith.constant 16 : i32
    %shift_left3A_2 = vector.broadcast %shift_left3A : i32 to vector<2000x128xi32>
    %shift_left3A_3 = arith.shli %bitcast_convert_type3A, %shift_left3A_2 : vector<2000x128xi32>
    %bitcast_convert_type3A_4 = tpu.bitcast %shift_left3A_3 : vector<2000x128xi32> -> vector<2000x128xf32>
    %and3A = arith.constant -65536 : i32
    %and3A_5 = vector.broadcast %and3A : i32 to vector<2000x128xi32>
    %and3A_6 = arith.andi %bitcast_convert_type3A, %and3A_5 : vector<2000x128xi32>
    %bitcast_convert_type3A_7 = tpu.bitcast %and3A_6 : vector<2000x128xi32> -> vector<2000x128xf32>
    %get3A_8 = arith.constant 0 : index
    %get3A_9 = arith.constant 0 : index
    %get3A_10 = vector.load %arg2[%get3A_8, %get3A_9] : memref<2000x128xf32, #tpu.memory_space<vmem>>, vector<2000x128xf32>
    %add3A = arith.addf %bitcast_convert_type3A_4, %get3A_10 : vector<2000x128xf32>
    %get3A_11 = arith.constant 0 : index
    %get3A_12 = arith.constant 0 : index
    %get3A_13 = vector.load %arg3[%get3A_11, %get3A_12] : memref<2000x16xf32, #tpu.memory_space<vmem>>, vector<2000x16xf32>
    %get3A_14 = arith.constant 0 : index
    %get3A_15 = arith.constant 0 : index
    %get3A_16 = vector.load %arg4[%get3A_14, %get3A_15] : memref<16x128xf32, #tpu.memory_space<vmem>>, vector<16x128xf32>
    %dot_general3A = arith.constant dense<0.000000e+00> : vector<2000x128xf32>
    %dot_general3A_17 = tpu.matmul %get3A_13, %get3A_16, %dot_general3A {dimension_numbers = #tpu.dot_dimension_numbers<[1], [0], [0], [1], [0, 0, 1, 1], [], []>, transpose_lhs_hint = false} : vector<2000x16xf32>, vector<16x128xf32>, vector<2000x128xf32> -> vector<2000x128xf32>
    %add3A_18 = arith.addf %add3A, %dot_general3A_17 : vector<2000x128xf32>
    %max3A = arith.constant 0.000000e+00 : f32
    %max3A_19 = vector.broadcast %max3A : f32 to vector<2000x128xf32>
    %max3A_20 = arith.maximumf %add3A_18, %max3A_19 : vector<2000x128xf32>
    %get3A_21 = arith.constant 0 : index
    %get3A_22 = arith.constant 0 : index
    %get3A_23 = vector.load %arg5[%get3A_21, %get3A_22] : memref<128x16xf32, #tpu.memory_space<vmem>>, vector<128x16xf32>
    %dot_general3A_24 = arith.constant dense<0.000000e+00> : vector<2000x16xf32>
    %dot_general3A_25 = tpu.matmul %max3A_20, %get3A_23, %dot_general3A_24 {dimension_numbers = #tpu.dot_dimension_numbers<[1], [0], [0], [1], [0, 0, 1, 1], [], []>, transpose_lhs_hint = false} : vector<2000x128xf32>, vector<128x16xf32>, vector<2000x16xf32> -> vector<2000x16xf32>
    %get3A_26 = arith.constant 0 : index
    %get3A_27 = arith.constant 0 : index
    %get3A_28 = vector.load %arg6[%get3A_26, %get3A_27] : memref<1x16xf32, #tpu.memory_space<vmem>>, vector<1x16xf32>
    %add3A_29 = vector.broadcast %get3A_28 : vector<1x16xf32> to vector<2000x16xf32>
    %add3A_30 = arith.addf %dot_general3A_25, %add3A_29 : vector<2000x16xf32>
    %swap3A = arith.constant 0 : index
    %swap3A_31 = arith.constant 0 : index
    %swap3A_32 = vector.load %arg8[%swap3A, %swap3A_31] : memref<2000x16xf32, #tpu.memory_space<vmem>>, vector<2000x16xf32>
    tpu.vector_store %arg8[%swap3A, %swap3A_31], %add3A_30 {strides = array<i32>} : memref<2000x16xf32, #tpu.memory_space<vmem>>, vector<2000x16xf32>,
    %get3A_33 = arith.constant 0 : index
    %get3A_34 = arith.constant 0 : index
    %get3A_35 = vector.load %arg7[%get3A_33, %get3A_34] : memref<16x128xf32, #tpu.memory_space<vmem>>, vector<16x128xf32>
    %dot_general3A_36 = arith.constant dense<0.000000e+00> : vector<2000x128xf32>
    %dot_general3A_37 = tpu.matmul %add3A_30, %get3A_35, %dot_general3A_36 {dimension_numbers = #tpu.dot_dimension_numbers<[1], [0], [0], [1], [0, 0, 1, 1], [], []>, transpose_lhs_hint = false} : vector<2000x16xf32>, vector<16x128xf32>, vector<2000x128xf32> -> vector<2000x128xf32>
    %add3A_38 = arith.addf %bitcast_convert_type3A_7, %dot_general3A_37 : vector<2000x128xf32>
    %max3A_39 = arith.constant 0.000000e+00 : f32
    %max3A_40 = vector.broadcast %max3A_39 : f32 to vector<2000x128xf32>
    %max3A_41 = arith.maximumf %add3A_38, %max3A_40 : vector<2000x128xf32>
    %swap3A_42 = arith.constant 0 : index
    %swap3A_43 = arith.constant 0 : index
    %swap3A_44 = vector.load %arg9[%swap3A_42, %swap3A_43] : memref<2000x128xf32, #tpu.memory_space<vmem>>, vector<2000x128xf32>
    tpu.vector_store %arg9[%swap3A_42, %swap3A_43], %max3A_41 {strides = array<i32>} : memref<2000x128xf32, #tpu.memory_space<vmem>>, vector<2000x128xf32>,
    return
  }
  func.func @transform_0(%arg0: i32) -> (i32, i32) {
    %c0_i32 = arith.constant 0 : i32
    %c0_i32_0 = arith.constant 0 : i32
    return %arg0, %c0_i32 : i32, i32
  }
  func.func @transform_1(%arg0: i32) -> (i32, i32) {
    %c0_i32 = arith.constant 0 : i32
    %c0_i32_0 = arith.constant 0 : i32
    return %arg0, %c0_i32 : i32, i32
  }
  func.func @transform_2(%arg0: i32) -> (i32, i32) {
    %c0_i32 = arith.constant 0 : i32
    %c0_i32_0 = arith.constant 0 : i32
    return %arg0, %c0_i32 : i32, i32
  }
  func.func @transform_3(%arg0: i32) -> (i32, i32) {
    %c0_i32 = arith.constant 0 : i32
    %c0_i32_0 = arith.constant 0 : i32
    %c0_i32_1 = arith.constant 0 : i32
    return %c0_i32, %c0_i32_0 : i32, i32
  }
  func.func @transform_4(%arg0: i32) -> (i32, i32) {
    %c0_i32 = arith.constant 0 : i32
    %c0_i32_0 = arith.constant 0 : i32
    %c0_i32_1 = arith.constant 0 : i32
    return %c0_i32, %c0_i32_0 : i32, i32
  }
  func.func @transform_5(%arg0: i32) -> (i32, i32) {
    %c0_i32 = arith.constant 0 : i32
    %c0_i32_0 = arith.constant 0 : i32
    %c0_i32_1 = arith.constant 0 : i32
    return %c0_i32, %c0_i32_0 : i32, i32
  }
  func.func @transform_6(%arg0: i32) -> (i32, i32) {
    %c0_i32 = arith.constant 0 : i32
    %c0_i32_0 = arith.constant 0 : i32
    %c0_i32_1 = arith.constant 0 : i32
    return %c0_i32, %c0_i32_0 : i32, i32
  }
  func.func @transform_7(%arg0: i32) -> (i32, i32) {
    %c0_i32 = arith.constant 0 : i32
    %c0_i32_0 = arith.constant 0 : i32
    return %arg0, %c0_i32 : i32, i32
  }
  func.func @transform_8(%arg0: i32) -> (i32, i32) {
    %c0_i32 = arith.constant 0 : i32
    %c0_i32_0 = arith.constant 0 : i32
    return %arg0, %c0_i32 : i32, i32
  }
}

module attributes {stable_mosaic.version = 14 : i64} {
  func.func @_final_body(%arg0: i32, %arg1: memref<2000x128xf32, #tpu.memory_space<vmem>>, %arg2: memref<2000x128xf32, #tpu.memory_space<vmem>>, %arg3: memref<2000x128xf32, #tpu.memory_space<vmem>>, %arg4: memref<128x128xf32, #tpu.memory_space<vmem>>, %arg5: memref<2000x128xf32, #tpu.memory_space<vmem>>) attributes {dimension_semantics = [#tpu.dimension_semantics<arbitrary>], iteration_bounds = array<i64: 5>, scalar_prefetch = 0 : i64, scratch_operands = 0 : i64, tpu.core_type = #tpu.core_type<tc>, window_params = [{transform_indices = @transform_0, window_bounds = array<i64: 2000, 128>}, {transform_indices = @transform_1, window_bounds = array<i64: 2000, 128>}, {transform_indices = @transform_2, window_bounds = array<i64: 2000, 128>}, {pipeline_mode = #tpu.pipeline_mode<synchronous>, transform_indices = @transform_3, window_bounds = array<i64: 128, 128>}, {transform_indices = @transform_4, window_bounds = array<i64: 2000, 128>}]} {
    %get3A = arith.constant 0 : index
    %get3A_0 = arith.constant 0 : index
    %get3A_1 = vector.load %arg3[%get3A, %get3A_0] : memref<2000x128xf32, #tpu.memory_space<vmem>>, vector<2000x128xf32>
    %slice3A = vector.extract_strided_slice %get3A_1 {offsets = [0, 0], sizes = [2000, 1], strides = [1, 1]} : vector<2000x128xf32> to vector<2000x1xf32>
    %get3A_2 = arith.constant 0 : index
    %get3A_3 = arith.constant 0 : index
    %get3A_4 = vector.load %arg2[%get3A_2, %get3A_3] : memref<2000x128xf32, #tpu.memory_space<vmem>>, vector<2000x128xf32>
    %max3A = arith.constant 1.000000e+00 : f32
    %max3A_5 = vector.broadcast %max3A : f32 to vector<2000x1xf32>
    %max3A_6 = arith.maximumf %slice3A, %max3A_5 : vector<2000x1xf32>
    %div3A = vector.broadcast %max3A_6 : vector<2000x1xf32> to vector<2000x128xf32>
    %div3A_7 = arith.divf %get3A_4, %div3A : vector<2000x128xf32>
    %get3A_8 = arith.constant 0 : index
    %get3A_9 = arith.constant 0 : index
    %get3A_10 = vector.load %arg1[%get3A_8, %get3A_9] : memref<2000x128xf32, #tpu.memory_space<vmem>>, vector<2000x128xf32>
    %get3A_11 = arith.constant 0 : index
    %get3A_12 = arith.constant 0 : index
    %get3A_13 = vector.load %arg4[%get3A_11, %get3A_12] : memref<128x128xf32, #tpu.memory_space<vmem>>, vector<128x128xf32>
    %dot_general3A = arith.constant dense<0.000000e+00> : vector<2000x128xf32>
    %dot_general3A_14 = tpu.matmul %div3A_7, %get3A_13, %dot_general3A {dimension_numbers = #tpu.dot_dimension_numbers<[1], [0], [0], [1], [0, 0, 1, 1], [], []>, transpose_lhs_hint = false} : vector<2000x128xf32>, vector<128x128xf32>, vector<2000x128xf32> -> vector<2000x128xf32>
    %add3A = arith.addf %get3A_10, %dot_general3A_14 : vector<2000x128xf32>
    %swap3A = arith.constant 0 : index
    %swap3A_15 = arith.constant 0 : index
    %swap3A_16 = vector.load %arg5[%swap3A, %swap3A_15] : memref<2000x128xf32, #tpu.memory_space<vmem>>, vector<2000x128xf32>
    tpu.vector_store %arg5[%swap3A, %swap3A_15], %add3A {strides = array<i32>} : memref<2000x128xf32, #tpu.memory_space<vmem>>, vector<2000x128xf32>,
    return
  }
  func.func @transform_0(%arg0: i32) -> (i32, i32) {
    %c0_i32 = arith.constant 0 : i32
    %c0_i32_0 = arith.constant 0 : i32
    return %arg0, %c0_i32 : i32, i32
  }
  func.func @transform_1(%arg0: i32) -> (i32, i32) {
    %c0_i32 = arith.constant 0 : i32
    %c0_i32_0 = arith.constant 0 : i32
    return %arg0, %c0_i32 : i32, i32
  }
  func.func @transform_2(%arg0: i32) -> (i32, i32) {
    %c0_i32 = arith.constant 0 : i32
    %c0_i32_0 = arith.constant 0 : i32
    return %arg0, %c0_i32 : i32, i32
  }
  func.func @transform_3(%arg0: i32) -> (i32, i32) {
    %c0_i32 = arith.constant 0 : i32
    %c0_i32_0 = arith.constant 0 : i32
    %c0_i32_1 = arith.constant 0 : i32
    return %c0_i32, %c0_i32_0 : i32, i32
  }
  func.func @transform_4(%arg0: i32) -> (i32, i32) {
    %c0_i32 = arith.constant 0 : i32
    %c0_i32_0 = arith.constant 0 : i32
    return %arg0, %c0_i32 : i32, i32
  }
}

</mosaic_0001>

<sc_bundles>
// kernel: kernel.10.cloned.1.call-start
scs
__scs_entry_jumppad:
0x0: {  	(pc) =	sbr.rel $0x88, $3  }
0x1: {  	(tag) =	ssettag $0x0;
	lr =	simm.s32 $0x1  }
0x2: {  	[smem:$0x3F96] =	sst lr;
	_ =	strace $0xD0000000  }
0x3: {  	_ = 	snop  }
0x4: {  	_ = 	snop  }
0x5: {  	_ = 	snop  }
0x6: {  	_ = 	snop  }
0x7: {  	_ = 	snop  }
__scs_overlays_trampoline_lowered:
0x8: {  	[smem:$0x3FA5] =	sst s0  }
0x9: {  	[smem:$0x3FA6] =	sst s1  }
0xa: {  	[smem:$0x3FA7] =	sst s2  }
0xb: {  	[smem:$0x3FA8] =	sst s3  }
0xc: {  	[smem:$0x3FA9] =	sst s4  }
0xd: {  	[smem:$0x3FAA] =	sst s5  }
0xe: {  	[smem:$0x3FAB] =	sst s6  }
0xf: {  	[smem:$0x3FAC] =	sst s7  }
0x10: {  	[smem:$0x3FAD] =	sst s8  }
0x11: {  	[smem:$0x3FAE] =	sst s9;
	s0 =	simm.s32 @!p0 $0x0  }
0x12: {  	s1 =	sld [smem:$0x3F94];
	s0 =	simm.s32 @p0 $0x1  }
0x13: {  	[smem:$0x3FAF] =	sst s0;
	s0 =	simm.s32 @!p1 $0x0  }
0x14: {  	s2 =	sld [smem:$0x3F93];
	s0 =	simm.s32 @p1 $0x1  }
0x15: {  	[smem:$0x3FB0] =	sst s0;
	s0 =	simm.s32 @!p2 $0x0  }
0x16: {  	s3 =	sld [smem:$0x3FDB];
	s0 =	simm.s32 @p2 $0x1  }
0x17: {  	s4 =	simm.s32 $0x1BF5;
	[smem:$0x3FB2] =	sst s0  }
0x18: {  	s0 =	sld [smem:$0x3F95];
	_ =	swait.ge [sflag:s4], $0x0  }
0x19: {  	s7 =	sld [smem:$0x3F96]  }
0x1a: {  	s8 =	sadd.s32 $0xFFFFE003, lr  }
0x1b: {  	s9 =	sadd.s32 $0xFFFFFEF7, lr;
	s5 =	simm.s32 $0xFFFFFFFF;
	p2 =	slt.u32 s8, $0xFFFFF086  }
0x1c: {  	p1 =	slt.u32 s9, $0xF7A;
	s5 =	simm.s32 @!p2 $0x0  }
0x1d: {  	s5 =	simm.s32 @p1 $0x1;
	p0 =	seq.s32 s7, s2  }
0x1e: {  	s7 =	smul.u32 @!p0 $0xF7A, s2;
	p2 =	seq.s32 @!p0 s5, $0x0  }
0x1f: {  	s9 =	smul.u32 $0xF7A, s1;
	s8 =	simm.s32 @!p0 $0x1BF5;
	p2 =	por !p2, p0  }
0x20: {  	[sflag:s8] =	ssyncset.s32 @!p0 $0xFFFFF086;
	s6 =	sadd.s32 @!p0 s3, s7;
	s7 =	simm.s32 @!p0 $0x108  }
0x21: {  	s3 =	sadd.s32 s3, s9;
	s6 =	sadd.s32 @!p0 $0x88, s6;
	s7 =	simm.s32 @p2 $0x1082  }
0x22: {  	[simem:s7], [sflag:s8] =	dma.local @!p0 [hbm:s6], $0xF7A  }
0x23: {  	s9 =	sor.u32 $0xD0000000, s2;
	s6 =	simm.s32 $0x108;
	_ =	swait.ge @!p0 [sflag:s8], $0x0  }
0x24: {  	s3 =	sadd.s32 $0x88, s3;
	s6 =	simm.s32 @!p1 $0x1082;
	[sflag:s4] =	ssyncset.s32 $0xFFFFF086  }
0x25: {  	[simem:s6], [sflag:s4] =	dma.local [hbm:s3], $0xF7A  }
0x26: {  	[smem:$0x3F96] =	sst s1;
	(tag) =	ssettag s2;
	_ =	strace s9  }
0x27: {  	s1 =	sld [smem:$0x3FA6]  }
0x28: {  	s2 =	sld [smem:$0x3FA7]  }
0x29: {  	s4 =	sld [smem:$0x3FA9]  }
0x2a: {  	p0 =	seq.s32 s5, $0x0;
	s5 =	sld [smem:$0x3FAA]  }
0x2b: {  	s6 =	sld [smem:$0x3FAB]  }
0x2c: {  	s7 =	sld [smem:$0x3FAC]  }
0x2d: {  	s3 =	simm.s32 $0x108;
	s8 =	sld [smem:$0x3FAD]  }
0x2e: {  	s3 =	simm.s32 @!p0 $0x1082;
	s9 =	sld [smem:$0x3FAE]  }
0x2f: {  	lr =	sadd.s32 s0, s3;
	s0 =	sld [smem:$0x3FA5]  }
0x30: {  	s3 =	sld [smem:$0x3FA8]  }
0x31: {  	[smem:$0x3FB1] =	sst s10  }
0x32: {  	s10 =	sld [smem:$0x3FAF];
	_ =	sdelay $0x3  }
0x33: {  	p0 =	seq.s32 s10, $0x1;
	s10 =	sld [smem:$0x3FB1];
	_ =	sdelay $0x3  }
0x34: {  	[smem:$0x3FB1] =	sst s10  }
0x35: {  	s10 =	sld [smem:$0x3FB0];
	_ =	sdelay $0x3  }
0x36: {  	p1 =	seq.s32 s10, $0x1;
	s10 =	sld [smem:$0x3FB1];
	_ =	sdelay $0x3  }
0x37: {  	[smem:$0x3FB1] =	sst s10  }
0x38: {  	s10 =	sld [smem:$0x3FB2]  }
0x39: {  	_ = 	snop;
	(pc) =	sbr.ind lr, $3  }
0x3a: {  	_ = 	snop  }
0x3b: {  	_ = 	snop  }
0x3c: {  	p2 =	seq.s32 s10, $0x1;
	s10 =	sld [smem:$0x3FB1]  }
0x3d: {  	_ =	shalt  }
0x3e: {  	_ =	shalt  }
0x3f: {  	_ =	shalt  }
0x40: {  	_ =	shalt  }
0x41: {  	_ =	shalt  }
0x42: {  	_ =	shalt  }
0x43: {  	_ =	shalt  }
0x44: {  	_ =	shalt  }
0x45: {  	_ =	shalt  }
0x46: {  	_ =	shalt  }
0x47: {  	_ =	shalt  }
0x48: {  	_ =	shalt  }
0x49: {  	_ =	shalt  }
0x4a: {  	_ =	shalt  }
0x4b: {  	_ =	shalt  }
0x4c: {  	_ =	shalt  }
0x4d: {  	_ =	shalt  }
0x4e: {  	_ =	shalt  }
0x4f: {  	_ =	shalt  }
0x50: {  	_ =	shalt  }
0x51: {  	_ =	shalt  }
0x52: {  	_ =	shalt  }
0x53: {  	_ =	shalt  }
0x54: {  	_ =	shalt  }
0x55: {  	_ =	shalt  }
0x56: {  	_ =	shalt  }
0x57: {  	_ =	shalt  }
0x58: {  	_ =	shalt  }
0x59: {  	_ =	shalt  }
0x5a: {  	_ =	shalt  }
0x5b: {  	_ =	shalt  }
0x5c: {  	_ =	shalt  }
0x5d: {  	_ =	shalt  }
0x5e: {  	_ =	shalt  }
0x5f: {  	_ =	shalt  }
0x60: {  	_ =	shalt  }
0x61: {  	_ =	shalt  }
0x62: {  	_ =	shalt  }
0x63: {  	_ =	shalt  }
0x64: {  	_ =	shalt  }
0x65: {  	_ =	shalt  }
0x66: {  	_ =	shalt  }
0x67: {  	_ =	shalt  }
0x68: {  	_ =	shalt  }
0x69: {  	_ =	shalt  }
0x6a: {  	_ =	shalt  }
0x6b: {  	_ =	shalt  }
0x6c: {  	_ =	shalt  }
0x6d: {  	_ =	shalt  }
0x6e: {  	_ =	shalt  }
0x6f: {  	_ =	shalt  }
0x70: {  	_ =	shalt  }
0x71: {  	_ =	shalt  }
0x72: {  	_ =	shalt  }
0x73: {  	_ =	shalt  }
0x74: {  	_ =	shalt  }
0x75: {  	_ =	shalt  }
0x76: {  	_ =	shalt  }
0x77: {  	_ =	shalt  }
0x78: {  	_ =	shalt  }
0x79: {  	_ =	shalt  }
0x7a: {  	_ =	shalt  }
0x7b: {  	_ =	shalt  }
0x7c: {  	_ =	shalt  }
0x7d: {  	_ =	shalt  }
0x7e: {  	_ =	shalt  }
0x7f: {  	_ =	shalt  }
0x80: {  	_ =	shalt  }
0x81: {  	_ =	shalt  }
0x82: {  	_ =	shalt  }
0x83: {  	_ =	shalt  }
0x84: {  	_ =	shalt  }
0x85: {  	_ =	shalt  }
0x86: {  	_ =	shalt  }
0x87: {  	_ =	shalt  }
.Lfunc_end0:
.L_simem_size_0:
called_computation.1_lowered:
.L_overlay_start_0:
0x88: {  	s2 =	sld [smem:$0x3FD9]  }
0x89: {  	s3 =	sld [smem:$0x3FFE];
	_ =	sdelay $0x1  }
0x8a: {  	s1 =	srdreg.scid  }
0x8b: {  	s0 =	sand.u32 $0x1, s1  }
0x8c: {  	s16 =	sshll.u32 s0, $0xA;
	s2 =	sadd.s32 s3, s2  }
0x8d: {  	s2 =	sadd.s32 s2, s16  }
0x8e: {  	[smem:$0x3FBD] =	sst s2  }
0x8f: {  	_ = 	snop  }
0x90: {  	(tm) =	ssettm $0x1  }
0x91: {  	s17 =	sld [smem:$0x3FFB];
	_ =	sdelay $0x3  }
0x92: {  	_ =	strace s17  }
0x93: {  	s2 =	sld [smem:$0x3FFC];
	_ =	sdelay $0x3  }
0x94: {  	_ =	strace s2  }
0x95: {  	s2 =	sld [smem:$0x3FFD];
	_ =	sdelay $0x3  }
0x96: {  	_ =	strace s2  }
0x97: {  	_ =	strace $0x8FFFFFFF  }
0x98: {  	s18 =	sld [smem:$0x3FDB];
	_ =	sdelay $0x1  }
0x99: {  	s19 =	simm.s32 $_scs_section_size  }
0x9a: {  	s4 =	simm.s32 $_size__tile_overlayer_lowered;
	s5 =	simm.s32 $_tile_overlayer_lowered  }
0x9b: {  	s22 =	simm.s32 $0x1BFF;
	s21 =	sshll.u32 s5, $0x1;
	s2 =	sadd.s32 s19, s18  }
0x9c: {  	s6 =	simm.s32 $0x0;
	s20 =	sshll.u32 s4, $0x1;
	s4 =	sadd.s32 s21, s2  }
0x9d: {  	[timem:s6], [sflag:s22] =	dma.local [hbm:s4], s20  }
0x9e: {  	_ =	swait.ge [sflag:s22], s20  }
0x9f: {  	s3 =	ssub.s32 $0x0, s20;
	[sflag:s22] =	ssyncset.done $0x0  }
0xa0: {  	[sflag:s22] =	ssyncadd.s32 s3;
	_ =	sdelay $0x1  }
0xa1: {  	s23 =	simm.s32 $0x1B8B  }
0xa2: {  	_ =	swait.ge [sflag:s23], $0x1  }
0xa3: {  	[sflag:s23] =	ssyncset.done $0x0  }
0xa4: {  	s25 =	simm.s32 $0x1B8E;
	s24 =	sld [smem:$0x3FFE];
	[sflag:s23] =	ssyncadd.s32 $0xFFFFFFFF  }
0xa5: {  	s26 =	simm.s32 $execute0_lowered;
	[smem:$0x3FD2] =	sst s25  }
0xa6: {  	s4 =	sshll.u32 s26, $0x1;
	_ =	strace $0x80000049;
	[dreg:$0x1] =	wrdreg $0xFFFFFFFF  }
0xa7: {  	s28 =	simm.s32 $_size_execute0_lowered;
	s2 =	sadd.s32 s2, s4;
	[dreg:$0x0] =	wrdreg $0x0  }
0xa8: {  	s4 =	sshll.u32 s28, $0x1;
	[dreg:$0x2] =	wrdreg s2  }
0xa9: {  	[dreg:$0x3] =	wrdreg s4  }
0xaa: {  	[dreg:$0x4] =	wrdreg $0xC0  }
0xab: {  	_ =	task [dreg:s6], $0x5FFFF  }
0xac: {  	[dreg:$0x1] =	wrdreg $0xFFFFFFFF  }
0xad: {  	[dreg:$0x0] =	wrdreg $0x60  }
0xae: {  	[dreg:$0x2] =	wrdreg s24  }
0xaf: {  	[dreg:$0x3] =	wrdreg $0x8E000  }
0xb0: {  	[dreg:$0x4] =	wrdreg $0x12E000  }
0xb1: {  	[dreg:$0x5] =	wrdreg $0x9  }
0xb2: {  	_ =	task.clear_ibuf [dreg:s6], $0x6FFFF;
	_ =	strace $0x90000049  }
0xb3: {  	s29 =	simm.s32 $0x9;
	_ =	strace $0x8000004B  }
0xb4: {  	_ =	swait.ge [sflag:s29], $0x1  }
0xb5: {  	[sflag:s29] =	ssyncadd.s32 $0xFFFFFFFF  }
0xb6: {  	_ =	strace $0x9000004B  }
0xb7: {  	_ =	sfence  }
0xb8: {  	s30 =	sld [smem:$0x0];
	_ =	sdelay $0x2  }
0xb9: {  	s31 =	sshll.u32 s1, $0xD;
	s1 =	sshrl.u32 s1, $0x2  }
0xba: {  	s3 =	sand.u32 $0x4000, s31;
	s1 =	sadd.s32 s1, s30  }
0xbb: {  	s0 =	sor.u32 s3, s0;
	s1 =	sshll.u32 s1, $0x11  }
0xbc: {  	s0 =	sor.u32 s1, s0  }
0xbd: {  	s0 =	sadd.s32 $0x8F2B, s0  }
0xbe: {  	[sflag:s0] =	ssyncadd.remote.s32 $0x1  }
0xbf: {  	_ =	sfence.sel $0xFFFF  }
0xc0: {  	[dreg:$0x0] =	wrdreg $0xFFFFFFFF;
	(pc) =	sbr.abs _section_cstart, $3  }
0xc1: {  	[dreg:$0x1] =	wrdreg $0xFFFFFFFF  }
0xc2: {  	_ =	task.clear_ibuf [dreg:s6], $0x2FFFF;
	_ =	strace $0x9FFFFFFF  }
0xc3: {  	(tm) =	ssettm $0x7FFFFFFF  }
tec
execute0_lowered:
.L_overlay_start_1:
0x0: {  	(tag) =	ssettag $0x1  }
0x1: {  	s0 =	rddreg [dreg:$0x0]  }
0x2: {  	s1 =	rddreg [dreg:$0x1]  }
0x3: {  	s2 =	rddreg [dreg:$0x2]  }
0x4: {  	s3 =	simm.s32 $0x0;
	s4 =	srdreg.scid;
	s11 =	stileid.u32  }
0x5: {  	s12 =	simm.s32 $0x5;
	[smem:$0x7FF] =	sst s3;
	s9 =	smul.u32 $0x4E20, s11  }
0x6: {  	s5 =	sadd.s32 $0x13C7600, s0;
	s4 =	sand.u32 $0x1, s4;
	s20 =	smul.u32 $0x4E200, s11  }
0x7: {  	s6 =	sadd.s32 $0xDE00, s0;
	s8 =	sadd.s32 $0x4600, s0;
	s14 =	smul.u32 $0x1400, s11  }
0x8: {  	s10 =	sadd.s32 $0x4000, s0;
	p0 =	seq.s32 s11, $0xF;
	s7 =	smul.u32 $0x13880, s4  }
0x9: {  	_ =	strace $0x8000004A;
	[dreg:$0x4] =	wrdreg s8;
	s23 =	smul.u32 $0x1388, s4  }
0xa: {  	s17 =	ssub.s32 $0x2, s4;
	[dreg:$0x5] =	wrdreg s10;
	s10 =	smul.u32 $0xA000, s11  }
0xb: {  	s12 =	simm.s32 @!p0 $0x8;
	s18 =	sshrl.u32 s17, $0x1;
	s19 =	sshrl.u32 s9, $0x3  }
0xc: {  	s22 =	sadd.s32 $0x50, s9;
	s8 =	sadd.s32 s5, s20;
	[dreg:$0x7] =	wrdreg s12  }
0xd: {  	s0 =	sadd.s32 s7, s0;
	s7 =	ssub.s32 s17, s18;
	s21 =	sadd.s32 s6, s19  }
0xe: {  	s9 =	sshrl.u32 s22, $0x3;
	s4 =	sshll.u32 s22, $0x4;
	s25 =	sor.u32 $0x1400, s10  }
0xf: {  	s26 =	sadd.s32 $0x2800, s10;
	s13 =	sadd.s32 $0x5000, s10;
	s18 =	sadd.s32 $0x6400, s10  }
0x10: {  	s20 =	sadd.s32 $0x7800, s10;
	[dreg:$0x6] =	wrdreg s21;
	s9 =	sadd.s32 s6, s9  }
0x11: {  	s22 =	smul.u32 $0x28000, s11;
	s4 =	sadd.s32 s5, s4;
	[dreg:$0x8] =	wrdreg s9  }
0x12: {  	v0 =	vmov s23;
	s23 =	simm.s32 $0x7;
	s24 =	smax.u32 s7, $0x1;
	[dreg:$0x9] =	wrdreg s4  }
0x13: {  	s29 =	sadd.s32 s25, s1;
	s30 =	sadd.s32 s26, s1;
	[dreg:$0xa] =	wrdreg s24  }
0x14: {  	s31 =	sadd.s32 s26, s2;
	s5 =	sadd.s32 $0x3C00, s10;
	[dreg:$0xb] =	wrdreg s29  }
0x15: {  	s16 =	sadd.s32 s13, s1;
	s17 =	sadd.s32 s13, s2;
	[dreg:$0xd] =	wrdreg s30  }
0x16: {  	s0 =	sadd.s32 s14, s0;
	s19 =	sadd.s32 s18, s1;
	[dreg:$0xe] =	wrdreg s31  }
0x17: {  	s21 =	sadd.s32 s20, s1;
	s26 =	sadd.s32 $0x8C00, s10;
	[dreg:$0x11] =	wrdreg s16  }
0x18: {  	s7 =	simm.s32 $0x7A00;
	s13 =	simm.s32 $0x1;
	[dreg:$0x12] =	wrdreg s17  }
0x19: {  	s14 =	simm.s32 $0x2;
	s4 =	sadd.s32 s25, s2;
	[dreg:$0x13] =	wrdreg s19  }
0x1a: {  	s9 =	smul.u32 $0x9C4, s11;
	s12 =	sadd.s32 s5, s1;
	[dreg:$0x15] =	wrdreg s21  }
0x1b: {  	s24 =	sadd.s32 s10, s1;
	s25 =	sadd.s32 s10, s2;
	s29 =	sadd.s32 s26, s1  }
0x1c: {  	s30 =	sadd.s32 $0x18400, s0;
	s31 =	sadd.s32 $0x1388, s11;
	[dreg:$0xc] =	wrdreg s4  }
0x1d: {  	s10 =	simm.s32 $0x9;
	s11 =	simm.s32 $0x5200;
	[dreg:$0xf] =	wrdreg s12  }
0x1e: {  	s16 =	simm.s32 $0x80;
	s17 =	simm.s32 $0x2900;
	[dreg:$0x17] =	wrdreg s24  }
0x1f: {  	s19 =	simm.s32 $0x6;
	s21 =	simm.s32 $0x3;
	[dreg:$0x18] =	wrdreg s25  }
0x20: {  	s4 =	sadd.s32 s5, s2;
	s5 =	sadd.s32 s18, s2;
	[dreg:$0x19] =	wrdreg s29  }
0x21: {  	[dreg:$0x1b] =	wrdreg s30;
	s12 =	simm.s32 $0x100;
	s18 =	simm.s32 $0x2A00  }
0x22: {  	s24 =	simm.s32 $0x8;
	s25 =	simm.s32 $0x0;
	[dreg:$0x10] =	wrdreg s4  }
0x23: {  	s15 =	sadd.s32 s9, s6;
	[dreg:$0x14] =	wrdreg s5;
	s5 =	sadd.s32 s20, s2  }
0x24: {  	s6 =	sadd.s32 s26, s2;
	s20 =	simm.s32 $0x2980;
	[dreg:$0x16] =	wrdreg s5  }
0x25: {  	[dreg:$0x1a] =	wrdreg s6;
	s5 =	sshrl.u32 s22, $0x2;
	s28 =	sadd.s32 $0x1E, s15  }
0x26: {  	s6 =	simm.s32 $0x5;
	s15 =	simm.s32 $0x50;
	s22 =	simm.s32 $0x4  }
0x27: {  	v1 =	vmov s31;
	s9 =	sadd.s32 s5, s1;
	s4 =	sadd.s32 s5, s2;
	s5 =	sadd.s32 $0x3F600, s0  }
.LBB2_1:
0x28: {  	s0 =	rddreg [dreg:$0x4]  }
0x29: {  	[tilespmem:s7], [sflag:$0x9] =	stream.linear.gather [hbm4b:s0+s3], $0x1400, $0x38;
	[tilespmem:$0x1CE00] =	vst v63  }
0x2a: {  	_ =	swait.ge [sflag:s10], $0x1400  }
0x2b: {  	[sflag:s10] =	ssyncset.done $0x0  }
0x2c: {  	s26 =	rddreg [dreg:$0x5];
	[sflag:s10] =	ssyncadd.s32 $0xFFFFEC00  }
0x2d: {  	[tilespmem:s11], [sflag:$0x9] =	stream.linear.gather [hbm4b:s26+s3], $0x2800, $0x38;
	[tilespmem:$0x1CE00] =	vst v63  }
0x2e: {  	_ =	swait.ge [sflag:s10], $0x2800  }
0x2f: {  	[sflag:s10] =	ssyncset.done $0x0  }
0x30: {  	s29 =	rddreg [dreg:$0x17];
	[sflag:s10] =	ssyncadd.s32 $0xFFFFD800  }
0x31: {  	[spmem:s29] =	stream.linear.scatter [tilespmem:s7], [sflag:$0x9], $0x1400, $0x38;
	[tilespmem:$0x1CE00] =	vst v63  }
0x32: {  	_ =	swait.ge [sflag:s10], $0x1400  }
0x33: {  	[sflag:s10] =	ssyncset.done $0x0  }
0x34: {  	s31 =	rddreg [dreg:$0x18];
	[sflag:s10] =	ssyncadd.s32 $0xFFFFEC00  }
0x35: {  	[spmem:s31] =	stream.linear.scatter [tilespmem:s7], [sflag:$0x9], $0x1400, $0x38;
	[tilespmem:$0x1CE00] =	vst v63  }
0x36: {  	_ =	swait.ge [sflag:s10], $0x1400  }
0x37: {  	[sflag:s10] =	ssyncset.done $0x0  }
0x38: {  	s26 =	rddreg [dreg:$0xb];
	[sflag:s10] =	ssyncadd.s32 $0xFFFFEC00  }
0x39: {  	[spmem:s26] =	stream.linear.scatter [tilespmem:s7], [sflag:$0x9], $0x1400, $0x38;
	[tilespmem:$0x1CE00] =	vst v63  }
0x3a: {  	_ =	swait.ge [sflag:s10], $0x1400  }
0x3b: {  	[sflag:s10] =	ssyncset.done $0x0  }
0x3c: {  	s29 =	rddreg [dreg:$0xc];
	[sflag:s10] =	ssyncadd.s32 $0xFFFFEC00  }
0x3d: {  	[spmem:s29] =	stream.linear.scatter [tilespmem:s7], [sflag:$0x9], $0x1400, $0x38;
	[tilespmem:$0x1CE00] =	vst v63  }
0x3e: {  	_ =	swait.ge [sflag:s10], $0x1400  }
0x3f: {  	[sflag:s10] =	ssyncset.done $0x0  }
0x40: {  	s31 =	rddreg [dreg:$0xd];
	[sflag:s10] =	ssyncadd.s32 $0xFFFFEC00  }
0x41: {  	[spmem:s31] =	stream.linear.scatter [tilespmem:s7], [sflag:$0x9], $0x1400, $0x38;
	[tilespmem:$0x1CE00] =	vst v63  }
0x42: {  	_ =	swait.ge [sflag:s10], $0x1400  }
0x43: {  	[sflag:s10] =	ssyncset.done $0x0  }
0x44: {  	s26 =	rddreg [dreg:$0xe];
	[sflag:s10] =	ssyncadd.s32 $0xFFFFEC00  }
0x45: {  	[spmem:s26] =	stream.linear.scatter [tilespmem:s7], [sflag:$0x9], $0x1400, $0x38;
	[tilespmem:$0x1CE00] =	vst v63  }
0x46: {  	_ =	swait.ge [sflag:s10], $0x1400  }
0x47: {  	[sflag:s10] =	ssyncset.done $0x0  }
0x48: {  	s29 =	rddreg [dreg:$0xf];
	[sflag:s10] =	ssyncadd.s32 $0xFFFFEC00  }
0x49: {  	[spmem:s29] =	stream.linear.scatter [tilespmem:s7], [sflag:$0x9], $0x1400, $0x38;
	[tilespmem:$0x1CE00] =	vst v63  }
0x4a: {  	_ =	swait.ge [sflag:s10], $0x1400  }
0x4b: {  	[sflag:s10] =	ssyncset.done $0x0  }
0x4c: {  	s31 =	rddreg [dreg:$0x10];
	[sflag:s10] =	ssyncadd.s32 $0xFFFFEC00  }
0x4d: {  	[spmem:s31] =	stream.linear.scatter [tilespmem:s7], [sflag:$0x9], $0x1400, $0x38;
	[tilespmem:$0x1CE00] =	vst v63  }
0x4e: {  	_ =	swait.ge [sflag:s10], $0x1400  }
0x4f: {  	[sflag:s10] =	ssyncset.done $0x0  }
0x50: {  	s26 =	rddreg [dreg:$0x11];
	[sflag:s10] =	ssyncadd.s32 $0xFFFFEC00  }
0x51: {  	[spmem:s26] =	stream.linear.scatter [tilespmem:s7], [sflag:$0x9], $0x1400, $0x38;
	[tilespmem:$0x1CE00] =	vst v63  }
0x52: {  	_ =	swait.ge [sflag:s10], $0x1400  }
0x53: {  	[sflag:s10] =	ssyncset.done $0x0  }
0x54: {  	s29 =	rddreg [dreg:$0x12];
	[sflag:s10] =	ssyncadd.s32 $0xFFFFEC00  }
0x55: {  	[spmem:s29] =	stream.linear.scatter [tilespmem:s7], [sflag:$0x9], $0x1400, $0x38;
	[tilespmem:$0x1CE00] =	vst v63  }
0x56: {  	_ =	swait.ge [sflag:s10], $0x1400  }
0x57: {  	[sflag:s10] =	ssyncset.done $0x0  }
0x58: {  	s31 =	rddreg [dreg:$0x13];
	[sflag:s10] =	ssyncadd.s32 $0xFFFFEC00  }
0x59: {  	[spmem:s31] =	stream.linear.scatter [tilespmem:s7], [sflag:$0x9], $0x1400, $0x38;
	[tilespmem:$0x1CE00] =	vst v63  }
0x5a: {  	_ =	swait.ge [sflag:s10], $0x1400  }
0x5b: {  	[sflag:s10] =	ssyncset.done $0x0  }
0x5c: {  	s26 =	rddreg [dreg:$0x14];
	[sflag:s10] =	ssyncadd.s32 $0xFFFFEC00  }
0x5d: {  	[spmem:s26] =	stream.linear.scatter [tilespmem:s7], [sflag:$0x9], $0x1400, $0x38;
	[tilespmem:$0x1CE00] =	vst v63  }
0x5e: {  	_ =	swait.ge [sflag:s10], $0x1400  }
0x5f: {  	[sflag:s10] =	ssyncset.done $0x0  }
0x60: {  	s29 =	rddreg [dreg:$0x15];
	[sflag:s10] =	ssyncadd.s32 $0xFFFFEC00  }
0x61: {  	[spmem:s29] =	stream.linear.scatter [tilespmem:s7], [sflag:$0x9], $0x1400, $0x38;
	[tilespmem:$0x1CE00] =	vst v63  }
0x62: {  	_ =	swait.ge [sflag:s10], $0x1400  }
0x63: {  	[sflag:s10] =	ssyncset.done $0x0  }
0x64: {  	s31 =	rddreg [dreg:$0x16];
	[sflag:s10] =	ssyncadd.s32 $0xFFFFEC00  }
0x65: {  	[spmem:s31] =	stream.linear.scatter [tilespmem:s7], [sflag:$0x9], $0x1400, $0x38;
	[tilespmem:$0x1CE00] =	vst v63  }
0x66: {  	_ =	swait.ge [sflag:s10], $0x1400  }
0x67: {  	[sflag:s10] =	ssyncset.done $0x0  }
0x68: {  	s26 =	rddreg [dreg:$0x19];
	[sflag:s10] =	ssyncadd.s32 $0xFFFFEC00  }
0x69: {  	[spmem:s26] =	stream.linear.scatter [tilespmem:s7], [sflag:$0x9], $0x1400, $0x38;
	[tilespmem:$0x1CE00] =	vst v63  }
0x6a: {  	_ =	swait.ge [sflag:s10], $0x1400  }
0x6b: {  	[sflag:s10] =	ssyncset.done $0x0  }
0x6c: {  	s29 =	rddreg [dreg:$0x1a];
	[sflag:s10] =	ssyncadd.s32 $0xFFFFEC00  }
0x6d: {  	[spmem:s29] =	stream.linear.scatter [tilespmem:s7], [sflag:$0x9], $0x1400, $0x38;
	[tilespmem:$0x1CE00] =	vst v63  }
0x6e: {  	_ =	swait.ge [sflag:s10], $0x1400  }
0x6f: {  	[sflag:s10] =	ssyncset.done $0x0  }
0x70: {  	[sflag:s10] =	ssyncadd.s32 $0xFFFFEC00  }
0x71: {  	[bflag:$0x0] =	sbarrier.arrive $0xFFFF  }
0x72: {  	s31 =	rddreg [dreg:$0x6]  }
0x73: {  	[tilespmem:s3], [sflag:$0x1] =	stream.linear.gather [hbm4b:s31+s3], $0x50, $0x38;
	[tilespmem:$0x1CE00] =	vst v63  }
0x74: {  	_ = 	snop  }
0x75: {  	[tilespmem:s12], [sflag:$0x2] =	stream.linear.gather [hbm4b:s8+s3], $0x2800, $0x38;
	[tilespmem:$0x1CE00] =	vst v63  }
0x76: {  	_ =	swait.ge [sflag:s13], $0x50  }
0x77: {  	[sflag:s13] =	ssyncset.done $0x0  }
0x78: {  	[sflag:s13] =	ssyncadd.s32 $0xFFFFFFB0  }
0x79: {  	v2 =	vld [tilespmem:$0x0]  }
0x7a: {  	v3 =	vld [tilespmem:$0x10]  }
0x7b: {  	v4 =	vld [tilespmem:$0x20]  }
0x7c: {  	v5 =	vld [tilespmem:$0x30]  }
0x7d: {  	v6 =	vld [tilespmem:$0x40]  }
0x7e: {  	v2 =	vsub.s32 v2, v0  }
0x7f: {  	v3 =	vsub.s32 v3, v0;
	vm0 =	vlt.u32 v2, $0x1388  }
0x80: {  	v4 =	vsub.s32 v4, v0;
	v2 =	vsel vm0, v2, v1;
	vm0 =	vlt.u32 v3, $0x1388  }
0x81: {  	[tilespmem:$0x80] =	vst v2;
	v2 =	vsel vm0, v3, v1;
	vm0 =	vlt.u32 v4, $0x1388;
	v3 =	vsub.s32 v5, v0  }
0x82: {  	[tilespmem:$0x90] =	vst v2;
	v2 =	vsel vm0, v4, v1;
	vm0 =	vlt.u32 v3, $0x1388;
	v4 =	vsub.s32 v6, v0  }
0x83: {  	[tilespmem:$0xA0] =	vst v2;
	v2 =	vsel vm0, v3, v1;
	vm0 =	vlt.u32 v4, $0x1388  }
0x84: {  	[tilespmem:$0xB0] =	vst v2;
	v2 =	vsel vm0, v4, v1  }
0x85: {  	[tilespmem:$0xC0] =	vst v2  }
0x86: {  	_ =	swait.ge [sflag:s14], $0x2800  }
0x87: {  	[sflag:s14] =	ssyncset.done $0x0  }
0x88: {  	[sflag:s14] =	ssyncadd.s32 $0xFFFFD800  }
0x89: {  	[spmem:s1] =	stream.indirect.scatter.add.f32 [tilespmem:s12], [sflag:$0x3], $0x80, s16, s15, $0xb8;
	[tilespmem:$0x1CE00] =	vst v63  }
0x8a: {  	_ = 	snop  }
0x8b: {  	[spmem:s2] =	stream.indirect.scatter.add.f32 [tilespmem:s11], [sflag:$0x4], $0x80, s16, s15, $0xb8;
	[tilespmem:$0x1CE00] =	vst v63  }
0x8c: {  	s26 =	rddreg [dreg:$0x8]  }
0x8d: {  	[tilespmem:s17], [sflag:$0x5] =	stream.linear.gather [hbm4b:s26+s3], $0x50, $0x38;
	[tilespmem:$0x1CE00] =	vst v63  }
0x8e: {  	s29 =	rddreg [dreg:$0x9]  }
0x8f: {  	[tilespmem:s18], [sflag:$0x6] =	stream.linear.gather [hbm4b:s29+s3], $0x2800, $0x38;
	[tilespmem:$0x1CE00] =	vst v63  }
0x90: {  	_ =	swait.ge [sflag:s6], $0x50  }
0x91: {  	[sflag:s6] =	ssyncset.done $0x0  }
0x92: {  	[sflag:s6] =	ssyncadd.s32 $0xFFFFFFB0  }
0x93: {  	v2 =	vld [tilespmem:$0x2900]  }
0x94: {  	v3 =	vld [tilespmem:$0x2910]  }
0x95: {  	v4 =	vld [tilespmem:$0x2920]  }
0x96: {  	v5 =	vld [tilespmem:$0x2930]  }
0x97: {  	v6 =	vld [tilespmem:$0x2940]  }
0x98: {  	v2 =	vsub.s32 v2, v0  }
0x99: {  	v3 =	vsub.s32 v3, v0;
	vm0 =	vlt.u32 v2, $0x1388  }
0x9a: {  	v4 =	vsub.s32 v4, v0;
	v2 =	vsel vm0, v2, v1;
	vm0 =	vlt.u32 v3, $0x1388  }
0x9b: {  	[tilespmem:$0x2980] =	vst v2;
	v2 =	vsel vm0, v3, v1;
	vm0 =	vlt.u32 v4, $0x1388;
	v3 =	vsub.s32 v5, v0  }
0x9c: {  	[tilespmem:$0x2990] =	vst v2;
	v2 =	vsel vm0, v4, v1;
	vm0 =	vlt.u32 v3, $0x1388;
	v4 =	vsub.s32 v6, v0  }
0x9d: {  	[tilespmem:$0x29A0] =	vst v2;
	v2 =	vsel vm0, v3, v1;
	vm0 =	vlt.u32 v4, $0x1388  }
0x9e: {  	[tilespmem:$0x29B0] =	vst v2;
	v2 =	vsel vm0, v4, v1  }
0x9f: {  	[tilespmem:$0x29C0] =	vst v2  }
0xa0: {  	_ =	swait.ge [sflag:s19], $0x2800  }
0xa1: {  	[sflag:s19] =	ssyncset.done $0x0  }
0xa2: {  	[sflag:s19] =	ssyncadd.s32 $0xFFFFD800  }
0xa3: {  	[spmem:s1] =	stream.indirect.scatter.add.f32 [tilespmem:s18], [sflag:$0x7], $0x80, s20, s15, $0xb8;
	[tilespmem:$0x1CE00] =	vst v63  }
0xa4: {  	_ = 	snop  }
0xa5: {  	[spmem:s2] =	stream.indirect.scatter.add.f32 [tilespmem:s11], [sflag:$0x8], $0x80, s20, s15, $0xb8;
	[tilespmem:$0x1CE00] =	vst v63  }
0xa6: {  	_ =	swait.ge [sflag:s21], $0x2800  }
0xa7: {  	[sflag:s21] =	ssyncset.done $0x0  }
0xa8: {  	[sflag:s21] =	ssyncadd.s32 $0xFFFFD800  }
0xa9: {  	_ =	swait.ge [sflag:s22], $0x2800  }
0xaa: {  	[sflag:s22] =	ssyncset.done $0x0  }
0xab: {  	s31 =	sadd.s32 $0xFFFFFFF6, s28;
	s26 =	sadd.s32 $0x0, s8;
	[sflag:s22] =	ssyncadd.s32 $0xFFFFD800  }
0xac: {  	[tilespmem:s3], [sflag:$0x1] =	stream.linear.gather [hbm4b:s31+s3], $0x50, $0x38;
	[tilespmem:$0x1CE00] =	vst v63  }
0xad: {  	s29 =	sadd.s32 $0xA00, s26  }
0xae: {  	[tilespmem:s12], [sflag:$0x2] =	stream.linear.gather [hbm4b:s29+s3], $0x2800, $0x38;
	[tilespmem:$0x1CE00] =	vst v63  }
0xaf: {  	_ =	swait.ge [sflag:s13], $0x50  }
0xb0: {  	[sflag:s13] =	ssyncset.done $0x0  }
0xb1: {  	[sflag:s13] =	ssyncadd.s32 $0xFFFFFFB0  }
0xb2: {  	v2 =	vld [tilespmem:$0x40]  }
0xb3: {  	v3 =	vld [tilespmem:$0x30]  }
0xb4: {  	v4 =	vld [tilespmem:$0x10]  }
0xb5: {  	v5 =	vld [tilespmem:$0x0]  }
0xb6: {  	v6 =	vld [tilespmem:$0x20]  }
0xb7: {  	v2 =	vsub.s32 v2, v0  }
0xb8: {  	v3 =	vsub.s32 v3, v0;
	vm0 =	vlt.u32 v2, $0x1388  }
0xb9: {  	v4 =	vsub.s32 v4, v0;
	vm1 =	vlt.u32 v3, $0x1388;
	v2 =	vsel vm0, v2, v1  }
0xba: {  	v5 =	vsub.s32 v5, v0;
	vm0 =	vlt.u32 v4, $0x1388;
	v3 =	vsel vm1, v3, v1;
	[tilespmem:$0xC0] =	vst v2  }
0xbb: {  	vm1 =	vlt.u32 v5, $0x1388;
	v2 =	vsel vm0, v4, v1;
	v4 =	vsub.s32 v6, v0;
	[tilespmem:$0xB0] =	vst v3  }
0xbc: {  	v3 =	vsel vm1, v5, v1;
	[tilespmem:$0x90] =	vst v2;
	vm0 =	vlt.u32 v4, $0x1388  }
0xbd: {  	[tilespmem:$0x80] =	vst v3;
	v2 =	vsel vm0, v4, v1  }
0xbe: {  	[tilespmem:$0xA0] =	vst v2  }
0xbf: {  	_ =	swait.ge [sflag:s14], $0x2800  }
0xc0: {  	[sflag:s14] =	ssyncset.done $0x0  }
0xc1: {  	[sflag:s14] =	ssyncadd.s32 $0xFFFFD800  }
0xc2: {  	[spmem:s1] =	stream.indirect.scatter.add.f32 [tilespmem:s12], [sflag:$0x3], $0x80, s16, s15, $0xb8;
	[tilespmem:$0x1CE00] =	vst v63  }
0xc3: {  	_ = 	snop  }
0xc4: {  	[spmem:s2] =	stream.indirect.scatter.add.f32 [tilespmem:s11], [sflag:$0x4], $0x80, s16, s15, $0xb8;
	[tilespmem:$0x1CE00] =	vst v63  }
0xc5: {  	_ =	swait.ge [sflag:s23], $0x2800  }
0xc6: {  	[sflag:s23] =	ssyncset.done $0x0  }
0xc7: {  	[sflag:s23] =	ssyncadd.s32 $0xFFFFD800  }
0xc8: {  	_ =	swait.ge [sflag:s24], $0x2800  }
0xc9: {  	[sflag:s24] =	ssyncset.done $0x0  }
0xca: {  	[sflag:s24] =	ssyncadd.s32 $0xFFFFD800  }
0xcb: {  	[tilespmem:s17], [sflag:$0x5] =	stream.linear.gather [hbm4b:s28+s3], $0x50, $0x38;
	[tilespmem:$0x1CE00] =	vst v63  }
0xcc: {  	s31 =	sadd.s32 $0xF00, s26  }
0xcd: {  	[tilespmem:s18], [sflag:$0x6] =	stream.linear.gather [hbm4b:s31+s3], $0x2800, $0x38;
	[tilespmem:$0x1CE00] =	vst v63  }
0xce: {  	_ =	swait.ge [sflag:s6], $0x50  }
0xcf: {  	[sflag:s6] =	ssyncset.done $0x0  }
0xd0: {  	[sflag:s6] =	ssyncadd.s32 $0xFFFFFFB0  }
0xd1: {  	v2 =	vld [tilespmem:$0x2900]  }
0xd2: {  	v3 =	vld [tilespmem:$0x2910]  }
0xd3: {  	v4 =	vld [tilespmem:$0x2930]  }
0xd4: {  	v5 =	vld [tilespmem:$0x2940]  }
0xd5: {  	v6 =	vld [tilespmem:$0x2920]  }
0xd6: {  	v2 =	vsub.s32 v2, v0  }
0xd7: {  	v3 =	vsub.s32 v3, v0;
	vm0 =	vlt.u32 v2, $0x1388  }
0xd8: {  	v4 =	vsub.s32 v4, v0;
	v2 =	vsel vm0, v2, v1;
	vm0 =	vlt.u32 v3, $0x1388  }
0xd9: {  	[tilespmem:$0x2980] =	vst v2;
	v2 =	vsel vm0, v3, v1;
	vm0 =	vlt.u32 v4, $0x1388;
	v3 =	vsub.s32 v5, v0  }
0xda: {  	s30 =	smov.u32 s28;
	s26 =	simm.s32 $0xA00;
	[tilespmem:$0x2990] =	vst v2;
	v2 =	vsub.s32 v6, v0;
	v4 =	vsel vm0, v4, v1;
	vm0 =	vlt.u32 v3, $0x1388  }
.LBB2_2:
0xdb: {  	p0 =	sne.s32 s26, $0x4CE00  }
0xdc: {  	vm1 =	vlt.u32 v2, $0x1388;
	[tilespmem:$0x29B0] =	vst v4;
	v3 =	vsel vm0, v3, v1;
	s30 =	sadd.s32 $0x14, s30;
	s0 =	smov.u32 s26;
	s26 =	sadd.s32 $0xA00, s26  }
0xdd: {  	v2 =	vsel vm1, v2, v1;
	[tilespmem:$0x29C0] =	vst v3  }
0xde: {  	[tilespmem:$0x29A0] =	vst v2  }
0xdf: {  	_ =	swait.ge [sflag:s19], $0x2800  }
0xe0: {  	[sflag:s19] =	ssyncset.done $0x0  }
0xe1: {  	[sflag:s19] =	ssyncadd.s32 $0xFFFFD800  }
0xe2: {  	[spmem:s1] =	stream.indirect.scatter.add.f32 [tilespmem:s18], [sflag:$0x7], $0x80, s20, s15, $0xb8;
	[tilespmem:$0x1CE00] =	vst v63  }
0xe3: {  	_ = 	snop  }
0xe4: {  	[spmem:s2] =	stream.indirect.scatter.add.f32 [tilespmem:s11], [sflag:$0x8], $0x80, s20, s15, $0xb8;
	[tilespmem:$0x1CE00] =	vst v63  }
0xe5: {  	_ =	swait.ge [sflag:s21], $0x2800  }
0xe6: {  	[sflag:s21] =	ssyncset.done $0x0  }
0xe7: {  	[sflag:s21] =	ssyncadd.s32 $0xFFFFD800  }
0xe8: {  	_ =	swait.ge [sflag:s22], $0x2800  }
0xe9: {  	[sflag:s22] =	ssyncset.done $0x0  }
0xea: {  	s31 =	sadd.s32 $0xFFFFFFF6, s30;
	s29 =	sadd.s32 s0, s8;
	[sflag:s22] =	ssyncadd.s32 $0xFFFFD800  }
0xeb: {  	[tilespmem:s3], [sflag:$0x1] =	stream.linear.gather [hbm4b:s31+s3], $0x50, $0x38;
	[tilespmem:$0x1CE00] =	vst v63  }
0xec: {  	s0 =	sadd.s32 $0xA00, s29  }
0xed: {  	[tilespmem:s12], [sflag:$0x2] =	stream.linear.gather [hbm4b:s0+s3], $0x2800, $0x38;
	[tilespmem:$0x1CE00] =	vst v63  }
0xee: {  	_ =	swait.ge [sflag:s13], $0x50  }
0xef: {  	[sflag:s13] =	ssyncset.done $0x0  }
0xf0: {  	[sflag:s13] =	ssyncadd.s32 $0xFFFFFFB0  }
0xf1: {  	v2 =	vld [tilespmem:$0x40]  }
0xf2: {  	v3 =	vld [tilespmem:$0x30]  }
0xf3: {  	v4 =	vld [tilespmem:$0x10]  }
0xf4: {  	v5 =	vld [tilespmem:$0x0]  }
0xf5: {  	v6 =	vld [tilespmem:$0x20]  }
0xf6: {  	v2 =	vsub.s32 v2, v0  }
0xf7: {  	v3 =	vsub.s32 v3, v0;
	vm0 =	vlt.u32 v2, $0x1388  }
0xf8: {  	v4 =	vsub.s32 v4, v0;
	vm1 =	vlt.u32 v3, $0x1388;
	v2 =	vsel vm0, v2, v1  }
0xf9: {  	v5 =	vsub.s32 v5, v0;
	vm0 =	vlt.u32 v4, $0x1388;
	v3 =	vsel vm1, v3, v1;
	[tilespmem:$0xC0] =	vst v2  }
0xfa: {  	vm1 =	vlt.u32 v5, $0x1388;
	v2 =	vsel vm0, v4, v1;
	v4 =	vsub.s32 v6, v0;
	[tilespmem:$0xB0] =	vst v3  }
0xfb: {  	v3 =	vsel vm1, v5, v1;
	[tilespmem:$0x90] =	vst v2;
	vm0 =	vlt.u32 v4, $0x1388  }
0xfc: {  	[tilespmem:$0x80] =	vst v3;
	v2 =	vsel vm0, v4, v1  }
0xfd: {  	[tilespmem:$0xA0] =	vst v2  }
0xfe: {  	_ =	swait.ge [sflag:s14], $0x2800  }
0xff: {  	[sflag:s14] =	ssyncset.done $0x0  }
0x100: {  	[sflag:s14] =	ssyncadd.s32 $0xFFFFD800  }
0x101: {  	[spmem:s1] =	stream.indirect.scatter.add.f32 [tilespmem:s12], [sflag:$0x3], $0x80, s16, s15, $0xb8;
	[tilespmem:$0x1CE00] =	vst v63  }
0x102: {  	_ = 	snop  }
0x103: {  	[spmem:s2] =	stream.indirect.scatter.add.f32 [tilespmem:s11], [sflag:$0x4], $0x80, s16, s15, $0xb8;
	[tilespmem:$0x1CE00] =	vst v63  }
0x104: {  	_ =	swait.ge [sflag:s23], $0x2800  }
0x105: {  	[sflag:s23] =	ssyncset.done $0x0  }
0x106: {  	[sflag:s23] =	ssyncadd.s32 $0xFFFFD800  }
0x107: {  	_ =	swait.ge [sflag:s24], $0x2800  }
0x108: {  	[sflag:s24] =	ssyncset.done $0x0  }
0x109: {  	[sflag:s24] =	ssyncadd.s32 $0xFFFFD800  }
0x10a: {  	[tilespmem:s17], [sflag:$0x5] =	stream.linear.gather [hbm4b:s30+s3], $0x50, $0x38;
	[tilespmem:$0x1CE00] =	vst v63  }
0x10b: {  	s0 =	sadd.s32 $0xF00, s29  }
0x10c: {  	[tilespmem:s18], [sflag:$0x6] =	stream.linear.gather [hbm4b:s0+s3], $0x2800, $0x38;
	[tilespmem:$0x1CE00] =	vst v63  }
0x10d: {  	_ =	swait.ge [sflag:s6], $0x50  }
0x10e: {  	[sflag:s6] =	ssyncset.done $0x0  }
0x10f: {  	[sflag:s6] =	ssyncadd.s32 $0xFFFFFFB0  }
0x110: {  	v2 =	vld [tilespmem:$0x2900]  }
0x111: {  	v3 =	vld [tilespmem:$0x2910]  }
0x112: {  	v4 =	vld [tilespmem:$0x2930]  }
0x113: {  	v5 =	vld [tilespmem:$0x2940]  }
0x114: {  	v6 =	vld [tilespmem:$0x2920]  }
.Ltmp0:
0x115: {  	v2 =	vsub.s32 v2, v0;
	(pc) =	sbr.rel @p0 .LBB2_2-.Ltmp0, $4  }
0x116: {  	vm0 =	vlt.u32 v2, $0x1388;
	v3 =	vsub.s32 v3, v0  }
0x117: {  	v2 =	vsel vm0, v2, v1;
	vm0 =	vlt.u32 v3, $0x1388;
	v4 =	vsub.s32 v4, v0  }
0x118: {  	[tilespmem:$0x2980] =	vst v2;
	v2 =	vsel vm0, v3, v1;
	vm0 =	vlt.u32 v4, $0x1388;
	v3 =	vsub.s32 v5, v0  }
0x119: {  	[tilespmem:$0x2990] =	vst v2;
	v2 =	vsub.s32 v6, v0;
	v4 =	vsel vm0, v4, v1;
	vm0 =	vlt.u32 v3, $0x1388  }
0x11a: {  	vm1 =	vlt.u32 v2, $0x1388;
	[tilespmem:$0x29B0] =	vst v4;
	v3 =	vsel vm0, v3, v1  }
0x11b: {  	v2 =	vsel vm1, v2, v1;
	[tilespmem:$0x29C0] =	vst v3  }
0x11c: {  	[tilespmem:$0x29A0] =	vst v2  }
0x11d: {  	_ =	swait.ge [sflag:s19], $0x2800  }
0x11e: {  	[sflag:s19] =	ssyncset.done $0x0  }
0x11f: {  	[sflag:s19] =	ssyncadd.s32 $0xFFFFD800  }
0x120: {  	[spmem:s1] =	stream.indirect.scatter.add.f32 [tilespmem:s18], [sflag:$0x7], $0x80, s20, s15, $0xb8;
	[tilespmem:$0x1CE00] =	vst v63  }
0x121: {  	_ = 	snop  }
0x122: {  	[spmem:s2] =	stream.indirect.scatter.add.f32 [tilespmem:s11], [sflag:$0x8], $0x80, s20, s15, $0xb8;
	[tilespmem:$0x1CE00] =	vst v63  }
0x123: {  	_ =	swait.ge [sflag:s21], $0x2800  }
0x124: {  	[sflag:s21] =	ssyncset.done $0x0  }
0x125: {  	[sflag:s21] =	ssyncadd.s32 $0xFFFFD800  }
0x126: {  	_ =	swait.ge [sflag:s22], $0x2800  }
0x127: {  	[sflag:s22] =	ssyncset.done $0x0  }
0x128: {  	[sflag:s22] =	ssyncadd.s32 $0xFFFFD800  }
0x129: {  	_ =	swait.ge [sflag:s23], $0x2800  }
0x12a: {  	[sflag:s23] =	ssyncset.done $0x0  }
0x12b: {  	[sflag:s23] =	ssyncadd.s32 $0xFFFFD800  }
0x12c: {  	_ =	swait.ge [sflag:s24], $0x2800  }
0x12d: {  	[sflag:s24] =	ssyncset.done $0x0  }
0x12e: {  	[sflag:s24] =	ssyncadd.s32 $0xFFFFD800  }
0x12f: {  	[bflag:$0x0] =	sbarrier.arrive $0xFFFF  }
0x130: {  	[tilespmem:s7], [sflag:$0x9] =	stream.linear.gather [spmem:s9], $0x1400, $0x38;
	[tilespmem:$0x1CE00] =	vst v63  }
0x131: {  	_ =	swait.ge [sflag:s10], $0x1400  }
0x132: {  	[sflag:s10] =	ssyncset.done $0x0  }
0x133: {  	s29 =	rddreg [dreg:$0x1b];
	[sflag:s10] =	ssyncadd.s32 $0xFFFFEC00  }
0x134: {  	[hbm4b:s29+s3] =	stream.linear.scatter [tilespmem:s7], [sflag:$0x9], $0x1400, $0x38;
	[tilespmem:$0x1CE00] =	vst v63  }
0x135: {  	_ =	swait.ge [sflag:s10], $0x1400  }
0x136: {  	[sflag:s10] =	ssyncset.done $0x0  }
0x137: {  	[sflag:s10] =	ssyncadd.s32 $0xFFFFEC00  }
0x138: {  	[tilespmem:s7], [sflag:$0x9] =	stream.linear.gather [spmem:s4], $0x1400, $0x38;
	[tilespmem:$0x1CE00] =	vst v63  }
0x139: {  	_ =	swait.ge [sflag:s10], $0x1400  }
0x13a: {  	s0 =	rddreg [dreg:$0x7]  }
0x13b: {  	p0 =	sne.s32 s0, $0x1  }
.Ltmp1:
0x13c: {  	[sflag:s10] =	ssyncset.done $0x0;
	(pc) =	sbr.rel @!p0 .LBB2_5-.Ltmp1, $4  }
0x13d: {  	s30 =	sadd.s32 $0x280, s5;
	[sflag:s10] =	ssyncadd.s32 $0xFFFFEC00  }
0x13e: {  	[hbm4b:s5+s3] =	stream.linear.scatter [tilespmem:s7], [sflag:$0x9], $0x1400, $0x38;
	[tilespmem:$0x1CE00] =	vst v63  }
0x13f: {  	s31 =	smov.u32 s9;
	s29 =	sadd.s32 $0x280, s29;
	_ =	swait.ge [sflag:s10], $0x1400  }
0x140: {  	s26 =	sadd.s32 $0xFFFFFFFF, s0;
	s0 =	smov.u32 s4;
	[sflag:s10] =	ssyncset.done $0x0  }
.LBB2_4:
0x141: {  	[sflag:s10] =	ssyncadd.s32 $0xFFFFEC00;
	s31 =	sadd.s32 $0x1400, s31;
	s0 =	sadd.s32 $0x1400, s0  }
0x142: {  	[tilespmem:s7], [sflag:$0x9] =	stream.linear.gather [spmem:s31], $0x1400, $0x38;
	[tilespmem:$0x1CE00] =	vst v63  }
0x143: {  	p0 =	sne.s32 s26, $0x1;
	s26 =	sadd.s32 $0xFFFFFFFF, s26;
	_ =	swait.ge [sflag:s10], $0x1400  }
0x144: {  	[sflag:s10] =	ssyncset.done $0x0  }
0x145: {  	[sflag:s10] =	ssyncadd.s32 $0xFFFFEC00  }
0x146: {  	[hbm4b:s29+s3] =	stream.linear.scatter [tilespmem:s7], [sflag:$0x9], $0x1400, $0x38;
	[tilespmem:$0x1CE00] =	vst v63  }
0x147: {  	_ =	swait.ge [sflag:s10], $0x1400  }
0x148: {  	[sflag:s10] =	ssyncset.done $0x0  }
0x149: {  	[sflag:s10] =	ssyncadd.s32 $0xFFFFEC00  }
0x14a: {  	[tilespmem:s7], [sflag:$0x9] =	stream.linear.gather [spmem:s0], $0x1400, $0x38;
	[tilespmem:$0x1CE00] =	vst v63  }
0x14b: {  	_ =	swait.ge [sflag:s10], $0x1400  }
.Ltmp2:
0x14c: {  	[sflag:s10] =	ssyncset.done $0x0;
	(pc) =	sbr.rel @p0 .LBB2_4-.Ltmp2, $4  }
0x14d: {  	[sflag:s10] =	ssyncadd.s32 $0xFFFFEC00  }
0x14e: {  	[hbm4b:s30+s3] =	stream.linear.scatter [tilespmem:s7], [sflag:$0x9], $0x1400, $0x38;
	[tilespmem:$0x1CE00] =	vst v63  }
0x14f: {  	_ =	swait.ge [sflag:s10], $0x1400  }
0x150: {  	s29 =	sadd.s32 $0x280, s29;
	s30 =	sadd.s32 $0x280, s30;
	[sflag:s10] =	ssyncset.done $0x0  }
.LBB2_5:
0x151: {  	s25 =	sadd.s32 $0x1, s25;
	s0 =	rddreg [dreg:$0xa]  }
0x152: {  	p0 =	sne.s32 s25, s0  }
.Ltmp3:
0x153: {  	_ = 	snop;
	(pc) =	sbr.rel @p0 .LBB2_1-.Ltmp3, $2  }
0x154: {  	_ =	sdelay $0x2  }
0x155: {  	[sflag:s10] =	ssyncadd.s32 $0xFFFFEC00  }
0x156: {  	_ =	sfence.sel $0x180000  }
0x157: {  	[bflag:$0x0] =	sbarrier.arrive $0xFFFF  }
0x158: {  	_ =	strace $0x9000004A  }
0x159: {  	s0 =	stileid.u32;
	[bflag:$0x2] =	sbarrier.arrive $0xFFFF  }
0x15a: {  	p0 =	sne.s32 s0, $0x0;
	s0 =	rddreg [dreg:$0x3]  }
0x15b: {  	s0 =	sadd.s32 @!p0 $0x100000, s0  }
0x15c: {  	[sflag:s0] =	ssyncadd.tile.s32 @!p0 $0x1;
	_ =	shalt  }
.Lfunc_end2:
_tile_overlayer_lowered:
.L_overlay_start_2:
0x15d: {  	(tag) =	ssettag $0x2  }
0x15e: {  	s0 =	rddreg [dreg:$0x0];
	s2 =	stileid.u32  }
0x15f: {  	s1 =	rddreg [dreg:$0x1];
	p0 =	sne.s32 s2, $0x0  }
0x160: {  	s3 =	rddreg [dreg:$0x2];
	[bflag:$0x3] =	sbarrier.arrive $0xFFFF;
	s2 =	simm.s32 @!p0 $0x1C09  }
0x161: {  	[timem:s3], [sflag:s2] =	dma.local @!p0 [hbm:s0], s1  }
0x162: {  	s0 =	simm.s32 @!p0 $0x9  }
0x163: {  	_ =	swait.ge @!p0 [sflag:s0], s1  }
0x164: {  	s1 =	ssub.s32 @!p0 $0x0, s1;
	[sflag:s0] =	ssyncset.done @!p0 $0x0  }
0x165: {  	[sflag:s0] =	ssyncadd.s32 @!p0 s1  }
0x166: {  	[bflag:$0x3] =	sbarrier.arrive $0xFFFF  }
0x167: {  	_ =	shalt  }

// kernel: kernel.7.cloned.1.call-start
scs
__scs_entry_jumppad:
0x0: {  	(pc) =	sbr.rel $0x88, $3  }
0x1: {  	(tag) =	ssettag $0x0;
	lr =	simm.s32 $0x1  }
0x2: {  	[smem:$0x3F96] =	sst lr;
	_ =	strace $0xD0000000  }
0x3: {  	_ = 	snop  }
0x4: {  	_ = 	snop  }
0x5: {  	_ = 	snop  }
0x6: {  	_ = 	snop  }
0x7: {  	_ = 	snop  }
__scs_overlays_trampoline_lowered:
0x8: {  	[smem:$0x3FA5] =	sst s0  }
0x9: {  	[smem:$0x3FA6] =	sst s1  }
0xa: {  	[smem:$0x3FA7] =	sst s2  }
0xb: {  	[smem:$0x3FA8] =	sst s3  }
0xc: {  	[smem:$0x3FA9] =	sst s4  }
0xd: {  	[smem:$0x3FAA] =	sst s5  }
0xe: {  	[smem:$0x3FAB] =	sst s6  }
0xf: {  	[smem:$0x3FAC] =	sst s7  }
0x10: {  	[smem:$0x3FAD] =	sst s8  }
0x11: {  	[smem:$0x3FAE] =	sst s9;
	s0 =	simm.s32 @!p0 $0x0  }
0x12: {  	s1 =	sld [smem:$0x3F94];
	s0 =	simm.s32 @p0 $0x1  }
0x13: {  	[smem:$0x3FAF] =	sst s0;
	s0 =	simm.s32 @!p1 $0x0  }
0x14: {  	s2 =	sld [smem:$0x3F93];
	s0 =	simm.s32 @p1 $0x1  }
0x15: {  	[smem:$0x3FB0] =	sst s0;
	s0 =	simm.s32 @!p2 $0x0  }
0x16: {  	s3 =	sld [smem:$0x3FDB];
	s0 =	simm.s32 @p2 $0x1  }
0x17: {  	s4 =	simm.s32 $0x1BF5;
	[smem:$0x3FB2] =	sst s0  }
0x18: {  	s0 =	sld [smem:$0x3F95];
	_ =	swait.ge [sflag:s4], $0x0  }
0x19: {  	s7 =	sld [smem:$0x3F96]  }
0x1a: {  	s8 =	sadd.s32 $0xFFFFE003, lr  }
0x1b: {  	s9 =	sadd.s32 $0xFFFFFEF7, lr;
	s5 =	simm.s32 $0xFFFFFFFF;
	p2 =	slt.u32 s8, $0xFFFFF086  }
0x1c: {  	p1 =	slt.u32 s9, $0xF7A;
	s5 =	simm.s32 @!p2 $0x0  }
0x1d: {  	s5 =	simm.s32 @p1 $0x1;
	p0 =	seq.s32 s7, s2  }
0x1e: {  	s7 =	smul.u32 @!p0 $0xF7A, s2;
	p2 =	seq.s32 @!p0 s5, $0x0  }
0x1f: {  	s9 =	smul.u32 $0xF7A, s1;
	s8 =	simm.s32 @!p0 $0x1BF5;
	p2 =	por !p2, p0  }
0x20: {  	[sflag:s8] =	ssyncset.s32 @!p0 $0xFFFFF086;
	s6 =	sadd.s32 @!p0 s3, s7;
	s7 =	simm.s32 @!p0 $0x108  }
0x21: {  	s3 =	sadd.s32 s3, s9;
	s6 =	sadd.s32 @!p0 $0x88, s6;
	s7 =	simm.s32 @p2 $0x1082  }
0x22: {  	[simem:s7], [sflag:s8] =	dma.local @!p0 [hbm:s6], $0xF7A  }
0x23: {  	s9 =	sor.u32 $0xD0000000, s2;
	s6 =	simm.s32 $0x108;
	_ =	swait.ge @!p0 [sflag:s8], $0x0  }
0x24: {  	s3 =	sadd.s32 $0x88, s3;
	s6 =	simm.s32 @!p1 $0x1082;
	[sflag:s4] =	ssyncset.s32 $0xFFFFF086  }
0x25: {  	[simem:s6], [sflag:s4] =	dma.local [hbm:s3], $0xF7A  }
0x26: {  	[smem:$0x3F96] =	sst s1;
	(tag) =	ssettag s2;
	_ =	strace s9  }
0x27: {  	s1 =	sld [smem:$0x3FA6]  }
0x28: {  	s2 =	sld [smem:$0x3FA7]  }
0x29: {  	s4 =	sld [smem:$0x3FA9]  }
0x2a: {  	p0 =	seq.s32 s5, $0x0;
	s5 =	sld [smem:$0x3FAA]  }
0x2b: {  	s6 =	sld [smem:$0x3FAB]  }
0x2c: {  	s7 =	sld [smem:$0x3FAC]  }
0x2d: {  	s3 =	simm.s32 $0x108;
	s8 =	sld [smem:$0x3FAD]  }
0x2e: {  	s3 =	simm.s32 @!p0 $0x1082;
	s9 =	sld [smem:$0x3FAE]  }
0x2f: {  	lr =	sadd.s32 s0, s3;
	s0 =	sld [smem:$0x3FA5]  }
0x30: {  	s3 =	sld [smem:$0x3FA8]  }
0x31: {  	[smem:$0x3FB1] =	sst s10  }
0x32: {  	s10 =	sld [smem:$0x3FAF];
	_ =	sdelay $0x3  }
0x33: {  	p0 =	seq.s32 s10, $0x1;
	s10 =	sld [smem:$0x3FB1];
	_ =	sdelay $0x3  }
0x34: {  	[smem:$0x3FB1] =	sst s10  }
0x35: {  	s10 =	sld [smem:$0x3FB0];
	_ =	sdelay $0x3  }
0x36: {  	p1 =	seq.s32 s10, $0x1;
	s10 =	sld [smem:$0x3FB1];
	_ =	sdelay $0x3  }
0x37: {  	[smem:$0x3FB1] =	sst s10  }
0x38: {  	s10 =	sld [smem:$0x3FB2]  }
0x39: {  	_ = 	snop;
	(pc) =	sbr.ind lr, $3  }
0x3a: {  	_ = 	snop  }
0x3b: {  	_ = 	snop  }
0x3c: {  	p2 =	seq.s32 s10, $0x1;
	s10 =	sld [smem:$0x3FB1]  }
0x3d: {  	_ =	shalt  }
0x3e: {  	_ =	shalt  }
0x3f: {  	_ =	shalt  }
0x40: {  	_ =	shalt  }
0x41: {  	_ =	shalt  }
0x42: {  	_ =	shalt  }
0x43: {  	_ =	shalt  }
0x44: {  	_ =	shalt  }
0x45: {  	_ =	shalt  }
0x46: {  	_ =	shalt  }
0x47: {  	_ =	shalt  }
0x48: {  	_ =	shalt  }
0x49: {  	_ =	shalt  }
0x4a: {  	_ =	shalt  }
0x4b: {  	_ =	shalt  }
0x4c: {  	_ =	shalt  }
0x4d: {  	_ =	shalt  }
0x4e: {  	_ =	shalt  }
0x4f: {  	_ =	shalt  }
0x50: {  	_ =	shalt  }
0x51: {  	_ =	shalt  }
0x52: {  	_ =	shalt  }
0x53: {  	_ =	shalt  }
0x54: {  	_ =	shalt  }
0x55: {  	_ =	shalt  }
0x56: {  	_ =	shalt  }
0x57: {  	_ =	shalt  }
0x58: {  	_ =	shalt  }
0x59: {  	_ =	shalt  }
0x5a: {  	_ =	shalt  }
0x5b: {  	_ =	shalt  }
0x5c: {  	_ =	shalt  }
0x5d: {  	_ =	shalt  }
0x5e: {  	_ =	shalt  }
0x5f: {  	_ =	shalt  }
0x60: {  	_ =	shalt  }
0x61: {  	_ =	shalt  }
0x62: {  	_ =	shalt  }
0x63: {  	_ =	shalt  }
0x64: {  	_ =	shalt  }
0x65: {  	_ =	shalt  }
0x66: {  	_ =	shalt  }
0x67: {  	_ =	shalt  }
0x68: {  	_ =	shalt  }
0x69: {  	_ =	shalt  }
0x6a: {  	_ =	shalt  }
0x6b: {  	_ =	shalt  }
0x6c: {  	_ =	shalt  }
0x6d: {  	_ =	shalt  }
0x6e: {  	_ =	shalt  }
0x6f: {  	_ =	shalt  }
0x70: {  	_ =	shalt  }
0x71: {  	_ =	shalt  }
0x72: {  	_ =	shalt  }
0x73: {  	_ =	shalt  }
0x74: {  	_ =	shalt  }
0x75: {  	_ =	shalt  }
0x76: {  	_ =	shalt  }
0x77: {  	_ =	shalt  }
0x78: {  	_ =	shalt  }
0x79: {  	_ =	shalt  }
0x7a: {  	_ =	shalt  }
0x7b: {  	_ =	shalt  }
0x7c: {  	_ =	shalt  }
0x7d: {  	_ =	shalt  }
0x7e: {  	_ =	shalt  }
0x7f: {  	_ =	shalt  }
0x80: {  	_ =	shalt  }
0x81: {  	_ =	shalt  }
0x82: {  	_ =	shalt  }
0x83: {  	_ =	shalt  }
0x84: {  	_ =	shalt  }
0x85: {  	_ =	shalt  }
0x86: {  	_ =	shalt  }
0x87: {  	_ =	shalt  }
.Lfunc_end0:
.L_simem_size_0:
called_computation_lowered:
.L_overlay_start_0:
0x88: {  	s2 =	sld [smem:$0x3FD9]  }
0x89: {  	s3 =	sld [smem:$0x3FFE];
	_ =	sdelay $0x1  }
0x8a: {  	s1 =	srdreg.scid  }
0x8b: {  	s0 =	sand.u32 $0x1, s1  }
0x8c: {  	s14 =	sshll.u32 s0, $0xA;
	s2 =	sadd.s32 s3, s2  }
0x8d: {  	s2 =	sadd.s32 s2, s14  }
0x8e: {  	[smem:$0x3FBD] =	sst s2  }
0x8f: {  	_ = 	snop  }
0x90: {  	s2 =	sld [smem:$0x3FD0];
	_ =	sdelay $0x2  }
0x91: {  	s15 =	simm.s32 $0xA;
	s4 =	simm.s32 $0x10  }
0x92: {  	[smem:s4], [sflag:s15] =	dma.local [hbm:s2], $0x1  }
0x93: {  	_ =	swait.eq [sflag:s15], $0x1  }
0x94: {  	[sflag:s15] =	ssyncset.done $0x0  }
0x95: {  	[sflag:s15] =	ssyncadd.s32 $0xFFFFFFFF  }
0x96: {  	s16 =	sld [smem:$0x11];
	(tm) =	ssettm $0x1  }
0x97: {  	s17 =	sld [smem:$0x3FFB];
	_ =	sdelay $0x3  }
0x98: {  	_ =	strace s17  }
0x99: {  	s3 =	sld [smem:$0x3FFC];
	_ =	sdelay $0x3  }
0x9a: {  	_ =	strace s3  }
0x9b: {  	s3 =	sld [smem:$0x3FFD];
	_ =	sdelay $0x3  }
0x9c: {  	_ =	strace s3  }
0x9d: {  	_ =	strace $0x8FFFFFFF  }
0x9e: {  	s18 =	sld [smem:$0x3FDB];
	_ =	sdelay $0x1  }
0x9f: {  	s19 =	simm.s32 $_scs_section_size  }
0xa0: {  	s5 =	simm.s32 $_size__tile_overlayer_lowered;
	s6 =	simm.s32 $_tile_overlayer_lowered  }
0xa1: {  	s22 =	simm.s32 $0x1BFF;
	s21 =	sshll.u32 s6, $0x1;
	s3 =	sadd.s32 s19, s18  }
0xa2: {  	s7 =	simm.s32 $0x0;
	s20 =	sshll.u32 s5, $0x1;
	s5 =	sadd.s32 s21, s3  }
0xa3: {  	[timem:s7], [sflag:s22] =	dma.local [hbm:s5], s20  }
0xa4: {  	_ =	swait.ge [sflag:s22], s20  }
0xa5: {  	s4 =	ssub.s32 $0x0, s20;
	[sflag:s22] =	ssyncset.done $0x0  }
0xa6: {  	[sflag:s22] =	ssyncadd.s32 s4;
	_ =	sdelay $0x1  }
0xa7: {  	s23 =	simm.s32 $0x1B8B  }
0xa8: {  	_ =	swait.ge [sflag:s23], $0x1  }
0xa9: {  	[sflag:s23] =	ssyncset.done $0x0  }
0xaa: {  	s25 =	simm.s32 $0x1B8E;
	s24 =	sld [smem:$0x3FFE];
	[sflag:s23] =	ssyncadd.s32 $0xFFFFFFFF  }
0xab: {  	s26 =	simm.s32 $execute0_lowered;
	[smem:$0x3FD2] =	sst s25  }
0xac: {  	s5 =	sshll.u32 s26, $0x1;
	_ =	strace $0x80000046;
	[dreg:$0x1] =	wrdreg $0xFFFFFFFF  }
0xad: {  	s28 =	simm.s32 $_size_execute0_lowered;
	s3 =	sadd.s32 s3, s5;
	[dreg:$0x0] =	wrdreg $0x0  }
0xae: {  	s5 =	sshll.u32 s28, $0x1;
	[dreg:$0x2] =	wrdreg s3  }
0xaf: {  	[dreg:$0x3] =	wrdreg s5  }
0xb0: {  	[dreg:$0x4] =	wrdreg $0xC0  }
0xb1: {  	_ =	task [dreg:s7], $0x5FFFF  }
0xb2: {  	[dreg:$0x1] =	wrdreg $0xFFFFFFFF  }
0xb3: {  	[dreg:$0x0] =	wrdreg $0x60  }
0xb4: {  	[dreg:$0x2] =	wrdreg s16  }
0xb5: {  	[dreg:$0x3] =	wrdreg s24  }
0xb6: {  	[dreg:$0x4] =	wrdreg $0x9  }
0xb7: {  	_ =	task.clear_ibuf [dreg:s7], $0x5FFFF;
	_ =	strace $0x90000046  }
0xb8: {  	s29 =	simm.s32 $0x9;
	_ =	strace $0x80000048  }
0xb9: {  	_ =	swait.ge [sflag:s29], $0x1  }
0xba: {  	[sflag:s29] =	ssyncadd.s32 $0xFFFFFFFF  }
0xbb: {  	_ =	strace $0x90000048  }
0xbc: {  	_ =	sfence  }
0xbd: {  	s30 =	sld [smem:$0x0];
	_ =	sdelay $0x2  }
0xbe: {  	s31 =	sshll.u32 s1, $0xD;
	s1 =	sshrl.u32 s1, $0x2  }
0xbf: {  	s3 =	sand.u32 $0x4000, s31;
	s1 =	sadd.s32 s1, s30  }
0xc0: {  	s0 =	sor.u32 s3, s0;
	s1 =	sshll.u32 s1, $0x11  }
0xc1: {  	s0 =	sor.u32 s1, s0  }
0xc2: {  	s0 =	sadd.s32 $0x8F2B, s0  }
0xc3: {  	[sflag:s0] =	ssyncadd.remote.s32 $0x1  }
0xc4: {  	_ =	sfence.sel $0xFFFF  }
0xc5: {  	[dreg:$0x0] =	wrdreg $0xFFFFFFFF;
	(pc) =	sbr.abs _section_cstart, $3  }
0xc6: {  	[dreg:$0x1] =	wrdreg $0xFFFFFFFF  }
0xc7: {  	_ =	task.clear_ibuf [dreg:s7], $0x2FFFF;
	_ =	strace $0x9FFFFFFF  }
0xc8: {  	(tm) =	ssettm $0x7FFFFFFF  }
0xc9: {  	_ =	shalt  }
tec
execute0_lowered:
.L_overlay_start_1:
0x0: {  	(tag) =	ssettag $0x1  }
0x1: {  	s0 =	rddreg [dreg:$0x1];
	s3 =	simm.s32 $0x0;
	s16 =	stileid.u32  }
0x2: {  	s2 =	srdreg.scid;
	s30 =	simm.s32 $0xD;
	s13 =	smul.u32 $0x4E20, s16  }
0x3: {  	s28 =	simm.s32 $0xC;
	s2 =	sand.u32 $0x1, s2;
	s26 =	smul.u32 $0x4E200, s16  }
0x4: {  	[smem:$0x7FF] =	sst s3;
	s5 =	sshll.u32 s16, $0x1;
	s15 =	smul.u32 $0x2710, s2  }
0x5: {  	s4 =	sadd.s32 $0x4000, s0;
	s5 =	sor.u32 s2, s5;
	s29 =	smul.u32 $0x27100, s2  }
0x6: {  	s6 =	sadd.s32 $0xDE00, s0;
	s9 =	sadd.s32 $0x3F600, s0;
	s8 =	smul.u32 $0x2710, s5  }
0x7: {  	s12 =	sadd.s32 $0x521600, s0;
	s7 =	ssub.s32 $0x2, s2;
	s11 =	smul.u32 $0x138800, s5  }
0x8: {  	_ =	strace $0x80000047;
	s10 =	sshrl.u32 s7, $0x1;
	s5 =	smul.u32 $0x27100, s5  }
0x9: {  	s7 =	ssub.s32 s7, s10;
	s13 =	sadd.s32 s15, s13;
	s15 =	sadd.s32 s26, s12  }
0xa: {  	s11 =	sshrl.u32 s11, $0x3;
	s14 =	sadd.s32 s9, s5;
	[dreg:$0x14] =	wrdreg s15  }
0xb: {  	s5 =	sadd.s32 s12, s5;
	[dreg:$0x9] =	wrdreg s14;
	s17 =	sadd.s32 $0x25D00, s11  }
0xc: {  	s10 =	sshrl.u32 s8, $0x3;
	[dreg:$0xa] =	wrdreg s5;
	s18 =	sadd.s32 s9, s17  }
0xd: {  	s20 =	sadd.s32 $0x26200, s11;
	s19 =	sadd.s32 s12, s17;
	[dreg:$0xb] =	wrdreg s18  }
0xe: {  	s5 =	sadd.s32 $0x26C0, s8;
	s21 =	sadd.s32 s9, s20;
	[dreg:$0xc] =	wrdreg s19  }
0xf: {  	s11 =	sadd.s32 $0x26700, s11;
	s8 =	sadd.s32 s12, s20;
	[dreg:$0xd] =	wrdreg s21  }
0x10: {  	s22 =	sadd.s32 $0x1E0, s13;
	s23 =	sadd.s32 s9, s11;
	[dreg:$0xe] =	wrdreg s8  }
0x11: {  	s24 =	sshrl.u32 s22, $0x3;
	s11 =	sadd.s32 s12, s11;
	[dreg:$0xf] =	wrdreg s23  }
0x12: {  	s25 =	sshll.u32 s5, $0x4;
	s14 =	sadd.s32 s24, s6;
	[dreg:$0x10] =	wrdreg s11  }
0x13: {  	s2 =	simm.s32 $0xA280;
	[dreg:$0x3] =	wrdreg s14;
	s31 =	sadd.s32 s9, s25  }
0x14: {  	s1 =	sadd.s32 $0x190, s13;
	s8 =	sadd.s32 s24, s4;
	[dreg:$0x11] =	wrdreg s31  }
0x15: {  	s22 =	sadd.s32 $0x14, s10;
	s11 =	sadd.s32 s12, s25;
	[dreg:$0x4] =	wrdreg s8  }
0x16: {  	s17 =	sadd.s32 $0x140, s13;
	s9 =	sadd.s32 s26, s9;
	[dreg:$0x12] =	wrdreg s11  }
0x17: {  	s5 =	sshrl.u32 s5, $0x3;
	s23 =	sadd.s32 s4, s22;
	[dreg:$0x13] =	wrdreg s9  }
0x18: {  	s18 =	sshrl.u32 s17, $0x3;
	s24 =	sadd.s32 s4, s10;
	[dreg:$0x17] =	wrdreg s23  }
0x19: {  	s19 =	sadd.s32 $0xA, s10;
	s25 =	sadd.s32 s6, s10;
	[dreg:$0x19] =	wrdreg s24  }
0x1a: {  	s26 =	sadd.s32 $0x1E, s10;
	s20 =	sadd.s32 s18, s6;
	[dreg:$0x1a] =	wrdreg s25  }
0x1b: {  	s8 =	sshrl.u32 s1, $0x3;
	s21 =	sadd.s32 s4, s19;
	[dreg:$0x7] =	wrdreg s20  }
0x1c: {  	s11 =	sadd.s32 s6, s19;
	s10 =	sadd.s32 s4, s26;
	[dreg:$0x15] =	wrdreg s21  }
0x1d: {  	s31 =	smax.u32 s7, $0x1;
	s9 =	simm.s32 $0xA200;
	[dreg:$0x16] =	wrdreg s11  }
0x1e: {  	s19 =	simm.s32 $0x5;
	s23 =	simm.s32 $0x9;
	[dreg:$0x1b] =	wrdreg s10  }
0x1f: {  	s24 =	simm.s32 $0xA;
	s16 =	sadd.s32 s8, s6;
	[dreg:$0x1f] =	wrdreg s31  }
0x20: {  	s25 =	simm.s32 $0xB;
	s8 =	sadd.s32 s8, s4;
	[dreg:$0x5] =	wrdreg s16  }
0x21: {  	s1 =	simm.s32 $0x0;
	[dreg:$0x6] =	wrdreg s8;
	s8 =	sadd.s32 s6, s22  }
0x22: {  	s20 =	simm.s32 $0x6;
	[dreg:$0x18] =	wrdreg s8;
	s8 =	sadd.s32 s6, s26  }
0x23: {  	s21 =	simm.s32 $0x7;
	s6 =	sadd.s32 s6, s5;
	[dreg:$0x1c] =	wrdreg s8  }
0x24: {  	s22 =	simm.s32 $0x8;
	s5 =	sadd.s32 s4, s5;
	[dreg:$0x1d] =	wrdreg s6  }
0x25: {  	s4 =	sadd.s32 s18, s4;
	s26 =	sadd.s32 $0x18400, s0;
	[dreg:$0x1e] =	wrdreg s5  }
0x26: {  	s18 =	simm.s32 $0x4;
	[dreg:$0x8] =	wrdreg s4;
	s6 =	simm.s32 $0x50  }
.LBB2_1:
0x27: {  	[smem:$0x7FD] =	sst s1  }
0x28: {  	s0 =	rddreg [dreg:$0x19]  }
0x29: {  	[tilespmem:s3], [sflag:$0xD] =	stream.linear.gather [hbm4b:s0+s3], $0x50, $0x38;
	[tilespmem:$0xF300] =	vst v63  }
0x2a: {  	_ =	swait.ge [sflag:s30], $0x50  }
0x2b: {  	[sflag:s30] =	ssyncset.done $0x0  }
0x2c: {  	s12 =	simm.s32 $0x80;
	s11 =	rddreg [dreg:$0x1a];
	[sflag:s30] =	ssyncadd.s32 $0xFFFFFFB0  }
0x2d: {  	[tilespmem:s12], [sflag:$0xD] =	stream.linear.gather [hbm4b:s11+s3], $0x50, $0x38;
	[tilespmem:$0xF300] =	vst v63  }
0x2e: {  	_ =	swait.ge [sflag:s30], $0x50  }
0x2f: {  	[sflag:s30] =	ssyncset.done $0x0  }
0x30: {  	s8 =	simm.s32 $0x5100;
	s13 =	rddreg [dreg:$0x15];
	[sflag:s30] =	ssyncadd.s32 $0xFFFFFFB0  }
0x31: {  	[tilespmem:s8], [sflag:$0xD] =	stream.linear.gather [hbm4b:s13+s3], $0x50, $0x38;
	[tilespmem:$0xF300] =	vst v63  }
0x32: {  	_ =	swait.ge [sflag:s30], $0x50  }
0x33: {  	[sflag:s30] =	ssyncset.done $0x0  }
0x34: {  	s15 =	simm.s32 $0x5180;
	s14 =	rddreg [dreg:$0x16];
	[sflag:s30] =	ssyncadd.s32 $0xFFFFFFB0  }
0x35: {  	[tilespmem:s15], [sflag:$0xD] =	stream.linear.gather [hbm4b:s14+s3], $0x50, $0x38;
	[tilespmem:$0xF300] =	vst v63  }
0x36: {  	_ =	swait.ge [sflag:s30], $0x50  }
0x37: {  	[sflag:s30] =	ssyncset.done $0x0  }
0x38: {  	s16 =	rddreg [dreg:$0x17];
	[sflag:s30] =	ssyncadd.s32 $0xFFFFFFB0  }
0x39: {  	[tilespmem:s9], [sflag:$0xD] =	stream.linear.gather [hbm4b:s16+s3], $0x50, $0x38;
	[tilespmem:$0xF300] =	vst v63  }
0x3a: {  	_ =	swait.ge [sflag:s30], $0x50  }
0x3b: {  	[sflag:s30] =	ssyncset.done $0x0  }
0x3c: {  	s17 =	rddreg [dreg:$0x18];
	[sflag:s30] =	ssyncadd.s32 $0xFFFFFFB0  }
0x3d: {  	[tilespmem:s2], [sflag:$0xD] =	stream.linear.gather [hbm4b:s17+s3], $0x50, $0x38;
	[tilespmem:$0xF300] =	vst v63  }
0x3e: {  	_ =	swait.ge [sflag:s30], $0x50  }
0x3f: {  	[sflag:s30] =	ssyncset.done $0x0  }
0x40: {  	[sflag:s30] =	ssyncadd.s32 $0xFFFFFFB0  }
0x41: {  	s12 =	simm.s32 $0x100;
	s5 =	rddreg [dreg:$0x0]  }
0x42: {  	[tilespmem:s12], [sflag:$0x1] =	stream.indirect.gather [hbm4b:s5+s6], $0x80, s3, s6, $0xb8;
	[tilespmem:$0xF300] =	vst v63  }
0x43: {  	s4 =	simm.s32 $0x80;
	s16 =	simm.s32 $0x2900  }
0x44: {  	[tilespmem:s16], [sflag:$0x2] =	stream.indirect.gather [hbm4b:s26+s6], $0x80, s4, s6, $0xb8;
	[tilespmem:$0xF300] =	vst v63  }
0x45: {  	s11 =	simm.s32 $0x5200  }
0x46: {  	[tilespmem:s11], [sflag:$0x5] =	stream.indirect.gather [hbm4b:s5+s6], $0x80, s8, s6, $0xb8;
	[tilespmem:$0xF300] =	vst v63  }
0x47: {  	s13 =	simm.s32 $0x7A00  }
0x48: {  	[tilespmem:s13], [sflag:$0x6] =	stream.indirect.gather [hbm4b:s26+s6], $0x80, s15, s6, $0xb8;
	[tilespmem:$0xF300] =	vst v63  }
0x49: {  	s1 =	simm.s32 $0xA300  }
0x4a: {  	[tilespmem:s1], [sflag:$0x9] =	stream.indirect.gather [hbm4b:s5+s6], $0x80, s9, s6, $0xb8;
	[tilespmem:$0xF300] =	vst v63  }
0x4b: {  	s7 =	simm.s32 $0xCB00;
	s17 =	simm.s32 $0x1  }
0x4c: {  	[tilespmem:s7], [sflag:$0xA] =	stream.indirect.gather [hbm4b:s26+s6], $0x80, s2, s6, $0xb8;
	[tilespmem:$0xF300] =	vst v63  }
0x4d: {  	_ =	swait.ge [sflag:s17], $0x2800  }
0x4e: {  	[sflag:s17] =	ssyncset.done $0x0  }
0x4f: {  	s1 =	simm.s32 $0x2;
	[sflag:s17] =	ssyncadd.s32 $0xFFFFD800  }
0x50: {  	_ =	swait.ge [sflag:s1], $0x2800  }
0x51: {  	[sflag:s1] =	ssyncset.done $0x0  }
0x52: {  	s10 =	rddreg [dreg:$0x9];
	[sflag:s1] =	ssyncadd.s32 $0xFFFFD800  }
0x53: {  	[hbm4b:s10+s3] =	stream.linear.scatter [tilespmem:s12], [sflag:$0x3], $0x2800, $0x38;
	[tilespmem:$0xF300] =	vst v63  }
0x54: {  	s14 =	rddreg [dreg:$0xa]  }
0x55: {  	[hbm4b:s14+s3] =	stream.linear.scatter [tilespmem:s16], [sflag:$0x4], $0x2800, $0x38;
	[tilespmem:$0xF300] =	vst v63  }
0x56: {  	s2 =	rddreg [dreg:$0x1b]  }
0x57: {  	[tilespmem:s3], [sflag:$0xD] =	stream.linear.gather [hbm4b:s2+s3], $0x50, $0x38;
	[tilespmem:$0xF300] =	vst v63  }
0x58: {  	_ =	swait.ge [sflag:s30], $0x50  }
0x59: {  	[sflag:s30] =	ssyncset.done $0x0  }
0x5a: {  	s7 =	rddreg [dreg:$0x1c];
	[sflag:s30] =	ssyncadd.s32 $0xFFFFFFB0  }
0x5b: {  	[tilespmem:s4], [sflag:$0xD] =	stream.linear.gather [hbm4b:s7+s3], $0x50, $0x38;
	[tilespmem:$0xF300] =	vst v63  }
0x5c: {  	_ =	swait.ge [sflag:s30], $0x50  }
0x5d: {  	[sflag:s30] =	ssyncset.done $0x0  }
0x5e: {  	s10 =	simm.s32 $0x3;
	[sflag:s30] =	ssyncadd.s32 $0xFFFFFFB0  }
0x5f: {  	_ =	swait.ge [sflag:s10], $0x2800  }
0x60: {  	[sflag:s10] =	ssyncset.done $0x0  }
0x61: {  	[sflag:s10] =	ssyncadd.s32 $0xFFFFD800  }
0x62: {  	_ =	swait.ge [sflag:s18], $0x2800  }
0x63: {  	[sflag:s18] =	ssyncset.done $0x0  }
0x64: {  	[sflag:s18] =	ssyncadd.s32 $0xFFFFD800  }
0x65: {  	[tilespmem:s12], [sflag:$0x1] =	stream.indirect.gather [hbm4b:s5+s6], $0x80, s3, s6, $0xb8;
	[tilespmem:$0xF300] =	vst v63  }
0x66: {  	_ = 	snop  }
0x67: {  	[tilespmem:s16], [sflag:$0x2] =	stream.indirect.gather [hbm4b:s26+s6], $0x80, s4, s6, $0xb8;
	[tilespmem:$0xF300] =	vst v63  }
0x68: {  	_ =	swait.ge [sflag:s19], $0x2800  }
0x69: {  	[sflag:s19] =	ssyncset.done $0x0  }
0x6a: {  	[sflag:s19] =	ssyncadd.s32 $0xFFFFD800  }
0x6b: {  	_ =	swait.ge [sflag:s20], $0x2800  }
0x6c: {  	s7 =	rddreg [dreg:$0x13]  }
0x6d: {  	[sflag:s20] =	ssyncset.done $0x0;
	s31 =	rddreg [dreg:$0x14];
	s2 =	sadd.s32 s7, s29  }
0x6e: {  	s0 =	sadd.s32 s31, s29;
	[sflag:s20] =	ssyncadd.s32 $0xFFFFD800;
	s4 =	sadd.s32 $0x500, s2  }
0x6f: {  	[hbm4b:s4+s3] =	stream.linear.scatter [tilespmem:s11], [sflag:$0x7], $0x2800, $0x38;
	[tilespmem:$0xF300] =	vst v63  }
0x70: {  	s14 =	rddreg [dreg:$0x8];
	s4 =	sadd.s32 $0x500, s0  }
0x71: {  	[hbm4b:s4+s3] =	stream.linear.scatter [tilespmem:s13], [sflag:$0x8], $0x2800, $0x38;
	[tilespmem:$0xF300] =	vst v63  }
0x72: {  	s14 =	sadd.s32 $0x0, s14  }
0x73: {  	[tilespmem:s8], [sflag:$0xD] =	stream.linear.gather [hbm4b:s14+s3], $0x50, $0x38;
	[tilespmem:$0xF300] =	vst v63  }
0x74: {  	_ =	swait.ge [sflag:s30], $0x50  }
0x75: {  	s14 =	rddreg [dreg:$0x7];
	[sflag:s30] =	ssyncset.done $0x0  }
0x76: {  	[sflag:s30] =	ssyncadd.s32 $0xFFFFFFB0;
	s4 =	sadd.s32 $0x0, s14  }
0x77: {  	[tilespmem:s15], [sflag:$0xD] =	stream.linear.gather [hbm4b:s4+s3], $0x50, $0x38;
	[tilespmem:$0xF300] =	vst v63  }
0x78: {  	_ =	swait.ge [sflag:s30], $0x50  }
0x79: {  	[sflag:s30] =	ssyncset.done $0x0  }
0x7a: {  	[sflag:s30] =	ssyncadd.s32 $0xFFFFFFB0  }
0x7b: {  	_ =	swait.ge [sflag:s21], $0x2800  }
0x7c: {  	[sflag:s21] =	ssyncset.done $0x0  }
0x7d: {  	[sflag:s21] =	ssyncadd.s32 $0xFFFFD800  }
0x7e: {  	_ =	swait.ge [sflag:s22], $0x2800  }
0x7f: {  	[sflag:s22] =	ssyncset.done $0x0  }
0x80: {  	[sflag:s22] =	ssyncadd.s32 $0xFFFFD800  }
0x81: {  	[tilespmem:s11], [sflag:$0x5] =	stream.indirect.gather [hbm4b:s5+s6], $0x80, s8, s6, $0xb8;
	[tilespmem:$0xF300] =	vst v63  }
0x82: {  	_ = 	snop  }
0x83: {  	[tilespmem:s13], [sflag:$0x6] =	stream.indirect.gather [hbm4b:s26+s6], $0x80, s15, s6, $0xb8;
	[tilespmem:$0xF300] =	vst v63  }
0x84: {  	_ =	swait.ge [sflag:s23], $0x2800  }
0x85: {  	[sflag:s23] =	ssyncset.done $0x0  }
0x86: {  	[sflag:s23] =	ssyncadd.s32 $0xFFFFD800  }
0x87: {  	_ =	swait.ge [sflag:s24], $0x2800  }
0x88: {  	[sflag:s24] =	ssyncset.done $0x0  }
0x89: {  	s14 =	sadd.s32 $0xA00, s2;
	s11 =	simm.s32 $0xA300;
	[sflag:s24] =	ssyncadd.s32 $0xFFFFD800  }
0x8a: {  	[hbm4b:s14+s3] =	stream.linear.scatter [tilespmem:s11], [sflag:$0xB], $0x2800, $0x38;
	[tilespmem:$0xF300] =	vst v63  }
0x8b: {  	s8 =	simm.s32 $0xCB00;
	s13 =	sadd.s32 $0xA00, s0;
	s15 =	rddreg [dreg:$0x6]  }
0x8c: {  	[hbm4b:s13+s3] =	stream.linear.scatter [tilespmem:s8], [sflag:$0xC], $0x2800, $0x38;
	[tilespmem:$0xF300] =	vst v63  }
0x8d: {  	s15 =	sadd.s32 $0x0, s15  }
0x8e: {  	[tilespmem:s9], [sflag:$0xD] =	stream.linear.gather [hbm4b:s15+s3], $0x50, $0x38;
	[tilespmem:$0xF300] =	vst v63  }
0x8f: {  	_ =	swait.ge [sflag:s30], $0x50  }
0x90: {  	s13 =	rddreg [dreg:$0x5];
	[sflag:s30] =	ssyncset.done $0x0  }
0x91: {  	s10 =	simm.s32 $0xA280;
	[sflag:s30] =	ssyncadd.s32 $0xFFFFFFB0;
	s4 =	sadd.s32 $0x0, s13  }
0x92: {  	[tilespmem:s10], [sflag:$0xD] =	stream.linear.gather [hbm4b:s4+s3], $0x50, $0x38;
	[tilespmem:$0xF300] =	vst v63  }
0x93: {  	_ =	swait.ge [sflag:s30], $0x50  }
0x94: {  	[sflag:s30] =	ssyncset.done $0x0  }
0x95: {  	[sflag:s30] =	ssyncadd.s32 $0xFFFFFFB0  }
0x96: {  	_ =	swait.ge [sflag:s25], $0x2800  }
0x97: {  	[sflag:s25] =	ssyncset.done $0x0  }
0x98: {  	[sflag:s25] =	ssyncadd.s32 $0xFFFFD800  }
0x99: {  	_ =	swait.ge [sflag:s28], $0x2800  }
0x9a: {  	[sflag:s28] =	ssyncset.done $0x0  }
0x9b: {  	[sflag:s28] =	ssyncadd.s32 $0xFFFFD800  }
0x9c: {  	[tilespmem:s11], [sflag:$0x9] =	stream.indirect.gather [hbm4b:s5+s6], $0x80, s9, s6, $0xb8;
	[tilespmem:$0xF300] =	vst v63  }
0x9d: {  	_ = 	snop  }
0x9e: {  	[tilespmem:s8], [sflag:$0xA] =	stream.indirect.gather [hbm4b:s26+s6], $0x80, s10, s6, $0xb8;
	[tilespmem:$0xF300] =	vst v63  }
0x9f: {  	_ =	swait.ge [sflag:s17], $0x2800  }
0xa0: {  	[sflag:s17] =	ssyncset.done $0x0  }
0xa1: {  	[sflag:s17] =	ssyncadd.s32 $0xFFFFD800  }
0xa2: {  	_ =	swait.ge [sflag:s1], $0x2800  }
0xa3: {  	[sflag:s1] =	ssyncset.done $0x0  }
0xa4: {  	s2 =	sadd.s32 $0xF00, s2;
	[sflag:s1] =	ssyncadd.s32 $0xFFFFD800  }
0xa5: {  	[hbm4b:s2+s3] =	stream.linear.scatter [tilespmem:s12], [sflag:$0x3], $0x2800, $0x38;
	[tilespmem:$0xF300] =	vst v63  }
0xa6: {  	s0 =	sadd.s32 $0xF00, s0;
	s14 =	rddreg [dreg:$0x4]  }
0xa7: {  	[hbm4b:s0+s3] =	stream.linear.scatter [tilespmem:s16], [sflag:$0x4], $0x2800, $0x38;
	[tilespmem:$0xF300] =	vst v63  }
0xa8: {  	s15 =	sadd.s32 $0x0, s14  }
0xa9: {  	[tilespmem:s3], [sflag:$0xD] =	stream.linear.gather [hbm4b:s15+s3], $0x50, $0x38;
	[tilespmem:$0xF300] =	vst v63  }
0xaa: {  	_ =	swait.ge [sflag:s30], $0x50  }
0xab: {  	s16 =	rddreg [dreg:$0x3];
	[sflag:s30] =	ssyncset.done $0x0  }
0xac: {  	s17 =	simm.s32 $0x80;
	[sflag:s30] =	ssyncadd.s32 $0xFFFFFFB0;
	s0 =	sadd.s32 $0x0, s16  }
0xad: {  	[tilespmem:s17], [sflag:$0xD] =	stream.linear.gather [hbm4b:s0+s3], $0x50, $0x38;
	[tilespmem:$0xF300] =	vst v63  }
0xae: {  	_ =	swait.ge [sflag:s30], $0x50  }
0xaf: {  	s14 =	smov.u32 s7;
	s15 =	simm.s32 $0x1E;
	[sflag:s30] =	ssyncset.done $0x0  }
.LBB2_2:
0xb0: {  	[sflag:s30] =	ssyncadd.s32 $0xFFFFFFB0;
	s1 =	simm.s32 $0x3  }
0xb1: {  	_ =	swait.ge [sflag:s1], $0x2800  }
0xb2: {  	[sflag:s1] =	ssyncset.done $0x0  }
0xb3: {  	[sflag:s1] =	ssyncadd.s32 $0xFFFFD800  }
0xb4: {  	_ =	swait.ge [sflag:s18], $0x2800  }
0xb5: {  	[sflag:s18] =	ssyncset.done $0x0  }
0xb6: {  	[sflag:s18] =	ssyncadd.s32 $0xFFFFD800  }
0xb7: {  	s11 =	simm.s32 $0x100;
	s13 =	rddreg [dreg:$0x0]  }
0xb8: {  	[tilespmem:s11], [sflag:$0x1] =	stream.indirect.gather [hbm4b:s13+s6], $0x80, s3, s6, $0xb8;
	[tilespmem:$0xF300] =	vst v63  }
0xb9: {  	s8 =	simm.s32 $0x80;
	s12 =	simm.s32 $0x2900  }
0xba: {  	[tilespmem:s12], [sflag:$0x2] =	stream.indirect.gather [hbm4b:s26+s6], $0x80, s8, s6, $0xb8;
	[tilespmem:$0xF300] =	vst v63  }
0xbb: {  	_ =	swait.ge [sflag:s19], $0x2800  }
0xbc: {  	[sflag:s19] =	ssyncset.done $0x0  }
0xbd: {  	s14 =	sadd.s32 $0xF00, s14;
	[sflag:s19] =	ssyncadd.s32 $0xFFFFD800  }
0xbe: {  	s31 =	sadd.s32 $0xF00, s31;
	s0 =	smov.u32 s15;
	_ =	swait.ge [sflag:s20], $0x2800  }
0xbf: {  	s4 =	sadd.s32 s14, s29;
	s2 =	sadd.s32 s31, s29;
	[sflag:s20] =	ssyncset.done $0x0  }
0xc0: {  	s5 =	sadd.s32 $0x500, s4;
	s1 =	simm.s32 $0x5200;
	[sflag:s20] =	ssyncadd.s32 $0xFFFFD800  }
0xc1: {  	[hbm4b:s5+s3] =	stream.linear.scatter [tilespmem:s1], [sflag:$0x7], $0x2800, $0x38;
	[tilespmem:$0xF300] =	vst v63  }
0xc2: {  	s16 =	simm.s32 $0x7A00;
	s17 =	sadd.s32 $0x500, s2;
	s7 =	rddreg [dreg:$0x8]  }
0xc3: {  	[hbm4b:s17+s3] =	stream.linear.scatter [tilespmem:s16], [sflag:$0x8], $0x2800, $0x38;
	[tilespmem:$0xF300] =	vst v63  }
0xc4: {  	s9 =	sadd.s32 s0, s7;
	s17 =	simm.s32 $0x5100  }
0xc5: {  	[tilespmem:s17], [sflag:$0xD] =	stream.linear.gather [hbm4b:s9+s3], $0x50, $0x38;
	[tilespmem:$0xF300] =	vst v63  }
0xc6: {  	_ =	swait.ge [sflag:s30], $0x50  }
0xc7: {  	s9 =	rddreg [dreg:$0x7];
	[sflag:s30] =	ssyncset.done $0x0  }
0xc8: {  	[sflag:s30] =	ssyncadd.s32 $0xFFFFFFB0;
	s5 =	sadd.s32 s0, s9;
	s9 =	simm.s32 $0x5180  }
0xc9: {  	[tilespmem:s9], [sflag:$0xD] =	stream.linear.gather [hbm4b:s5+s3], $0x50, $0x38;
	[tilespmem:$0xF300] =	vst v63  }
0xca: {  	_ =	swait.ge [sflag:s30], $0x50  }
0xcb: {  	[sflag:s30] =	ssyncset.done $0x0  }
0xcc: {  	[sflag:s30] =	ssyncadd.s32 $0xFFFFFFB0  }
0xcd: {  	_ =	swait.ge [sflag:s21], $0x2800  }
0xce: {  	[sflag:s21] =	ssyncset.done $0x0  }
0xcf: {  	[sflag:s21] =	ssyncadd.s32 $0xFFFFD800  }
0xd0: {  	_ =	swait.ge [sflag:s22], $0x2800  }
0xd1: {  	[sflag:s22] =	ssyncset.done $0x0  }
0xd2: {  	[sflag:s22] =	ssyncadd.s32 $0xFFFFD800  }
0xd3: {  	[tilespmem:s1], [sflag:$0x5] =	stream.indirect.gather [hbm4b:s13+s6], $0x80, s17, s6, $0xb8;
	[tilespmem:$0xF300] =	vst v63  }
0xd4: {  	_ = 	snop  }
0xd5: {  	[tilespmem:s16], [sflag:$0x6] =	stream.indirect.gather [hbm4b:s26+s6], $0x80, s9, s6, $0xb8;
	[tilespmem:$0xF300] =	vst v63  }
0xd6: {  	_ =	swait.ge [sflag:s23], $0x2800  }
0xd7: {  	[sflag:s23] =	ssyncset.done $0x0  }
0xd8: {  	[sflag:s23] =	ssyncadd.s32 $0xFFFFD800  }
0xd9: {  	_ =	swait.ge [sflag:s24], $0x2800  }
0xda: {  	[sflag:s24] =	ssyncset.done $0x0  }
0xdb: {  	s17 =	sadd.s32 $0xA00, s4;
	s1 =	simm.s32 $0xA300;
	[sflag:s24] =	ssyncadd.s32 $0xFFFFD800  }
0xdc: {  	[hbm4b:s17+s3] =	stream.linear.scatter [tilespmem:s1], [sflag:$0xB], $0x2800, $0x38;
	[tilespmem:$0xF300] =	vst v63  }
0xdd: {  	s16 =	sadd.s32 $0xA00, s2;
	s7 =	rddreg [dreg:$0x6];
	s17 =	simm.s32 $0xCB00  }
0xde: {  	[hbm4b:s16+s3] =	stream.linear.scatter [tilespmem:s17], [sflag:$0xC], $0x2800, $0x38;
	[tilespmem:$0xF300] =	vst v63  }
0xdf: {  	s9 =	simm.s32 $0xA200;
	s7 =	sadd.s32 s0, s7  }
0xe0: {  	[tilespmem:s9], [sflag:$0xD] =	stream.linear.gather [hbm4b:s7+s3], $0x50, $0x38;
	[tilespmem:$0xF300] =	vst v63  }
0xe1: {  	_ =	swait.ge [sflag:s30], $0x50  }
0xe2: {  	s16 =	rddreg [dreg:$0x5];
	[sflag:s30] =	ssyncset.done $0x0  }
0xe3: {  	[sflag:s30] =	ssyncadd.s32 $0xFFFFFFB0;
	s5 =	sadd.s32 s0, s16  }
0xe4: {  	[tilespmem:s10], [sflag:$0xD] =	stream.linear.gather [hbm4b:s5+s3], $0x50, $0x38;
	[tilespmem:$0xF300] =	vst v63  }
0xe5: {  	_ =	swait.ge [sflag:s30], $0x50  }
0xe6: {  	[sflag:s30] =	ssyncset.done $0x0  }
0xe7: {  	[sflag:s30] =	ssyncadd.s32 $0xFFFFFFB0  }
0xe8: {  	_ =	swait.ge [sflag:s25], $0x2800  }
0xe9: {  	[sflag:s25] =	ssyncset.done $0x0  }
0xea: {  	[sflag:s25] =	ssyncadd.s32 $0xFFFFD800  }
0xeb: {  	_ =	swait.ge [sflag:s28], $0x2800  }
0xec: {  	[sflag:s28] =	ssyncset.done $0x0  }
0xed: {  	[sflag:s28] =	ssyncadd.s32 $0xFFFFD800  }
0xee: {  	[tilespmem:s1], [sflag:$0x9] =	stream.indirect.gather [hbm4b:s13+s6], $0x80, s9, s6, $0xb8;
	[tilespmem:$0xF300] =	vst v63  }
0xef: {  	_ = 	snop  }
0xf0: {  	[tilespmem:s17], [sflag:$0xA] =	stream.indirect.gather [hbm4b:s26+s6], $0x80, s10, s6, $0xb8;
	[tilespmem:$0xF300] =	vst v63  }
0xf1: {  	s17 =	simm.s32 $0x1  }
0xf2: {  	_ =	swait.ge [sflag:s17], $0x2800  }
0xf3: {  	[sflag:s17] =	ssyncset.done $0x0  }
0xf4: {  	s5 =	simm.s32 $0x2;
	[sflag:s17] =	ssyncadd.s32 $0xFFFFD800  }
0xf5: {  	_ =	swait.ge [sflag:s5], $0x2800  }
0xf6: {  	[sflag:s5] =	ssyncset.done $0x0  }
0xf7: {  	s4 =	sadd.s32 $0xF00, s4;
	[sflag:s5] =	ssyncadd.s32 $0xFFFFD800  }
0xf8: {  	[hbm4b:s4+s3] =	stream.linear.scatter [tilespmem:s11], [sflag:$0x3], $0x2800, $0x38;
	[tilespmem:$0xF300] =	vst v63  }
0xf9: {  	s2 =	sadd.s32 $0xF00, s2;
	s7 =	rddreg [dreg:$0x4]  }
0xfa: {  	[hbm4b:s2+s3] =	stream.linear.scatter [tilespmem:s12], [sflag:$0x4], $0x2800, $0x38;
	[tilespmem:$0xF300] =	vst v63  }
0xfb: {  	s12 =	sadd.s32 s0, s7  }
0xfc: {  	[tilespmem:s3], [sflag:$0xD] =	stream.linear.gather [hbm4b:s12+s3], $0x50, $0x38;
	[tilespmem:$0xF300] =	vst v63  }
0xfd: {  	p0 =	sne.s32 s15, $0x492;
	_ =	swait.ge [sflag:s30], $0x50  }
.Ltmp0:
0xfe: {  	s17 =	rddreg [dreg:$0x3];
	[sflag:s30] =	ssyncset.done $0x0;
	(pc) =	sbr.rel @p0 .LBB2_2-.Ltmp0, $4  }
0xff: {  	[sflag:s30] =	ssyncadd.s32 $0xFFFFFFB0;
	s0 =	sadd.s32 s0, s17  }
0x100: {  	[tilespmem:s8], [sflag:$0xD] =	stream.linear.gather [hbm4b:s0+s3], $0x50, $0x38;
	[tilespmem:$0xF300] =	vst v63  }
0x101: {  	s15 =	sadd.s32 $0x1E, s15;
	s16 =	simm.s32 $0xA300;
	_ =	swait.ge [sflag:s30], $0x50  }
0x102: {  	s13 =	simm.s32 $0xCB00;
	s2 =	simm.s32 $0x80;
	[sflag:s30] =	ssyncset.done $0x0  }
0x103: {  	[sflag:s30] =	ssyncadd.s32 $0xFFFFFFB0;
	s11 =	simm.s32 $0x3  }
0x104: {  	_ =	swait.ge [sflag:s11], $0x2800  }
0x105: {  	[sflag:s11] =	ssyncset.done $0x0  }
0x106: {  	[sflag:s11] =	ssyncadd.s32 $0xFFFFD800  }
0x107: {  	_ =	swait.ge [sflag:s18], $0x2800  }
0x108: {  	[sflag:s18] =	ssyncset.done $0x0  }
0x109: {  	[sflag:s18] =	ssyncadd.s32 $0xFFFFD800  }
0x10a: {  	s5 =	simm.s32 $0x100;
	s8 =	rddreg [dreg:$0x0]  }
0x10b: {  	[tilespmem:s5], [sflag:$0x1] =	stream.indirect.gather [hbm4b:s8+s6], $0x80, s3, s6, $0xb8;
	[tilespmem:$0xF300] =	vst v63  }
0x10c: {  	s7 =	simm.s32 $0x2900  }
0x10d: {  	[tilespmem:s7], [sflag:$0x2] =	stream.indirect.gather [hbm4b:s26+s6], $0x80, s2, s6, $0xb8;
	[tilespmem:$0xF300] =	vst v63  }
0x10e: {  	_ =	swait.ge [sflag:s19], $0x2800  }
0x10f: {  	[sflag:s19] =	ssyncset.done $0x0  }
0x110: {  	[sflag:s19] =	ssyncadd.s32 $0xFFFFD800  }
0x111: {  	_ =	swait.ge [sflag:s20], $0x2800  }
0x112: {  	[sflag:s20] =	ssyncset.done $0x0  }
0x113: {  	s1 =	simm.s32 $0x5200;
	s0 =	rddreg [dreg:$0xb];
	[sflag:s20] =	ssyncadd.s32 $0xFFFFD800  }
0x114: {  	[hbm4b:s0+s3] =	stream.linear.scatter [tilespmem:s1], [sflag:$0x7], $0x2800, $0x38;
	[tilespmem:$0xF300] =	vst v63  }
0x115: {  	s10 =	simm.s32 $0x7A00;
	s14 =	rddreg [dreg:$0xc]  }
0x116: {  	[hbm4b:s14+s3] =	stream.linear.scatter [tilespmem:s10], [sflag:$0x8], $0x2800, $0x38;
	[tilespmem:$0xF300] =	vst v63  }
0x117: {  	s17 =	simm.s32 $0x5100;
	s15 =	rddreg [dreg:$0x1e]  }
0x118: {  	[tilespmem:s17], [sflag:$0xD] =	stream.linear.gather [hbm4b:s15+s3], $0x50, $0x38;
	[tilespmem:$0xF300] =	vst v63  }
0x119: {  	_ =	swait.ge [sflag:s30], $0x50  }
0x11a: {  	[sflag:s30] =	ssyncset.done $0x0  }
0x11b: {  	s4 =	simm.s32 $0x5180;
	s31 =	rddreg [dreg:$0x1d];
	[sflag:s30] =	ssyncadd.s32 $0xFFFFFFB0  }
0x11c: {  	[tilespmem:s4], [sflag:$0xD] =	stream.linear.gather [hbm4b:s31+s3], $0x50, $0x38;
	[tilespmem:$0xF300] =	vst v63  }
0x11d: {  	_ =	swait.ge [sflag:s30], $0x50  }
0x11e: {  	[sflag:s30] =	ssyncset.done $0x0  }
0x11f: {  	[sflag:s30] =	ssyncadd.s32 $0xFFFFFFB0  }
0x120: {  	_ =	swait.ge [sflag:s21], $0x2800  }
0x121: {  	[sflag:s21] =	ssyncset.done $0x0  }
0x122: {  	[sflag:s21] =	ssyncadd.s32 $0xFFFFD800  }
0x123: {  	_ =	swait.ge [sflag:s22], $0x2800  }
0x124: {  	[sflag:s22] =	ssyncset.done $0x0  }
0x125: {  	[sflag:s22] =	ssyncadd.s32 $0xFFFFD800  }
0x126: {  	[tilespmem:s1], [sflag:$0x5] =	stream.indirect.gather [hbm4b:s8+s6], $0x80, s17, s6, $0xb8;
	[tilespmem:$0xF300] =	vst v63  }
0x127: {  	_ = 	snop  }
0x128: {  	[tilespmem:s10], [sflag:$0x6] =	stream.indirect.gather [hbm4b:s26+s6], $0x80, s4, s6, $0xb8;
	[tilespmem:$0xF300] =	vst v63  }
0x129: {  	_ =	swait.ge [sflag:s23], $0x2800  }
0x12a: {  	[sflag:s23] =	ssyncset.done $0x0  }
0x12b: {  	[sflag:s23] =	ssyncadd.s32 $0xFFFFD800  }
0x12c: {  	_ =	swait.ge [sflag:s24], $0x2800  }
0x12d: {  	[sflag:s24] =	ssyncset.done $0x0  }
0x12e: {  	s2 =	rddreg [dreg:$0xd];
	[sflag:s24] =	ssyncadd.s32 $0xFFFFD800  }
0x12f: {  	[hbm4b:s2+s3] =	stream.linear.scatter [tilespmem:s16], [sflag:$0xB], $0x2800, $0x38;
	[tilespmem:$0xF300] =	vst v63  }
0x130: {  	s4 =	rddreg [dreg:$0xe]  }
0x131: {  	[hbm4b:s4+s3] =	stream.linear.scatter [tilespmem:s13], [sflag:$0xC], $0x2800, $0x38;
	[tilespmem:$0xF300] =	vst v63  }
0x132: {  	_ =	swait.ge [sflag:s25], $0x2800  }
0x133: {  	[sflag:s25] =	ssyncset.done $0x0  }
0x134: {  	[sflag:s25] =	ssyncadd.s32 $0xFFFFD800  }
0x135: {  	_ =	swait.ge [sflag:s28], $0x2800  }
0x136: {  	[sflag:s28] =	ssyncset.done $0x0  }
0x137: {  	s8 =	simm.s32 $0x1;
	[sflag:s28] =	ssyncadd.s32 $0xFFFFD800  }
0x138: {  	_ =	swait.ge [sflag:s8], $0x2800  }
0x139: {  	[sflag:s8] =	ssyncset.done $0x0  }
0x13a: {  	s12 =	simm.s32 $0x2;
	[sflag:s8] =	ssyncadd.s32 $0xFFFFD800  }
0x13b: {  	_ =	swait.ge [sflag:s12], $0x2800  }
0x13c: {  	[sflag:s12] =	ssyncset.done $0x0  }
0x13d: {  	s13 =	rddreg [dreg:$0xf];
	[sflag:s12] =	ssyncadd.s32 $0xFFFFD800  }
0x13e: {  	[hbm4b:s13+s3] =	stream.linear.scatter [tilespmem:s5], [sflag:$0x3], $0x2800, $0x38;
	[tilespmem:$0xF300] =	vst v63  }
0x13f: {  	s14 =	rddreg [dreg:$0x10]  }
0x140: {  	[hbm4b:s14+s3] =	stream.linear.scatter [tilespmem:s7], [sflag:$0x4], $0x2800, $0x38;
	[tilespmem:$0xF300] =	vst v63  }
0x141: {  	_ =	swait.ge [sflag:s11], $0x2800  }
0x142: {  	[sflag:s11] =	ssyncset.done $0x0  }
0x143: {  	[sflag:s11] =	ssyncadd.s32 $0xFFFFD800  }
0x144: {  	_ =	swait.ge [sflag:s18], $0x2800  }
0x145: {  	[sflag:s18] =	ssyncset.done $0x0  }
0x146: {  	[sflag:s18] =	ssyncadd.s32 $0xFFFFD800  }
0x147: {  	_ =	swait.ge [sflag:s19], $0x2800  }
0x148: {  	[sflag:s19] =	ssyncset.done $0x0  }
0x149: {  	[sflag:s19] =	ssyncadd.s32 $0xFFFFD800  }
0x14a: {  	_ =	swait.ge [sflag:s20], $0x2800  }
0x14b: {  	[sflag:s20] =	ssyncset.done $0x0  }
0x14c: {  	s15 =	rddreg [dreg:$0x11];
	[sflag:s20] =	ssyncadd.s32 $0xFFFFD800  }
0x14d: {  	[hbm4b:s15+s3] =	stream.linear.scatter [tilespmem:s1], [sflag:$0x7], $0x2800, $0x38;
	[tilespmem:$0xF300] =	vst v63  }
0x14e: {  	s16 =	rddreg [dreg:$0x12]  }
0x14f: {  	[hbm4b:s16+s3] =	stream.linear.scatter [tilespmem:s10], [sflag:$0x8], $0x2800, $0x38;
	[tilespmem:$0xF300] =	vst v63  }
0x150: {  	_ =	swait.ge [sflag:s21], $0x2800  }
0x151: {  	[sflag:s21] =	ssyncset.done $0x0  }
0x152: {  	[sflag:s21] =	ssyncadd.s32 $0xFFFFD800  }
0x153: {  	_ =	swait.ge [sflag:s22], $0x2800  }
0x154: {  	s17 =	sld [smem:$0x7FD];
	_ =	sdelay $0x2  }
0x155: {  	s31 =	rddreg [dreg:$0x1f];
	s1 =	sadd.s32 $0x1, s17  }
0x156: {  	p0 =	sne.s32 s1, s31  }
.Ltmp1:
0x157: {  	_ = 	snop;
	(pc) =	sbr.rel @p0 .LBB2_1-.Ltmp1, $3  }
0x158: {  	_ =	sdelay $0x1  }
0x159: {  	[sflag:s22] =	ssyncset.done $0x0  }
0x15a: {  	s2 =	simm.s32 $0xA280;
	[sflag:s22] =	ssyncadd.s32 $0xFFFFD800  }
0x15b: {  	_ =	sfence.sel $0x180000  }
0x15c: {  	[bflag:$0x0] =	sbarrier.arrive $0xFFFF  }
0x15d: {  	_ =	strace $0x90000047  }
0x15e: {  	s0 =	stileid.u32;
	[bflag:$0x2] =	sbarrier.arrive $0xFFFF  }
0x15f: {  	p0 =	sne.s32 s0, $0x0;
	s0 =	rddreg [dreg:$0x2]  }
0x160: {  	s0 =	sadd.s32 @!p0 $0x100000, s0  }
0x161: {  	[sflag:s0] =	ssyncadd.tile.s32 @!p0 $0x1;
	_ =	shalt  }
.Lfunc_end2:
_tile_overlayer_lowered:
.L_overlay_start_2:
0x162: {  	(tag) =	ssettag $0x2  }
0x163: {  	s0 =	rddreg [dreg:$0x0];
	s2 =	stileid.u32  }
0x164: {  	s1 =	rddreg [dreg:$0x1];
	p0 =	sne.s32 s2, $0x0  }
0x165: {  	s3 =	rddreg [dreg:$0x2];
	[bflag:$0x3] =	sbarrier.arrive $0xFFFF;
	s2 =	simm.s32 @!p0 $0x1C0D  }
0x166: {  	[timem:s3], [sflag:s2] =	dma.local @!p0 [hbm:s0], s1  }
0x167: {  	s0 =	simm.s32 @!p0 $0xD  }
0x168: {  	_ =	swait.ge @!p0 [sflag:s0], s1  }
0x169: {  	s1 =	ssub.s32 @!p0 $0x0, s1;
	[sflag:s0] =	ssyncset.done @!p0 $0x0  }
0x16a: {  	[sflag:s0] =	ssyncadd.s32 @!p0 s1  }
0x16b: {  	[bflag:$0x3] =	sbarrier.arrive $0xFFFF  }
0x16c: {  	_ =	shalt  }

</sc_bundles>
